<compile_context>
chip_gen: v7x
topology: tpu7x:2x2x1
jax: 0.10.2.dev20260603
libtpu: 0.0.44.dev20260713+nightly
codegen_flags: <defaults>
</compile_context>

<pallas_src>
import functools

import jax
import jax.numpy as jnp
from jax import lax
from jax.experimental import pallas as pl
from jax.experimental.pallas import tpu as pltpu
from jax.experimental.pallas import tpu_sc as plsc

N = 10000
D = 128
E = 320000
NC = 2
NS = 16
NW = NC * NS
L = 16
NPAD = 10240
STRIPE = NPAD // NS

CHUNK = 64
EPW = 10240
EP = NW * EPW
NCHUNK = EPW // CHUNK
GRP = 32
NG = NCHUNK // GRP
NBUF = 5
DCH = 128
DGRP = 5
DNG = EPW // (DCH * DGRP)

_mesh = plsc.VectorSubcoreMesh(core_axis_name="c", subcore_axis_name="s")


@functools.partial(
    pl.kernel,
    out_type=jax.ShapeDtypeStruct((NC, NPAD), jnp.float32),
    mesh=_mesh,
    scratch_types=[
        pltpu.VMEM((DGRP, DCH), jnp.int32),
        pltpu.VMEM((DCH,), jnp.float32),
        pltpu.VMEM((STRIPE,), jnp.float32),
        pltpu.VMEM_SHARED((NPAD,), jnp.float32),
        pltpu.SemaphoreType.DMA,
    ],
)
def _deg_kernel(dst_hbm, deg_hbm, dstv, onesv, zbuf, shacc, dsem):
    c = lax.axis_index("c")
    s = lax.axis_index("s")
    w = s * NC + c

    def _zero(i, _):
        zbuf[pl.ds(i * L, L)] = jnp.zeros((L,), jnp.float32)
        return 0

    lax.fori_loop(0, STRIPE // L, _zero, 0)

    def _ones(i, _):
        onesv[pl.ds(i * L, L)] = jnp.ones((L,), jnp.float32)
        return 0

    lax.fori_loop(0, DCH // L, _ones, 0)

    pltpu.sync_copy(zbuf, shacc.at[pl.ds(s * STRIPE, STRIPE)])
    plsc.subcore_barrier()

    def _group(g, _):
        pltpu.sync_copy(dst_hbm.at[w, g], dstv)
        for j in range(DGRP):
            pltpu.async_copy(onesv, shacc.at[dstv.at[j]], dsem, add=True)
        for j in range(DGRP):
            pltpu.make_async_copy(onesv, shacc.at[dstv.at[j]], dsem).wait()
        return 0

    lax.fori_loop(0, DNG, _group, 0)
    plsc.subcore_barrier()
    pltpu.sync_copy(shacc.at[pl.ds(s * STRIPE, STRIPE)],
                    deg_hbm.at[c, pl.ds(s * STRIPE, STRIPE)])


@functools.partial(
    pl.kernel,
    out_type=jax.ShapeDtypeStruct((NC, NPAD, D), jnp.float32),
    mesh=_mesh,
    scratch_types=[
        pltpu.VMEM((GRP, CHUNK), jnp.int32),
        pltpu.VMEM((GRP, CHUNK), jnp.int32),
        [pltpu.VMEM((CHUNK, D), jnp.float32)] * NBUF,
        [pltpu.SemaphoreType.DMA] * NBUF,
        [pltpu.SemaphoreType.DMA] * NBUF,
        pltpu.VMEM_SHARED((NPAD, D), jnp.float32),
    ],
)
def _edge_kernel(y_hbm, src_hbm, dst_hbm, acc_hbm, srcv, dstv, bufs,
                 gsems, ssems, shacc):
    c = lax.axis_index("c")
    s = lax.axis_index("s")
    w = s * NC + c

    def _zero(i, _):
        r = i // (D // L)
        q = i % (D // L)
        bufs[0][r, pl.ds(q * L, L)] = jnp.zeros((L,), jnp.float32)
        return 0

    lax.fori_loop(0, CHUNK * (D // L), _zero, 0)

    def _zcopy(k, _):
        pltpu.sync_copy(bufs[0], shacc.at[pl.ds(s * STRIPE + k * CHUNK, CHUNK)])
        return 0

    lax.fori_loop(0, STRIPE // CHUNK, _zcopy, 0)
    plsc.subcore_barrier()

    def _group(g, _):
        pltpu.sync_copy(src_hbm.at[w, g], srcv)
        pltpu.sync_copy(dst_hbm.at[w, g], dstv)
        for k in range(NBUF - 1):
            pltpu.async_copy(y_hbm.at[srcv.at[k]], bufs[k], gsems[k])
        for k in range(GRP):
            b = k % NBUF
            pltpu.make_async_copy(y_hbm.at[srcv.at[k]], bufs[b],
                                  gsems[b]).wait()
            pltpu.async_copy(bufs[b], shacc.at[dstv.at[k]], ssems[b],
                             add=True)
            if k + NBUF - 1 < GRP:
                nb = (k + NBUF - 1) % NBUF
                if k - 1 >= 0:
                    pltpu.make_async_copy(bufs[nb], shacc.at[dstv.at[k - 1]],
                                          ssems[nb]).wait()
                pltpu.async_copy(y_hbm.at[srcv.at[k + NBUF - 1]], bufs[nb],
                                 gsems[nb])
        for k in range(GRP - NBUF, GRP):
            b = k % NBUF
            pltpu.make_async_copy(bufs[b], shacc.at[dstv.at[k]],
                                  ssems[b]).wait()
        return 0

    lax.fori_loop(0, NG, _group, 0)
    plsc.subcore_barrier()
    pltpu.sync_copy(shacc.at[pl.ds(s * STRIPE, STRIPE)],
                    acc_hbm.at[c, pl.ds(s * STRIPE, STRIPE)])


BLK = 2000


def _scale_mm_body(x_ref, w_ref, dega_ref, degb_ref, y_ref, dinv_ref):
    deg = dega_ref[...] + degb_ref[...] + 1.0
    dinv = lax.rsqrt(deg)
    dinv_ref[...] = dinv
    xw = jnp.dot(x_ref[...], w_ref[...], preferred_element_type=jnp.float32)
    y_ref[...] = xw * dinv


def _combine_body(acc_ref, y_ref, dinv_ref, b_ref, z_ref):
    t = acc_ref[0] + acc_ref[1] + y_ref[...]
    z_ref[...] = t * dinv_ref[...] + b_ref[...]


def kernel(edges, features, W1, b1, W2, b2):
    npad_e = EP - E
    padidx = N + jnp.arange(npad_e, dtype=jnp.int32) % (NPAD - N)
    src = jnp.concatenate([edges[0], padidx]).reshape(NW, NG, GRP, CHUNK)
    dstflat = jnp.concatenate([edges[1], padidx])
    dst = dstflat.reshape(NW, NG, GRP, CHUNK)

    deg = _deg_kernel(dstflat.reshape(NW, DNG, DGRP, DCH))
    dega = deg[0].reshape(NPAD, 1)
    degb = deg[1].reshape(NPAD, 1)

    grid = N // BLK
    y, dinv = pl.pallas_call(
        _scale_mm_body,
        grid=(grid,),
        in_specs=[
            pl.BlockSpec((BLK, D), lambda j: (j, 0)),
            pl.BlockSpec((D, D), lambda j: (0, 0)),
            pl.BlockSpec((BLK, 1), lambda j: (j, 0)),
            pl.BlockSpec((BLK, 1), lambda j: (j, 0)),
        ],
        out_specs=[
            pl.BlockSpec((BLK, D), lambda j: (j, 0)),
            pl.BlockSpec((BLK, 1), lambda j: (j, 0)),
        ],
        out_shape=[
            jax.ShapeDtypeStruct((NPAD, D), jnp.float32),
            jax.ShapeDtypeStruct((N, 1), jnp.float32),
        ],
    )(features, W2, dega, degb)

    acc = _edge_kernel(y, src, dst)

    z = pl.pallas_call(
        _combine_body,
        grid=(grid,),
        in_specs=[
            pl.BlockSpec((NC, BLK, D), lambda j: (0, j, 0)),
            pl.BlockSpec((BLK, D), lambda j: (j, 0)),
            pl.BlockSpec((BLK, 1), lambda j: (j, 0)),
            pl.BlockSpec((1, D), lambda j: (0, 0)),
        ],
        out_specs=pl.BlockSpec((BLK, D), lambda j: (j, 0)),
        out_shape=jax.ShapeDtypeStruct((N, D), jnp.float32),
    )(acc, y, dinv, b2.reshape(1, D))
    return z

# --- scband reference (transcript-rebuilt; emitter-appended) ---
"""Pipeline reference for scband-encoder-66520453480545 (READ-ONLY COPY).

The authoritative reference and input builder live on the scoring server;
editing this copy changes nothing except your own understanding.
"""

import jax, jax.numpy as jnp
import numpy as np

N = 10000
E = 320000
D_IN = 128
D_HID = 128
D_OUT = 128


def gcn_conv(x, edge_index, W, b):
    # GCN convolution: A_hat = D^-1/2 (A + I) D^-1/2 ; out = A_hat @ (x @ W) + b
    src = edge_index[0]
    dst = edge_index[1]
    n = x.shape[0]
    loop = jnp.arange(n, dtype=src.dtype)
    src = jnp.concatenate([src, loop])
    dst = jnp.concatenate([dst, loop])
    deg = jnp.zeros((n,), x.dtype).at[dst].add(1.0)
    dinv = jnp.where(deg > 0, jax.lax.rsqrt(deg), 0.0)
    norm = dinv[src] * dinv[dst]
    xw = x @ W
    msg = xw[src] * norm[:, None]
    out = jnp.zeros((n, W.shape[1]), x.dtype).at[dst].add(msg)
    return out + b


def setup_inputs(seed: int = 0) -> dict:
    key = jax.random.key(seed)
    k1, k2, k3, k4, k5, k6 = jax.random.split(key, 6)
    features = jax.random.normal(k1, (N, D_IN), dtype=jnp.float32)
    edges = jax.random.randint(k2, (2, E), 0, N, dtype=jnp.int32)
    s1 = float(np.sqrt(6.0 / (D_IN + D_HID)))
    s2 = float(np.sqrt(6.0 / (D_IN + D_OUT)))
    W1 = jax.random.uniform(k3, (D_IN, D_HID), dtype=jnp.float32, minval=-s1, maxval=s1)
    b1 = jnp.zeros((D_HID,), dtype=jnp.float32)
    W2 = jax.random.uniform(k4, (D_IN, D_OUT), dtype=jnp.float32, minval=-s2, maxval=s2)
    b2 = jnp.zeros((D_OUT,), dtype=jnp.float32)
    return {"edges": edges, "features": features, "W1": W1, "b1": b1, "W2": W2, "b2": b2}


def reference(edges, features, W1, b1, W2, b2):
    # Faithful to the torch module: conv1 output is computed (and relu'd) but
    # conv2 is applied to the ORIGINAL features; only z is returned.
    x = jax.nn.relu(gcn_conv(features, edges, W1, b1))
    z = gcn_conv(features, edges, W2, b2)
    return z

if __name__ == "__main__":
    import jax
    _d = setup_inputs()
    print(jax.jit(kernel)(*tuple(_d.values())))

</pallas_src>

<mosaic_0001>
#map = affine_map<(d0, d1) -> (0, 0)>
#map1 = affine_map<(d0, d1) -> (0, 0, 0, 0)>
#map2 = affine_map<(d0, d1) -> (0, 0, 0)>
module attributes {stable_mosaic.version = 14 : i64} {
  func.func @_edge_kernel(%arg0: i32, %arg1: i32, %arg2: memref<10240x128xf32, #tpu.memory_space<hbm>>, %arg3: memref<32x5x32x64xi32, #tpu.memory_space<hbm>>, %arg4: memref<32x5x32x64xi32, #tpu.memory_space<hbm>>, %arg5: memref<2x10240x128xf32, #tpu.memory_space<hbm>>, %arg6: memref<32x64xi32, #tpu.memory_space<vmem>>, %arg7: memref<32x64xi32, #tpu.memory_space<vmem>>, %arg8: memref<64x128xf32, #tpu.memory_space<vmem>>, %arg9: memref<64x128xf32, #tpu.memory_space<vmem>>, %arg10: memref<64x128xf32, #tpu.memory_space<vmem>>, %arg11: memref<64x128xf32, #tpu.memory_space<vmem>>, %arg12: memref<64x128xf32, #tpu.memory_space<vmem>>, %arg13: memref<!tpu.dma_semaphore, #tpu.memory_space<semaphore_mem>>, %arg14: memref<!tpu.dma_semaphore, #tpu.memory_space<semaphore_mem>>, %arg15: memref<!tpu.dma_semaphore, #tpu.memory_space<semaphore_mem>>, %arg16: memref<!tpu.dma_semaphore, #tpu.memory_space<semaphore_mem>>, %arg17: memref<!tpu.dma_semaphore, #tpu.memory_space<semaphore_mem>>, %arg18: memref<!tpu.dma_semaphore, #tpu.memory_space<semaphore_mem>>, %arg19: memref<!tpu.dma_semaphore, #tpu.memory_space<semaphore_mem>>, %arg20: memref<!tpu.dma_semaphore, #tpu.memory_space<semaphore_mem>>, %arg21: memref<!tpu.dma_semaphore, #tpu.memory_space<semaphore_mem>>, %arg22: memref<!tpu.dma_semaphore, #tpu.memory_space<semaphore_mem>>, %arg23: memref<10240x128xf32, #tpu.memory_space<vmem_shared>>) attributes {dimension_semantics = [#tpu.dimension_semantics<core_parallel>, #tpu.dimension_semantics<subcore_parallel>], iteration_bounds = array<i64: 2, 16>, scalar_prefetch = 0 : i64, scratch_operands = 18 : i64, tpu.core_type = #tpu.core_type<sc_vector_subcore>, window_params = [{transform_indices = #map}, {transform_indices = #map1}, {transform_indices = #map1}, {transform_indices = #map2}]} {
    %mul3A = arith.constant 2 : i32
    %mul3A_0 = arith.muli %arg1, %mul3A : i32
    %add3A = arith.addi %mul3A_0, %arg0 : i32
    %scan3A = arith.constant 0 : i32
    %scan3A_1 = arith.constant 0 : i32
    %scan3A_2 = arith.constant 512 : i32
    %scan3A_3 = arith.addi %scan3A_1, %scan3A_2 : i32
    %scan3A_4 = arith.constant 1 : i32
    %scan3A_5 = scf.for %scan3A_26 = %scan3A_1 to %scan3A_3 step %scan3A_4 iter_args(%scan3A_27 = %scan3A) -> (i32)  : i32 {
      %jit3A = arith.constant 8 : i32
      %div3A = arith.divsi %scan3A_26, %jit3A : i32
      %sign3A = arith.constant 0 : i32
      %sign3A_28 = arith.cmpi sgt, %scan3A_26, %sign3A : i32
      %sign3A_29 = arith.extui %sign3A_28 : i1 to i32
      %sign3A_30 = arith.constant 0 : i32
      %sign3A_31 = arith.cmpi slt, %scan3A_26, %sign3A_30 : i32
      %sign3A_32 = arith.extui %sign3A_31 : i1 to i32
      %sign3A_33 = arith.subi %sign3A_29, %sign3A_32 : i32
      %sign3A_34 = arith.constant 0 : i32
      %sign3A_35 = arith.cmpi sgt, %jit3A, %sign3A_34 : i32
      %sign3A_36 = arith.extui %sign3A_35 : i1 to i32
      %sign3A_37 = arith.constant 0 : i32
      %sign3A_38 = arith.cmpi slt, %jit3A, %sign3A_37 : i32
      %sign3A_39 = arith.extui %sign3A_38 : i1 to i32
      %sign3A_40 = arith.subi %sign3A_36, %sign3A_39 : i32
      %ne3A = arith.cmpi ne, %sign3A_33, %sign3A_40 : i32
      %rem3A = arith.remsi %scan3A_26, %jit3A : i32
      %ne3A_41 = arith.constant 0 : i32
      %ne3A_42 = arith.cmpi ne, %rem3A, %ne3A_41 : i32
      %and3A = arith.andi %ne3A, %ne3A_42 : i1
      %sub3A = arith.constant 1 : i32
      %sub3A_43 = arith.subi %div3A, %sub3A : i32
      %select_n3A = arith.select %and3A, %sub3A_43, %div3A : i32
      %jit3A_44 = arith.constant 8 : i32
      %eq3A = arith.constant 0 : i32
      %eq3A_45 = arith.cmpi eq, %jit3A_44, %eq3A : i32
      %jit3A_46 = arith.constant 1 : i32
      %select_n3A_47 = arith.select %eq3A_45, %jit3A_46, %jit3A_44 : i32
      %rem3A_48 = arith.remsi %scan3A_26, %select_n3A_47 : i32
      %ne3A_49 = arith.constant 0 : i32
      %ne3A_50 = arith.cmpi ne, %rem3A_48, %ne3A_49 : i32
      %lt3A = arith.constant 0 : i32
      %lt3A_51 = arith.cmpi slt, %rem3A_48, %lt3A : i32
      %lt3A_52 = arith.constant 0 : i32
      %lt3A_53 = arith.cmpi slt, %select_n3A_47, %lt3A_52 : i32
      %ne3A_54 = arith.xori %lt3A_51, %lt3A_53 : i1
      %and3A_55 = arith.andi %ne3A_54, %ne3A_50 : i1
      %add3A_56 = arith.addi %rem3A_48, %select_n3A_47 : i32
      %select_n3A_57 = arith.select %and3A_55, %add3A_56, %rem3A_48 : i32
      %broadcast_in_dim3A = arith.constant 0.000000e+00 : f32
      %broadcast_in_dim3A_58 = vector.broadcast %broadcast_in_dim3A : f32 to vector<16xf32>
      %mul3A_59 = arith.constant 16 : i32
      %mul3A_60 = arith.muli %select_n3A_57, %mul3A_59 : i32
      %swap3A = arith.index_cast %select_n3A : i32 to index
      %swap3A_61 = arith.index_cast %mul3A_60 : i32 to index
      %swap3A_62 = tpu.vector_load %arg8[%swap3A, %swap3A_61] {strides = array<i32>} : memref<64x128xf32, #tpu.memory_space<vmem>>, vector<1x16xf32>,
      %swap3A_63 = vector.shape_cast %swap3A_62 : vector<1x16xf32> to vector<16xf32>
      %swap3A_64 = vector.shape_cast %broadcast_in_dim3A_58 : vector<16xf32> to vector<1x16xf32>
      tpu.vector_store %arg8[%swap3A, %swap3A_61], %swap3A_64 {strides = array<i32>} : memref<64x128xf32, #tpu.memory_space<vmem>>, vector<1x16xf32>,
      %scan3A_65 = arith.constant 0 : i32
      scf.yield %scan3A_65 : i32
    }
    %scan3A_6 = arith.constant 512 : i32
    %scan3A_7 = arith.constant 0 : i32
    %scan3A_8 = arith.constant 0 : i32
    %scan3A_9 = arith.constant 10 : i32
    %scan3A_10 = arith.addi %scan3A_8, %scan3A_9 : i32
    %scan3A_11 = arith.constant 1 : i32
    %scan3A_12 = scf.for %scan3A_26 = %scan3A_8 to %scan3A_10 step %scan3A_11 iter_args(%scan3A_27 = %scan3A_7) -> (i32)  : i32 {
      %mul3A_28 = arith.constant 640 : i32
      %mul3A_29 = arith.muli %arg1, %mul3A_28 : i32
      %mul3A_30 = arith.constant 64 : i32
      %mul3A_31 = arith.muli %scan3A_26, %mul3A_30 : i32
      %add3A_32 = arith.addi %mul3A_29, %mul3A_31 : i32
      "tpu.region"() ({
        %run_scoped3A = tpu.sem_alloc : memref<!tpu.dma_semaphore, #tpu.memory_space<semaphore_mem>>
        %dma_start3A = arith.constant 0 : i32
        %dma_start3A_34 = tpu.memref_slice %arg23[%add3A_32, %dma_start3A] : memref<10240x128xf32, #tpu.memory_space<vmem_shared>> -> memref<64x128xf32, #tpu.memory_space<vmem_shared>>
        %dma_start3A_35 = arith.constant 0 : i32
        %dma_start3A_36 = tpu.memref_slice %arg23[%add3A_32, %dma_start3A_35] : memref<10240x128xf32, #tpu.memory_space<vmem_shared>> -> memref<64x128xf32, #tpu.memory_space<vmem_shared>>
        tpu.enqueue_dma source(%arg8 : memref<64x128xf32, #tpu.memory_space<vmem>>) target(%dma_start3A_36 : memref<64x128xf32, #tpu.memory_space<vmem_shared>>) target_semaphore(%run_scoped3A : memref<!tpu.dma_semaphore, #tpu.memory_space<semaphore_mem>>)
        %dma_wait3A = arith.constant 0 : i32
        %dma_wait3A_37 = tpu.memref_slice %arg23[%add3A_32, %dma_wait3A] : memref<10240x128xf32, #tpu.memory_space<vmem_shared>> -> memref<64x128xf32, #tpu.memory_space<vmem_shared>>
        %dma_wait3A_38 = arith.constant 0 : i32
        %dma_wait3A_39 = tpu.memref_slice %arg23[%add3A_32, %dma_wait3A_38] : memref<10240x128xf32, #tpu.memory_space<vmem_shared>> -> memref<64x128xf32, #tpu.memory_space<vmem_shared>>
        tpu.wait_dma2 semaphore(%run_scoped3A : memref<!tpu.dma_semaphore, #tpu.memory_space<semaphore_mem>>) src(%arg8 : memref<64x128xf32, #tpu.memory_space<vmem>>) dst(%dma_wait3A_39 : memref<64x128xf32, #tpu.memory_space<vmem_shared>>)
        tpu.yield
      }) : () -> ()
      %scan3A_33 = arith.constant 0 : i32
      scf.yield %scan3A_33 : i32
    }
    %scan3A_13 = arith.constant 10 : i32
    %barrier3A = arith.constant 0 : index
    tpu.barrier barrier_id(%barrier3A)
    %scan3A_14 = arith.constant 0 : i32
    %scan3A_15 = arith.constant 0 : i32
    %scan3A_16 = arith.constant 5 : i32
    %scan3A_17 = arith.addi %scan3A_15, %scan3A_16 : i32
    %scan3A_18 = arith.constant 1 : i32
    %scan3A_19 = scf.for %scan3A_26 = %scan3A_15 to %scan3A_17 step %scan3A_18 iter_args(%scan3A_27 = %scan3A_14) -> (i32)  : i32 {
      "tpu.region"() ({
        %run_scoped3A = tpu.sem_alloc : memref<!tpu.dma_semaphore, #tpu.memory_space<semaphore_mem>>
        %dma_start3A_923 = arith.constant 0 : i32
        %dma_start3A_924 = arith.constant 0 : i32
        %dma_start3A_925 = tpu.memref_slice %arg3[%add3A, %scan3A_26, %dma_start3A_923, %dma_start3A_924] : memref<32x5x32x64xi32, #tpu.memory_space<hbm>> -> memref<1x1x32x64xi32, #tpu.memory_space<hbm>>
        %dma_start3A_926 = tpu.memref_squeeze %dma_start3A_925 : memref<1x1x32x64xi32, #tpu.memory_space<hbm>> -> memref<32x64xi32, #tpu.memory_space<hbm>>
        %dma_start3A_927 = arith.constant 0 : i32
        %dma_start3A_928 = arith.constant 0 : i32
        %dma_start3A_929 = tpu.memref_slice %arg3[%add3A, %scan3A_26, %dma_start3A_927, %dma_start3A_928] : memref<32x5x32x64xi32, #tpu.memory_space<hbm>> -> memref<1x1x32x64xi32, #tpu.memory_space<hbm>>
        %dma_start3A_930 = tpu.memref_squeeze %dma_start3A_929 : memref<1x1x32x64xi32, #tpu.memory_space<hbm>> -> memref<32x64xi32, #tpu.memory_space<hbm>>
        tpu.enqueue_dma source(%dma_start3A_930 : memref<32x64xi32, #tpu.memory_space<hbm>>) target(%arg6 : memref<32x64xi32, #tpu.memory_space<vmem>>) target_semaphore(%run_scoped3A : memref<!tpu.dma_semaphore, #tpu.memory_space<semaphore_mem>>)
        %dma_wait3A_931 = arith.constant 0 : i32
        %dma_wait3A_932 = arith.constant 0 : i32
        %dma_wait3A_933 = tpu.memref_slice %arg3[%add3A, %scan3A_26, %dma_wait3A_931, %dma_wait3A_932] : memref<32x5x32x64xi32, #tpu.memory_space<hbm>> -> memref<1x1x32x64xi32, #tpu.memory_space<hbm>>
        %dma_wait3A_934 = tpu.memref_squeeze %dma_wait3A_933 : memref<1x1x32x64xi32, #tpu.memory_space<hbm>> -> memref<32x64xi32, #tpu.memory_space<hbm>>
        %dma_wait3A_935 = arith.constant 0 : i32
        %dma_wait3A_936 = arith.constant 0 : i32
        %dma_wait3A_937 = tpu.memref_slice %arg3[%add3A, %scan3A_26, %dma_wait3A_935, %dma_wait3A_936] : memref<32x5x32x64xi32, #tpu.memory_space<hbm>> -> memref<1x1x32x64xi32, #tpu.memory_space<hbm>>
        %dma_wait3A_938 = tpu.memref_squeeze %dma_wait3A_937 : memref<1x1x32x64xi32, #tpu.memory_space<hbm>> -> memref<32x64xi32, #tpu.memory_space<hbm>>
        tpu.wait_dma2 semaphore(%run_scoped3A : memref<!tpu.dma_semaphore, #tpu.memory_space<semaphore_mem>>) src(%dma_wait3A_938 : memref<32x64xi32, #tpu.memory_space<hbm>>) dst(%arg6 : memref<32x64xi32, #tpu.memory_space<vmem>>)
        tpu.yield
      }) : () -> ()
      "tpu.region"() ({
        %run_scoped3A = tpu.sem_alloc : memref<!tpu.dma_semaphore, #tpu.memory_space<semaphore_mem>>
        %dma_start3A_923 = arith.constant 0 : i32
        %dma_start3A_924 = arith.constant 0 : i32
        %dma_start3A_925 = tpu.memref_slice %arg4[%add3A, %scan3A_26, %dma_start3A_923, %dma_start3A_924] : memref<32x5x32x64xi32, #tpu.memory_space<hbm>> -> memref<1x1x32x64xi32, #tpu.memory_space<hbm>>
        %dma_start3A_926 = tpu.memref_squeeze %dma_start3A_925 : memref<1x1x32x64xi32, #tpu.memory_space<hbm>> -> memref<32x64xi32, #tpu.memory_space<hbm>>
        %dma_start3A_927 = arith.constant 0 : i32
        %dma_start3A_928 = arith.constant 0 : i32
        %dma_start3A_929 = tpu.memref_slice %arg4[%add3A, %scan3A_26, %dma_start3A_927, %dma_start3A_928] : memref<32x5x32x64xi32, #tpu.memory_space<hbm>> -> memref<1x1x32x64xi32, #tpu.memory_space<hbm>>
        %dma_start3A_930 = tpu.memref_squeeze %dma_start3A_929 : memref<1x1x32x64xi32, #tpu.memory_space<hbm>> -> memref<32x64xi32, #tpu.memory_space<hbm>>
        tpu.enqueue_dma source(%dma_start3A_930 : memref<32x64xi32, #tpu.memory_space<hbm>>) target(%arg7 : memref<32x64xi32, #tpu.memory_space<vmem>>) target_semaphore(%run_scoped3A : memref<!tpu.dma_semaphore, #tpu.memory_space<semaphore_mem>>)
        %dma_wait3A_931 = arith.constant 0 : i32
        %dma_wait3A_932 = arith.constant 0 : i32
        %dma_wait3A_933 = tpu.memref_slice %arg4[%add3A, %scan3A_26, %dma_wait3A_931, %dma_wait3A_932] : memref<32x5x32x64xi32, #tpu.memory_space<hbm>> -> memref<1x1x32x64xi32, #tpu.memory_space<hbm>>
        %dma_wait3A_934 = tpu.memref_squeeze %dma_wait3A_933 : memref<1x1x32x64xi32, #tpu.memory_space<hbm>> -> memref<32x64xi32, #tpu.memory_space<hbm>>
        %dma_wait3A_935 = arith.constant 0 : i32
        %dma_wait3A_936 = arith.constant 0 : i32
        %dma_wait3A_937 = tpu.memref_slice %arg4[%add3A, %scan3A_26, %dma_wait3A_935, %dma_wait3A_936] : memref<32x5x32x64xi32, #tpu.memory_space<hbm>> -> memref<1x1x32x64xi32, #tpu.memory_space<hbm>>
        %dma_wait3A_938 = tpu.memref_squeeze %dma_wait3A_937 : memref<1x1x32x64xi32, #tpu.memory_space<hbm>> -> memref<32x64xi32, #tpu.memory_space<hbm>>
        tpu.wait_dma2 semaphore(%run_scoped3A : memref<!tpu.dma_semaphore, #tpu.memory_space<semaphore_mem>>) src(%dma_wait3A_938 : memref<32x64xi32, #tpu.memory_space<hbm>>) dst(%arg7 : memref<32x64xi32, #tpu.memory_space<vmem>>)
        tpu.yield
      }) : () -> ()
      %dma_start3A = arith.constant 0 : i32
      %dma_start3A_28 = arith.constant 0 : i32
      %dma_start3A_29 = tpu.memref_slice %arg6[%dma_start3A, %dma_start3A_28] : memref<32x64xi32, #tpu.memory_space<vmem>> -> memref<1x64xi32, #tpu.memory_space<vmem>>
      %dma_start3A_30 = tpu.memref_squeeze %dma_start3A_29 : memref<1x64xi32, #tpu.memory_space<vmem>> -> memref<64xi32, #tpu.memory_space<vmem>>
      %dma_start3A_31 = arith.constant 0 : i32
      %dma_start3A_32 = arith.constant 0 : i32
      %dma_start3A_33 = tpu.memref_slice %arg2[%dma_start3A_31, %dma_start3A_32] : memref<10240x128xf32, #tpu.memory_space<hbm>> -> memref<10240x128xf32, #tpu.memory_space<hbm>>
      tpu.enqueue_indirect_dma source(%dma_start3A_33 : memref<10240x128xf32, #tpu.memory_space<hbm>>) target(%arg8 : memref<64x128xf32, #tpu.memory_space<vmem>>) offsets(%dma_start3A_30 : memref<64xi32, #tpu.memory_space<vmem>>) semaphore(%arg13 : memref<!tpu.dma_semaphore, #tpu.memory_space<semaphore_mem>>)
      %dma_start3A_34 = arith.constant 1 : i32
      %dma_start3A_35 = arith.constant 0 : i32
      %dma_start3A_36 = tpu.memref_slice %arg6[%dma_start3A_34, %dma_start3A_35] : memref<32x64xi32, #tpu.memory_space<vmem>> -> memref<1x64xi32, #tpu.memory_space<vmem>>
      %dma_start3A_37 = tpu.memref_squeeze %dma_start3A_36 : memref<1x64xi32, #tpu.memory_space<vmem>> -> memref<64xi32, #tpu.memory_space<vmem>>
      %dma_start3A_38 = arith.constant 0 : i32
      %dma_start3A_39 = arith.constant 0 : i32
      %dma_start3A_40 = tpu.memref_slice %arg2[%dma_start3A_38, %dma_start3A_39] : memref<10240x128xf32, #tpu.memory_space<hbm>> -> memref<10240x128xf32, #tpu.memory_space<hbm>>
      tpu.enqueue_indirect_dma source(%dma_start3A_40 : memref<10240x128xf32, #tpu.memory_space<hbm>>) target(%arg9 : memref<64x128xf32, #tpu.memory_space<vmem>>) offsets(%dma_start3A_37 : memref<64xi32, #tpu.memory_space<vmem>>) semaphore(%arg14 : memref<!tpu.dma_semaphore, #tpu.memory_space<semaphore_mem>>)
      %dma_start3A_41 = arith.constant 2 : i32
      %dma_start3A_42 = arith.constant 0 : i32
      %dma_start3A_43 = tpu.memref_slice %arg6[%dma_start3A_41, %dma_start3A_42] : memref<32x64xi32, #tpu.memory_space<vmem>> -> memref<1x64xi32, #tpu.memory_space<vmem>>
      %dma_start3A_44 = tpu.memref_squeeze %dma_start3A_43 : memref<1x64xi32, #tpu.memory_space<vmem>> -> memref<64xi32, #tpu.memory_space<vmem>>
      %dma_start3A_45 = arith.constant 0 : i32
      %dma_start3A_46 = arith.constant 0 : i32
      %dma_start3A_47 = tpu.memref_slice %arg2[%dma_start3A_45, %dma_start3A_46] : memref<10240x128xf32, #tpu.memory_space<hbm>> -> memref<10240x128xf32, #tpu.memory_space<hbm>>
      tpu.enqueue_indirect_dma source(%dma_start3A_47 : memref<10240x128xf32, #tpu.memory_space<hbm>>) target(%arg10 : memref<64x128xf32, #tpu.memory_space<vmem>>) offsets(%dma_start3A_44 : memref<64xi32, #tpu.memory_space<vmem>>) semaphore(%arg15 : memref<!tpu.dma_semaphore, #tpu.memory_space<semaphore_mem>>)
      %dma_start3A_48 = arith.constant 3 : i32
      %dma_start3A_49 = arith.constant 0 : i32
      %dma_start3A_50 = tpu.memref_slice %arg6[%dma_start3A_48, %dma_start3A_49] : memref<32x64xi32, #tpu.memory_space<vmem>> -> memref<1x64xi32, #tpu.memory_space<vmem>>
      %dma_start3A_51 = tpu.memref_squeeze %dma_start3A_50 : memref<1x64xi32, #tpu.memory_space<vmem>> -> memref<64xi32, #tpu.memory_space<vmem>>
      %dma_start3A_52 = arith.constant 0 : i32
      %dma_start3A_53 = arith.constant 0 : i32
      %dma_start3A_54 = tpu.memref_slice %arg2[%dma_start3A_52, %dma_start3A_53] : memref<10240x128xf32, #tpu.memory_space<hbm>> -> memref<10240x128xf32, #tpu.memory_space<hbm>>
      tpu.enqueue_indirect_dma source(%dma_start3A_54 : memref<10240x128xf32, #tpu.memory_space<hbm>>) target(%arg11 : memref<64x128xf32, #tpu.memory_space<vmem>>) offsets(%dma_start3A_51 : memref<64xi32, #tpu.memory_space<vmem>>) semaphore(%arg16 : memref<!tpu.dma_semaphore, #tpu.memory_space<semaphore_mem>>)
      %dma_wait3A = arith.constant 0 : i32
      %dma_wait3A_55 = arith.constant 0 : i32
      %dma_wait3A_56 = tpu.memref_slice %arg6[%dma_wait3A, %dma_wait3A_55] : memref<32x64xi32, #tpu.memory_space<vmem>> -> memref<1x64xi32, #tpu.memory_space<vmem>>
      %dma_wait3A_57 = tpu.memref_squeeze %dma_wait3A_56 : memref<1x64xi32, #tpu.memory_space<vmem>> -> memref<64xi32, #tpu.memory_space<vmem>>
      %dma_wait3A_58 = arith.constant 0 : i32
      %dma_wait3A_59 = arith.constant 0 : i32
      %dma_wait3A_60 = tpu.memref_slice %arg2[%dma_wait3A_58, %dma_wait3A_59] : memref<10240x128xf32, #tpu.memory_space<hbm>> -> memref<10240x128xf32, #tpu.memory_space<hbm>>
      tpu.wait_indirect_dma semaphore(%arg13 : memref<!tpu.dma_semaphore, #tpu.memory_space<semaphore_mem>>) src(%dma_wait3A_60 : memref<10240x128xf32, #tpu.memory_space<hbm>>) dst(%arg8 : memref<64x128xf32, #tpu.memory_space<vmem>>)
      %dma_start3A_61 = arith.constant 0 : i32
      %dma_start3A_62 = arith.constant 0 : i32
      %dma_start3A_63 = tpu.memref_slice %arg7[%dma_start3A_61, %dma_start3A_62] : memref<32x64xi32, #tpu.memory_space<vmem>> -> memref<1x64xi32, #tpu.memory_space<vmem>>
      %dma_start3A_64 = tpu.memref_squeeze %dma_start3A_63 : memref<1x64xi32, #tpu.memory_space<vmem>> -> memref<64xi32, #tpu.memory_space<vmem>>
      %dma_start3A_65 = arith.constant 0 : i32
      %dma_start3A_66 = arith.constant 0 : i32
      %dma_start3A_67 = tpu.memref_slice %arg23[%dma_start3A_65, %dma_start3A_66] : memref<10240x128xf32, #tpu.memory_space<vmem_shared>> -> memref<10240x128xf32, #tpu.memory_space<vmem_shared>>
      tpu.enqueue_indirect_dma source(%arg8 : memref<64x128xf32, #tpu.memory_space<vmem>>) target(%dma_start3A_67 : memref<10240x128xf32, #tpu.memory_space<vmem_shared>>) offsets(%dma_start3A_64 : memref<64xi32, #tpu.memory_space<vmem>>) semaphore(%arg18 : memref<!tpu.dma_semaphore, #tpu.memory_space<semaphore_mem>>) {add = true}
      %dma_start3A_68 = arith.constant 4 : i32
      %dma_start3A_69 = arith.constant 0 : i32
      %dma_start3A_70 = tpu.memref_slice %arg6[%dma_start3A_68, %dma_start3A_69] : memref<32x64xi32, #tpu.memory_space<vmem>> -> memref<1x64xi32, #tpu.memory_space<vmem>>
      %dma_start3A_71 = tpu.memref_squeeze %dma_start3A_70 : memref<1x64xi32, #tpu.memory_space<vmem>> -> memref<64xi32, #tpu.memory_space<vmem>>
      %dma_start3A_72 = arith.constant 0 : i32
      %dma_start3A_73 = arith.constant 0 : i32
      %dma_start3A_74 = tpu.memref_slice %arg2[%dma_start3A_72, %dma_start3A_73] : memref<10240x128xf32, #tpu.memory_space<hbm>> -> memref<10240x128xf32, #tpu.memory_space<hbm>>
      tpu.enqueue_indirect_dma source(%dma_start3A_74 : memref<10240x128xf32, #tpu.memory_space<hbm>>) target(%arg12 : memref<64x128xf32, #tpu.memory_space<vmem>>) offsets(%dma_start3A_71 : memref<64xi32, #tpu.memory_space<vmem>>) semaphore(%arg17 : memref<!tpu.dma_semaphore, #tpu.memory_space<semaphore_mem>>)
      %dma_wait3A_75 = arith.constant 1 : i32
      %dma_wait3A_76 = arith.constant 0 : i32
      %dma_wait3A_77 = tpu.memref_slice %arg6[%dma_wait3A_75, %dma_wait3A_76] : memref<32x64xi32, #tpu.memory_space<vmem>> -> memref<1x64xi32, #tpu.memory_space<vmem>>
      %dma_wait3A_78 = tpu.memref_squeeze %dma_wait3A_77 : memref<1x64xi32, #tpu.memory_space<vmem>> -> memref<64xi32, #tpu.memory_space<vmem>>
      %dma_wait3A_79 = arith.constant 0 : i32
      %dma_wait3A_80 = arith.constant 0 : i32
      %dma_wait3A_81 = tpu.memref_slice %arg2[%dma_wait3A_79, %dma_wait3A_80] : memref<10240x128xf32, #tpu.memory_space<hbm>> -> memref<10240x128xf32, #tpu.memory_space<hbm>>
      tpu.wait_indirect_dma semaphore(%arg14 : memref<!tpu.dma_semaphore, #tpu.memory_space<semaphore_mem>>) src(%dma_wait3A_81 : memref<10240x128xf32, #tpu.memory_space<hbm>>) dst(%arg9 : memref<64x128xf32, #tpu.memory_space<vmem>>)
      %dma_start3A_82 = arith.constant 1 : i32
      %dma_start3A_83 = arith.constant 0 : i32
      %dma_start3A_84 = tpu.memref_slice %arg7[%dma_start3A_82, %dma_start3A_83] : memref<32x64xi32, #tpu.memory_space<vmem>> -> memref<1x64xi32, #tpu.memory_space<vmem>>
      %dma_start3A_85 = tpu.memref_squeeze %dma_start3A_84 : memref<1x64xi32, #tpu.memory_space<vmem>> -> memref<64xi32, #tpu.memory_space<vmem>>
      %dma_start3A_86 = arith.constant 0 : i32
      %dma_start3A_87 = arith.constant 0 : i32
      %dma_start3A_88 = tpu.memref_slice %arg23[%dma_start3A_86, %dma_start3A_87] : memref<10240x128xf32, #tpu.memory_space<vmem_shared>> -> memref<10240x128xf32, #tpu.memory_space<vmem_shared>>
      tpu.enqueue_indirect_dma source(%arg9 : memref<64x128xf32, #tpu.memory_space<vmem>>) target(%dma_start3A_88 : memref<10240x128xf32, #tpu.memory_space<vmem_shared>>) offsets(%dma_start3A_85 : memref<64xi32, #tpu.memory_space<vmem>>) semaphore(%arg19 : memref<!tpu.dma_semaphore, #tpu.memory_space<semaphore_mem>>) {add = true}
      %dma_wait3A_89 = arith.constant 0 : i32
      %dma_wait3A_90 = arith.constant 0 : i32
      %dma_wait3A_91 = tpu.memref_slice %arg7[%dma_wait3A_89, %dma_wait3A_90] : memref<32x64xi32, #tpu.memory_space<vmem>> -> memref<1x64xi32, #tpu.memory_space<vmem>>
      %dma_wait3A_92 = tpu.memref_squeeze %dma_wait3A_91 : memref<1x64xi32, #tpu.memory_space<vmem>> -> memref<64xi32, #tpu.memory_space<vmem>>
      %dma_wait3A_93 = arith.constant 0 : i32
      %dma_wait3A_94 = arith.constant 0 : i32
      %dma_wait3A_95 = tpu.memref_slice %arg23[%dma_wait3A_93, %dma_wait3A_94] : memref<10240x128xf32, #tpu.memory_space<vmem_shared>> -> memref<10240x128xf32, #tpu.memory_space<vmem_shared>>
      tpu.wait_indirect_dma semaphore(%arg18 : memref<!tpu.dma_semaphore, #tpu.memory_space<semaphore_mem>>) src(%arg8 : memref<64x128xf32, #tpu.memory_space<vmem>>) dst(%dma_wait3A_95 : memref<10240x128xf32, #tpu.memory_space<vmem_shared>>)
      %dma_start3A_96 = arith.constant 5 : i32
      %dma_start3A_97 = arith.constant 0 : i32
      %dma_start3A_98 = tpu.memref_slice %arg6[%dma_start3A_96, %dma_start3A_97] : memref<32x64xi32, #tpu.memory_space<vmem>> -> memref<1x64xi32, #tpu.memory_space<vmem>>
      %dma_start3A_99 = tpu.memref_squeeze %dma_start3A_98 : memref<1x64xi32, #tpu.memory_space<vmem>> -> memref<64xi32, #tpu.memory_space<vmem>>
      %dma_start3A_100 = arith.constant 0 : i32
      %dma_start3A_101 = arith.constant 0 : i32
      %dma_start3A_102 = tpu.memref_slice %arg2[%dma_start3A_100, %dma_start3A_101] : memref<10240x128xf32, #tpu.memory_space<hbm>> -> memref<10240x128xf32, #tpu.memory_space<hbm>>
      tpu.enqueue_indirect_dma source(%dma_start3A_102 : memref<10240x128xf32, #tpu.memory_space<hbm>>) target(%arg8 : memref<64x128xf32, #tpu.memory_space<vmem>>) offsets(%dma_start3A_99 : memref<64xi32, #tpu.memory_space<vmem>>) semaphore(%arg13 : memref<!tpu.dma_semaphore, #tpu.memory_space<semaphore_mem>>)
      %dma_wait3A_103 = arith.constant 2 : i32
      %dma_wait3A_104 = arith.constant 0 : i32
      %dma_wait3A_105 = tpu.memref_slice %arg6[%dma_wait3A_103, %dma_wait3A_104] : memref<32x64xi32, #tpu.memory_space<vmem>> -> memref<1x64xi32, #tpu.memory_space<vmem>>
      %dma_wait3A_106 = tpu.memref_squeeze %dma_wait3A_105 : memref<1x64xi32, #tpu.memory_space<vmem>> -> memref<64xi32, #tpu.memory_space<vmem>>
      %dma_wait3A_107 = arith.constant 0 : i32
      %dma_wait3A_108 = arith.constant 0 : i32
      %dma_wait3A_109 = tpu.memref_slice %arg2[%dma_wait3A_107, %dma_wait3A_108] : memref<10240x128xf32, #tpu.memory_space<hbm>> -> memref<10240x128xf32, #tpu.memory_space<hbm>>
      tpu.wait_indirect_dma semaphore(%arg15 : memref<!tpu.dma_semaphore, #tpu.memory_space<semaphore_mem>>) src(%dma_wait3A_109 : memref<10240x128xf32, #tpu.memory_space<hbm>>) dst(%arg10 : memref<64x128xf32, #tpu.memory_space<vmem>>)
      %dma_start3A_110 = arith.constant 2 : i32
      %dma_start3A_111 = arith.constant 0 : i32
      %dma_start3A_112 = tpu.memref_slice %arg7[%dma_start3A_110, %dma_start3A_111] : memref<32x64xi32, #tpu.memory_space<vmem>> -> memref<1x64xi32, #tpu.memory_space<vmem>>
      %dma_start3A_113 = tpu.memref_squeeze %dma_start3A_112 : memref<1x64xi32, #tpu.memory_space<vmem>> -> memref<64xi32, #tpu.memory_space<vmem>>
      %dma_start3A_114 = arith.constant 0 : i32
      %dma_start3A_115 = arith.constant 0 : i32
      %dma_start3A_116 = tpu.memref_slice %arg23[%dma_start3A_114, %dma_start3A_115] : memref<10240x128xf32, #tpu.memory_space<vmem_shared>> -> memref<10240x128xf32, #tpu.memory_space<vmem_shared>>
      tpu.enqueue_indirect_dma source(%arg10 : memref<64x128xf32, #tpu.memory_space<vmem>>) target(%dma_start3A_116 : memref<10240x128xf32, #tpu.memory_space<vmem_shared>>) offsets(%dma_start3A_113 : memref<64xi32, #tpu.memory_space<vmem>>) semaphore(%arg20 : memref<!tpu.dma_semaphore, #tpu.memory_space<semaphore_mem>>) {add = true}
      %dma_wait3A_117 = arith.constant 1 : i32
      %dma_wait3A_118 = arith.constant 0 : i32
      %dma_wait3A_119 = tpu.memref_slice %arg7[%dma_wait3A_117, %dma_wait3A_118] : memref<32x64xi32, #tpu.memory_space<vmem>> -> memref<1x64xi32, #tpu.memory_space<vmem>>
      %dma_wait3A_120 = tpu.memref_squeeze %dma_wait3A_119 : memref<1x64xi32, #tpu.memory_space<vmem>> -> memref<64xi32, #tpu.memory_space<vmem>>
      %dma_wait3A_121 = arith.constant 0 : i32
      %dma_wait3A_122 = arith.constant 0 : i32
      %dma_wait3A_123 = tpu.memref_slice %arg23[%dma_wait3A_121, %dma_wait3A_122] : memref<10240x128xf32, #tpu.memory_space<vmem_shared>> -> memref<10240x128xf32, #tpu.memory_space<vmem_shared>>
      tpu.wait_indirect_dma semaphore(%arg19 : memref<!tpu.dma_semaphore, #tpu.memory_space<semaphore_mem>>) src(%arg9 : memref<64x128xf32, #tpu.memory_space<vmem>>) dst(%dma_wait3A_123 : memref<10240x128xf32, #tpu.memory_space<vmem_shared>>)
      %dma_start3A_124 = arith.constant 6 : i32
      %dma_start3A_125 = arith.constant 0 : i32
      %dma_start3A_126 = tpu.memref_slice %arg6[%dma_start3A_124, %dma_start3A_125] : memref<32x64xi32, #tpu.memory_space<vmem>> -> memref<1x64xi32, #tpu.memory_space<vmem>>
      %dma_start3A_127 = tpu.memref_squeeze %dma_start3A_126 : memref<1x64xi32, #tpu.memory_space<vmem>> -> memref<64xi32, #tpu.memory_space<vmem>>
      %dma_start3A_128 = arith.constant 0 : i32
      %dma_start3A_129 = arith.constant 0 : i32
      %dma_start3A_130 = tpu.memref_slice %arg2[%dma_start3A_128, %dma_start3A_129] : memref<10240x128xf32, #tpu.memory_space<hbm>> -> memref<10240x128xf32, #tpu.memory_space<hbm>>
      tpu.enqueue_indirect_dma source(%dma_start3A_130 : memref<10240x128xf32, #tpu.memory_space<hbm>>) target(%arg9 : memref<64x128xf32, #tpu.memory_space<vmem>>) offsets(%dma_start3A_127 : memref<64xi32, #tpu.memory_space<vmem>>) semaphore(%arg14 : memref<!tpu.dma_semaphore, #tpu.memory_space<semaphore_mem>>)
      %dma_wait3A_131 = arith.constant 3 : i32
      %dma_wait3A_132 = arith.constant 0 : i32
      %dma_wait3A_133 = tpu.memref_slice %arg6[%dma_wait3A_131, %dma_wait3A_132] : memref<32x64xi32, #tpu.memory_space<vmem>> -> memref<1x64xi32, #tpu.memory_space<vmem>>
      %dma_wait3A_134 = tpu.memref_squeeze %dma_wait3A_133 : memref<1x64xi32, #tpu.memory_space<vmem>> -> memref<64xi32, #tpu.memory_space<vmem>>
      %dma_wait3A_135 = arith.constant 0 : i32
      %dma_wait3A_136 = arith.constant 0 : i32
      %dma_wait3A_137 = tpu.memref_slice %arg2[%dma_wait3A_135, %dma_wait3A_136] : memref<10240x128xf32, #tpu.memory_space<hbm>> -> memref<10240x128xf32, #tpu.memory_space<hbm>>
      tpu.wait_indirect_dma semaphore(%arg16 : memref<!tpu.dma_semaphore, #tpu.memory_space<semaphore_mem>>) src(%dma_wait3A_137 : memref<10240x128xf32, #tpu.memory_space<hbm>>) dst(%arg11 : memref<64x128xf32, #tpu.memory_space<vmem>>)
      %dma_start3A_138 = arith.constant 3 : i32
      %dma_start3A_139 = arith.constant 0 : i32
      %dma_start3A_140 = tpu.memref_slice %arg7[%dma_start3A_138, %dma_start3A_139] : memref<32x64xi32, #tpu.memory_space<vmem>> -> memref<1x64xi32, #tpu.memory_space<vmem>>
      %dma_start3A_141 = tpu.memref_squeeze %dma_start3A_140 : memref<1x64xi32, #tpu.memory_space<vmem>> -> memref<64xi32, #tpu.memory_space<vmem>>
      %dma_start3A_142 = arith.constant 0 : i32
      %dma_start3A_143 = arith.constant 0 : i32
      %dma_start3A_144 = tpu.memref_slice %arg23[%dma_start3A_142, %dma_start3A_143] : memref<10240x128xf32, #tpu.memory_space<vmem_shared>> -> memref<10240x128xf32, #tpu.memory_space<vmem_shared>>
      tpu.enqueue_indirect_dma source(%arg11 : memref<64x128xf32, #tpu.memory_space<vmem>>) target(%dma_start3A_144 : memref<10240x128xf32, #tpu.memory_space<vmem_shared>>) offsets(%dma_start3A_141 : memref<64xi32, #tpu.memory_space<vmem>>) semaphore(%arg21 : memref<!tpu.dma_semaphore, #tpu.memory_space<semaphore_mem>>) {add = true}
      %dma_wait3A_145 = arith.constant 2 : i32
      %dma_wait3A_146 = arith.constant 0 : i32
      %dma_wait3A_147 = tpu.memref_slice %arg7[%dma_wait3A_145, %dma_wait3A_146] : memref<32x64xi32, #tpu.memory_space<vmem>> -> memref<1x64xi32, #tpu.memory_space<vmem>>
      %dma_wait3A_148 = tpu.memref_squeeze %dma_wait3A_147 : memref<1x64xi32, #tpu.memory_space<vmem>> -> memref<64xi32, #tpu.memory_space<vmem>>
      %dma_wait3A_149 = arith.constant 0 : i32
      %dma_wait3A_150 = arith.constant 0 : i32
      %dma_wait3A_151 = tpu.memref_slice %arg23[%dma_wait3A_149, %dma_wait3A_150] : memref<10240x128xf32, #tpu.memory_space<vmem_shared>> -> memref<10240x128xf32, #tpu.memory_space<vmem_shared>>
      tpu.wait_indirect_dma semaphore(%arg20 : memref<!tpu.dma_semaphore, #tpu.memory_space<semaphore_mem>>) src(%arg10 : memref<64x128xf32, #tpu.memory_space<vmem>>) dst(%dma_wait3A_151 : memref<10240x128xf32, #tpu.memory_space<vmem_shared>>)
      %dma_start3A_152 = arith.constant 7 : i32
      %dma_start3A_153 = arith.constant 0 : i32
      %dma_start3A_154 = tpu.memref_slice %arg6[%dma_start3A_152, %dma_start3A_153] : memref<32x64xi32, #tpu.memory_space<vmem>> -> memref<1x64xi32, #tpu.memory_space<vmem>>
      %dma_start3A_155 = tpu.memref_squeeze %dma_start3A_154 : memref<1x64xi32, #tpu.memory_space<vmem>> -> memref<64xi32, #tpu.memory_space<vmem>>
      %dma_start3A_156 = arith.constant 0 : i32
      %dma_start3A_157 = arith.constant 0 : i32
      %dma_start3A_158 = tpu.memref_slice %arg2[%dma_start3A_156, %dma_start3A_157] : memref<10240x128xf32, #tpu.memory_space<hbm>> -> memref<10240x128xf32, #tpu.memory_space<hbm>>
      tpu.enqueue_indirect_dma source(%dma_start3A_158 : memref<10240x128xf32, #tpu.memory_space<hbm>>) target(%arg10 : memref<64x128xf32, #tpu.memory_space<vmem>>) offsets(%dma_start3A_155 : memref<64xi32, #tpu.memory_space<vmem>>) semaphore(%arg15 : memref<!tpu.dma_semaphore, #tpu.memory_space<semaphore_mem>>)
      %dma_wait3A_159 = arith.constant 4 : i32
      %dma_wait3A_160 = arith.constant 0 : i32
      %dma_wait3A_161 = tpu.memref_slice %arg6[%dma_wait3A_159, %dma_wait3A_160] : memref<32x64xi32, #tpu.memory_space<vmem>> -> memref<1x64xi32, #tpu.memory_space<vmem>>
      %dma_wait3A_162 = tpu.memref_squeeze %dma_wait3A_161 : memref<1x64xi32, #tpu.memory_space<vmem>> -> memref<64xi32, #tpu.memory_space<vmem>>
      %dma_wait3A_163 = arith.constant 0 : i32
      %dma_wait3A_164 = arith.constant 0 : i32
      %dma_wait3A_165 = tpu.memref_slice %arg2[%dma_wait3A_163, %dma_wait3A_164] : memref<10240x128xf32, #tpu.memory_space<hbm>> -> memref<10240x128xf32, #tpu.memory_space<hbm>>
      tpu.wait_indirect_dma semaphore(%arg17 : memref<!tpu.dma_semaphore, #tpu.memory_space<semaphore_mem>>) src(%dma_wait3A_165 : memref<10240x128xf32, #tpu.memory_space<hbm>>) dst(%arg12 : memref<64x128xf32, #tpu.memory_space<vmem>>)
      %dma_start3A_166 = arith.constant 4 : i32
      %dma_start3A_167 = arith.constant 0 : i32
      %dma_start3A_168 = tpu.memref_slice %arg7[%dma_start3A_166, %dma_start3A_167] : memref<32x64xi32, #tpu.memory_space<vmem>> -> memref<1x64xi32, #tpu.memory_space<vmem>>
      %dma_start3A_169 = tpu.memref_squeeze %dma_start3A_168 : memref<1x64xi32, #tpu.memory_space<vmem>> -> memref<64xi32, #tpu.memory_space<vmem>>
      %dma_start3A_170 = arith.constant 0 : i32
      %dma_start3A_171 = arith.constant 0 : i32
      %dma_start3A_172 = tpu.memref_slice %arg23[%dma_start3A_170, %dma_start3A_171] : memref<10240x128xf32, #tpu.memory_space<vmem_shared>> -> memref<10240x128xf32, #tpu.memory_space<vmem_shared>>
      tpu.enqueue_indirect_dma source(%arg12 : memref<64x128xf32, #tpu.memory_space<vmem>>) target(%dma_start3A_172 : memref<10240x128xf32, #tpu.memory_space<vmem_shared>>) offsets(%dma_start3A_169 : memref<64xi32, #tpu.memory_space<vmem>>) semaphore(%arg22 : memref<!tpu.dma_semaphore, #tpu.memory_space<semaphore_mem>>) {add = true}
      %dma_wait3A_173 = arith.constant 3 : i32
      %dma_wait3A_174 = arith.constant 0 : i32
      %dma_wait3A_175 = tpu.memref_slice %arg7[%dma_wait3A_173, %dma_wait3A_174] : memref<32x64xi32, #tpu.memory_space<vmem>> -> memref<1x64xi32, #tpu.memory_space<vmem>>
      %dma_wait3A_176 = tpu.memref_squeeze %dma_wait3A_175 : memref<1x64xi32, #tpu.memory_space<vmem>> -> memref<64xi32, #tpu.memory_space<vmem>>
      %dma_wait3A_177 = arith.constant 0 : i32
      %dma_wait3A_178 = arith.constant 0 : i32
      %dma_wait3A_179 = tpu.memref_slice %arg23[%dma_wait3A_177, %dma_wait3A_178] : memref<10240x128xf32, #tpu.memory_space<vmem_shared>> -> memref<10240x128xf32, #tpu.memory_space<vmem_shared>>
      tpu.wait_indirect_dma semaphore(%arg21 : memref<!tpu.dma_semaphore, #tpu.memory_space<semaphore_mem>>) src(%arg11 : memref<64x128xf32, #tpu.memory_space<vmem>>) dst(%dma_wait3A_179 : memref<10240x128xf32, #tpu.memory_space<vmem_shared>>)
      %dma_start3A_180 = arith.constant 8 : i32
      %dma_start3A_181 = arith.constant 0 : i32
      %dma_start3A_182 = tpu.memref_slice %arg6[%dma_start3A_180, %dma_start3A_181] : memref<32x64xi32, #tpu.memory_space<vmem>> -> memref<1x64xi32, #tpu.memory_space<vmem>>
      %dma_start3A_183 = tpu.memref_squeeze %dma_start3A_182 : memref<1x64xi32, #tpu.memory_space<vmem>> -> memref<64xi32, #tpu.memory_space<vmem>>
      %dma_start3A_184 = arith.constant 0 : i32
      %dma_start3A_185 = arith.constant 0 : i32
      %dma_start3A_186 = tpu.memref_slice %arg2[%dma_start3A_184, %dma_start3A_185] : memref<10240x128xf32, #tpu.memory_space<hbm>> -> memref<10240x128xf32, #tpu.memory_space<hbm>>
      tpu.enqueue_indirect_dma source(%dma_start3A_186 : memref<10240x128xf32, #tpu.memory_space<hbm>>) target(%arg11 : memref<64x128xf32, #tpu.memory_space<vmem>>) offsets(%dma_start3A_183 : memref<64xi32, #tpu.memory_space<vmem>>) semaphore(%arg16 : memref<!tpu.dma_semaphore, #tpu.memory_space<semaphore_mem>>)
      %dma_wait3A_187 = arith.constant 5 : i32
      %dma_wait3A_188 = arith.constant 0 : i32
      %dma_wait3A_189 = tpu.memref_slice %arg6[%dma_wait3A_187, %dma_wait3A_188] : memref<32x64xi32, #tpu.memory_space<vmem>> -> memref<1x64xi32, #tpu.memory_space<vmem>>
      %dma_wait3A_190 = tpu.memref_squeeze %dma_wait3A_189 : memref<1x64xi32, #tpu.memory_space<vmem>> -> memref<64xi32, #tpu.memory_space<vmem>>
      %dma_wait3A_191 = arith.constant 0 : i32
      %dma_wait3A_192 = arith.constant 0 : i32
      %dma_wait3A_193 = tpu.memref_slice %arg2[%dma_wait3A_191, %dma_wait3A_192] : memref<10240x128xf32, #tpu.memory_space<hbm>> -> memref<10240x128xf32, #tpu.memory_space<hbm>>
      tpu.wait_indirect_dma semaphore(%arg13 : memref<!tpu.dma_semaphore, #tpu.memory_space<semaphore_mem>>) src(%dma_wait3A_193 : memref<10240x128xf32, #tpu.memory_space<hbm>>) dst(%arg8 : memref<64x128xf32, #tpu.memory_space<vmem>>)
      %dma_start3A_194 = arith.constant 5 : i32
      %dma_start3A_195 = arith.constant 0 : i32
      %dma_start3A_196 = tpu.memref_slice %arg7[%dma_start3A_194, %dma_start3A_195] : memref<32x64xi32, #tpu.memory_space<vmem>> -> memref<1x64xi32, #tpu.memory_space<vmem>>
      %dma_start3A_197 = tpu.memref_squeeze %dma_start3A_196 : memref<1x64xi32, #tpu.memory_space<vmem>> -> memref<64xi32, #tpu.memory_space<vmem>>
      %dma_start3A_198 = arith.constant 0 : i32
      %dma_start3A_199 = arith.constant 0 : i32
      %dma_start3A_200 = tpu.memref_slice %arg23[%dma_start3A_198, %dma_start3A_199] : memref<10240x128xf32, #tpu.memory_space<vmem_shared>> -> memref<10240x128xf32, #tpu.memory_space<vmem_shared>>
      tpu.enqueue_indirect_dma source(%arg8 : memref<64x128xf32, #tpu.memory_space<vmem>>) target(%dma_start3A_200 : memref<10240x128xf32, #tpu.memory_space<vmem_shared>>) offsets(%dma_start3A_197 : memref<64xi32, #tpu.memory_space<vmem>>) semaphore(%arg18 : memref<!tpu.dma_semaphore, #tpu.memory_space<semaphore_mem>>) {add = true}
      %dma_wait3A_201 = arith.constant 4 : i32
      %dma_wait3A_202 = arith.constant 0 : i32
      %dma_wait3A_203 = tpu.memref_slice %arg7[%dma_wait3A_201, %dma_wait3A_202] : memref<32x64xi32, #tpu.memory_space<vmem>> -> memref<1x64xi32, #tpu.memory_space<vmem>>
      %dma_wait3A_204 = tpu.memref_squeeze %dma_wait3A_203 : memref<1x64xi32, #tpu.memory_space<vmem>> -> memref<64xi32, #tpu.memory_space<vmem>>
      %dma_wait3A_205 = arith.constant 0 : i32
      %dma_wait3A_206 = arith.constant 0 : i32
      %dma_wait3A_207 = tpu.memref_slice %arg23[%dma_wait3A_205, %dma_wait3A_206] : memref<10240x128xf32, #tpu.memory_space<vmem_shared>> -> memref<10240x128xf32, #tpu.memory_space<vmem_shared>>
      tpu.wait_indirect_dma semaphore(%arg22 : memref<!tpu.dma_semaphore, #tpu.memory_space<semaphore_mem>>) src(%arg12 : memref<64x128xf32, #tpu.memory_space<vmem>>) dst(%dma_wait3A_207 : memref<10240x128xf32, #tpu.memory_space<vmem_shared>>)
      %dma_start3A_208 = arith.constant 9 : i32
      %dma_start3A_209 = arith.constant 0 : i32
      %dma_start3A_210 = tpu.memref_slice %arg6[%dma_start3A_208, %dma_start3A_209] : memref<32x64xi32, #tpu.memory_space<vmem>> -> memref<1x64xi32, #tpu.memory_space<vmem>>
      %dma_start3A_211 = tpu.memref_squeeze %dma_start3A_210 : memref<1x64xi32, #tpu.memory_space<vmem>> -> memref<64xi32, #tpu.memory_space<vmem>>
      %dma_start3A_212 = arith.constant 0 : i32
      %dma_start3A_213 = arith.constant 0 : i32
      %dma_start3A_214 = tpu.memref_slice %arg2[%dma_start3A_212, %dma_start3A_213] : memref<10240x128xf32, #tpu.memory_space<hbm>> -> memref<10240x128xf32, #tpu.memory_space<hbm>>
      tpu.enqueue_indirect_dma source(%dma_start3A_214 : memref<10240x128xf32, #tpu.memory_space<hbm>>) target(%arg12 : memref<64x128xf32, #tpu.memory_space<vmem>>) offsets(%dma_start3A_211 : memref<64xi32, #tpu.memory_space<vmem>>) semaphore(%arg17 : memref<!tpu.dma_semaphore, #tpu.memory_space<semaphore_mem>>)
      %dma_wait3A_215 = arith.constant 6 : i32
      %dma_wait3A_216 = arith.constant 0 : i32
      %dma_wait3A_217 = tpu.memref_slice %arg6[%dma_wait3A_215, %dma_wait3A_216] : memref<32x64xi32, #tpu.memory_space<vmem>> -> memref<1x64xi32, #tpu.memory_space<vmem>>
      %dma_wait3A_218 = tpu.memref_squeeze %dma_wait3A_217 : memref<1x64xi32, #tpu.memory_space<vmem>> -> memref<64xi32, #tpu.memory_space<vmem>>
      %dma_wait3A_219 = arith.constant 0 : i32
      %dma_wait3A_220 = arith.constant 0 : i32
      %dma_wait3A_221 = tpu.memref_slice %arg2[%dma_wait3A_219, %dma_wait3A_220] : memref<10240x128xf32, #tpu.memory_space<hbm>> -> memref<10240x128xf32, #tpu.memory_space<hbm>>
      tpu.wait_indirect_dma semaphore(%arg14 : memref<!tpu.dma_semaphore, #tpu.memory_space<semaphore_mem>>) src(%dma_wait3A_221 : memref<10240x128xf32, #tpu.memory_space<hbm>>) dst(%arg9 : memref<64x128xf32, #tpu.memory_space<vmem>>)
      %dma_start3A_222 = arith.constant 6 : i32
      %dma_start3A_223 = arith.constant 0 : i32
      %dma_start3A_224 = tpu.memref_slice %arg7[%dma_start3A_222, %dma_start3A_223] : memref<32x64xi32, #tpu.memory_space<vmem>> -> memref<1x64xi32, #tpu.memory_space<vmem>>
      %dma_start3A_225 = tpu.memref_squeeze %dma_start3A_224 : memref<1x64xi32, #tpu.memory_space<vmem>> -> memref<64xi32, #tpu.memory_space<vmem>>
      %dma_start3A_226 = arith.constant 0 : i32
      %dma_start3A_227 = arith.constant 0 : i32
      %dma_start3A_228 = tpu.memref_slice %arg23[%dma_start3A_226, %dma_start3A_227] : memref<10240x128xf32, #tpu.memory_space<vmem_shared>> -> memref<10240x128xf32, #tpu.memory_space<vmem_shared>>
      tpu.enqueue_indirect_dma source(%arg9 : memref<64x128xf32, #tpu.memory_space<vmem>>) target(%dma_start3A_228 : memref<10240x128xf32, #tpu.memory_space<vmem_shared>>) offsets(%dma_start3A_225 : memref<64xi32, #tpu.memory_space<vmem>>) semaphore(%arg19 : memref<!tpu.dma_semaphore, #tpu.memory_space<semaphore_mem>>) {add = true}
      %dma_wait3A_229 = arith.constant 5 : i32
      %dma_wait3A_230 = arith.constant 0 : i32
      %dma_wait3A_231 = tpu.memref_slice %arg7[%dma_wait3A_229, %dma_wait3A_230] : memref<32x64xi32, #tpu.memory_space<vmem>> -> memref<1x64xi32, #tpu.memory_space<vmem>>
      %dma_wait3A_232 = tpu.memref_squeeze %dma_wait3A_231 : memref<1x64xi32, #tpu.memory_space<vmem>> -> memref<64xi32, #tpu.memory_space<vmem>>
      %dma_wait3A_233 = arith.constant 0 : i32
      %dma_wait3A_234 = arith.constant 0 : i32
      %dma_wait3A_235 = tpu.memref_slice %arg23[%dma_wait3A_233, %dma_wait3A_234] : memref<10240x128xf32, #tpu.memory_space<vmem_shared>> -> memref<10240x128xf32, #tpu.memory_space<vmem_shared>>
      tpu.wait_indirect_dma semaphore(%arg18 : memref<!tpu.dma_semaphore, #tpu.memory_space<semaphore_mem>>) src(%arg8 : memref<64x128xf32, #tpu.memory_space<vmem>>) dst(%dma_wait3A_235 : memref<10240x128xf32, #tpu.memory_space<vmem_shared>>)
      %dma_start3A_236 = arith.constant 10 : i32
      %dma_start3A_237 = arith.constant 0 : i32
      %dma_start3A_238 = tpu.memref_slice %arg6[%dma_start3A_236, %dma_start3A_237] : memref<32x64xi32, #tpu.memory_space<vmem>> -> memref<1x64xi32, #tpu.memory_space<vmem>>
      %dma_start3A_239 = tpu.memref_squeeze %dma_start3A_238 : memref<1x64xi32, #tpu.memory_space<vmem>> -> memref<64xi32, #tpu.memory_space<vmem>>
      %dma_start3A_240 = arith.constant 0 : i32
      %dma_start3A_241 = arith.constant 0 : i32
      %dma_start3A_242 = tpu.memref_slice %arg2[%dma_start3A_240, %dma_start3A_241] : memref<10240x128xf32, #tpu.memory_space<hbm>> -> memref<10240x128xf32, #tpu.memory_space<hbm>>
      tpu.enqueue_indirect_dma source(%dma_start3A_242 : memref<10240x128xf32, #tpu.memory_space<hbm>>) target(%arg8 : memref<64x128xf32, #tpu.memory_space<vmem>>) offsets(%dma_start3A_239 : memref<64xi32, #tpu.memory_space<vmem>>) semaphore(%arg13 : memref<!tpu.dma_semaphore, #tpu.memory_space<semaphore_mem>>)
      %dma_wait3A_243 = arith.constant 7 : i32
      %dma_wait3A_244 = arith.constant 0 : i32
      %dma_wait3A_245 = tpu.memref_slice %arg6[%dma_wait3A_243, %dma_wait3A_244] : memref<32x64xi32, #tpu.memory_space<vmem>> -> memref<1x64xi32, #tpu.memory_space<vmem>>
      %dma_wait3A_246 = tpu.memref_squeeze %dma_wait3A_245 : memref<1x64xi32, #tpu.memory_space<vmem>> -> memref<64xi32, #tpu.memory_space<vmem>>
      %dma_wait3A_247 = arith.constant 0 : i32
      %dma_wait3A_248 = arith.constant 0 : i32
      %dma_wait3A_249 = tpu.memref_slice %arg2[%dma_wait3A_247, %dma_wait3A_248] : memref<10240x128xf32, #tpu.memory_space<hbm>> -> memref<10240x128xf32, #tpu.memory_space<hbm>>
      tpu.wait_indirect_dma semaphore(%arg15 : memref<!tpu.dma_semaphore, #tpu.memory_space<semaphore_mem>>) src(%dma_wait3A_249 : memref<10240x128xf32, #tpu.memory_space<hbm>>) dst(%arg10 : memref<64x128xf32, #tpu.memory_space<vmem>>)
      %dma_start3A_250 = arith.constant 7 : i32
      %dma_start3A_251 = arith.constant 0 : i32
      %dma_start3A_252 = tpu.memref_slice %arg7[%dma_start3A_250, %dma_start3A_251] : memref<32x64xi32, #tpu.memory_space<vmem>> -> memref<1x64xi32, #tpu.memory_space<vmem>>
      %dma_start3A_253 = tpu.memref_squeeze %dma_start3A_252 : memref<1x64xi32, #tpu.memory_space<vmem>> -> memref<64xi32, #tpu.memory_space<vmem>>
      %dma_start3A_254 = arith.constant 0 : i32
      %dma_start3A_255 = arith.constant 0 : i32
      %dma_start3A_256 = tpu.memref_slice %arg23[%dma_start3A_254, %dma_start3A_255] : memref<10240x128xf32, #tpu.memory_space<vmem_shared>> -> memref<10240x128xf32, #tpu.memory_space<vmem_shared>>
      tpu.enqueue_indirect_dma source(%arg10 : memref<64x128xf32, #tpu.memory_space<vmem>>) target(%dma_start3A_256 : memref<10240x128xf32, #tpu.memory_space<vmem_shared>>) offsets(%dma_start3A_253 : memref<64xi32, #tpu.memory_space<vmem>>) semaphore(%arg20 : memref<!tpu.dma_semaphore, #tpu.memory_space<semaphore_mem>>) {add = true}
      %dma_wait3A_257 = arith.constant 6 : i32
      %dma_wait3A_258 = arith.constant 0 : i32
      %dma_wait3A_259 = tpu.memref_slice %arg7[%dma_wait3A_257, %dma_wait3A_258] : memref<32x64xi32, #tpu.memory_space<vmem>> -> memref<1x64xi32, #tpu.memory_space<vmem>>
      %dma_wait3A_260 = tpu.memref_squeeze %dma_wait3A_259 : memref<1x64xi32, #tpu.memory_space<vmem>> -> memref<64xi32, #tpu.memory_space<vmem>>
      %dma_wait3A_261 = arith.constant 0 : i32
      %dma_wait3A_262 = arith.constant 0 : i32
      %dma_wait3A_263 = tpu.memref_slice %arg23[%dma_wait3A_261, %dma_wait3A_262] : memref<10240x128xf32, #tpu.memory_space<vmem_shared>> -> memref<10240x128xf32, #tpu.memory_space<vmem_shared>>
      tpu.wait_indirect_dma semaphore(%arg19 : memref<!tpu.dma_semaphore, #tpu.memory_space<semaphore_mem>>) src(%arg9 : memref<64x128xf32, #tpu.memory_space<vmem>>) dst(%dma_wait3A_263 : memref<10240x128xf32, #tpu.memory_space<vmem_shared>>)
      %dma_start3A_264 = arith.constant 11 : i32
      %dma_start3A_265 = arith.constant 0 : i32
      %dma_start3A_266 = tpu.memref_slice %arg6[%dma_start3A_264, %dma_start3A_265] : memref<32x64xi32, #tpu.memory_space<vmem>> -> memref<1x64xi32, #tpu.memory_space<vmem>>
      %dma_start3A_267 = tpu.memref_squeeze %dma_start3A_266 : memref<1x64xi32, #tpu.memory_space<vmem>> -> memref<64xi32, #tpu.memory_space<vmem>>
      %dma_start3A_268 = arith.constant 0 : i32
      %dma_start3A_269 = arith.constant 0 : i32
      %dma_start3A_270 = tpu.memref_slice %arg2[%dma_start3A_268, %dma_start3A_269] : memref<10240x128xf32, #tpu.memory_space<hbm>> -> memref<10240x128xf32, #tpu.memory_space<hbm>>
      tpu.enqueue_indirect_dma source(%dma_start3A_270 : memref<10240x128xf32, #tpu.memory_space<hbm>>) target(%arg9 : memref<64x128xf32, #tpu.memory_space<vmem>>) offsets(%dma_start3A_267 : memref<64xi32, #tpu.memory_space<vmem>>) semaphore(%arg14 : memref<!tpu.dma_semaphore, #tpu.memory_space<semaphore_mem>>)
      %dma_wait3A_271 = arith.constant 8 : i32
      %dma_wait3A_272 = arith.constant 0 : i32
      %dma_wait3A_273 = tpu.memref_slice %arg6[%dma_wait3A_271, %dma_wait3A_272] : memref<32x64xi32, #tpu.memory_space<vmem>> -> memref<1x64xi32, #tpu.memory_space<vmem>>
      %dma_wait3A_274 = tpu.memref_squeeze %dma_wait3A_273 : memref<1x64xi32, #tpu.memory_space<vmem>> -> memref<64xi32, #tpu.memory_space<vmem>>
      %dma_wait3A_275 = arith.constant 0 : i32
      %dma_wait3A_276 = arith.constant 0 : i32
      %dma_wait3A_277 = tpu.memref_slice %arg2[%dma_wait3A_275, %dma_wait3A_276] : memref<10240x128xf32, #tpu.memory_space<hbm>> -> memref<10240x128xf32, #tpu.memory_space<hbm>>
      tpu.wait_indirect_dma semaphore(%arg16 : memref<!tpu.dma_semaphore, #tpu.memory_space<semaphore_mem>>) src(%dma_wait3A_277 : memref<10240x128xf32, #tpu.memory_space<hbm>>) dst(%arg11 : memref<64x128xf32, #tpu.memory_space<vmem>>)
      %dma_start3A_278 = arith.constant 8 : i32
      %dma_start3A_279 = arith.constant 0 : i32
      %dma_start3A_280 = tpu.memref_slice %arg7[%dma_start3A_278, %dma_start3A_279] : memref<32x64xi32, #tpu.memory_space<vmem>> -> memref<1x64xi32, #tpu.memory_space<vmem>>
      %dma_start3A_281 = tpu.memref_squeeze %dma_start3A_280 : memref<1x64xi32, #tpu.memory_space<vmem>> -> memref<64xi32, #tpu.memory_space<vmem>>
      %dma_start3A_282 = arith.constant 0 : i32
      %dma_start3A_283 = arith.constant 0 : i32
      %dma_start3A_284 = tpu.memref_slice %arg23[%dma_start3A_282, %dma_start3A_283] : memref<10240x128xf32, #tpu.memory_space<vmem_shared>> -> memref<10240x128xf32, #tpu.memory_space<vmem_shared>>
      tpu.enqueue_indirect_dma source(%arg11 : memref<64x128xf32, #tpu.memory_space<vmem>>) target(%dma_start3A_284 : memref<10240x128xf32, #tpu.memory_space<vmem_shared>>) offsets(%dma_start3A_281 : memref<64xi32, #tpu.memory_space<vmem>>) semaphore(%arg21 : memref<!tpu.dma_semaphore, #tpu.memory_space<semaphore_mem>>) {add = true}
      %dma_wait3A_285 = arith.constant 7 : i32
      %dma_wait3A_286 = arith.constant 0 : i32
      %dma_wait3A_287 = tpu.memref_slice %arg7[%dma_wait3A_285, %dma_wait3A_286] : memref<32x64xi32, #tpu.memory_space<vmem>> -> memref<1x64xi32, #tpu.memory_space<vmem>>
      %dma_wait3A_288 = tpu.memref_squeeze %dma_wait3A_287 : memref<1x64xi32, #tpu.memory_space<vmem>> -> memref<64xi32, #tpu.memory_space<vmem>>
      %dma_wait3A_289 = arith.constant 0 : i32
      %dma_wait3A_290 = arith.constant 0 : i32
      %dma_wait3A_291 = tpu.memref_slice %arg23[%dma_wait3A_289, %dma_wait3A_290] : memref<10240x128xf32, #tpu.memory_space<vmem_shared>> -> memref<10240x128xf32, #tpu.memory_space<vmem_shared>>
      tpu.wait_indirect_dma semaphore(%arg20 : memref<!tpu.dma_semaphore, #tpu.memory_space<semaphore_mem>>) src(%arg10 : memref<64x128xf32, #tpu.memory_space<vmem>>) dst(%dma_wait3A_291 : memref<10240x128xf32, #tpu.memory_space<vmem_shared>>)
      %dma_start3A_292 = arith.constant 12 : i32
      %dma_start3A_293 = arith.constant 0 : i32
      %dma_start3A_294 = tpu.memref_slice %arg6[%dma_start3A_292, %dma_start3A_293] : memref<32x64xi32, #tpu.memory_space<vmem>> -> memref<1x64xi32, #tpu.memory_space<vmem>>
      %dma_start3A_295 = tpu.memref_squeeze %dma_start3A_294 : memref<1x64xi32, #tpu.memory_space<vmem>> -> memref<64xi32, #tpu.memory_space<vmem>>
      %dma_start3A_296 = arith.constant 0 : i32
      %dma_start3A_297 = arith.constant 0 : i32
      %dma_start3A_298 = tpu.memref_slice %arg2[%dma_start3A_296, %dma_start3A_297] : memref<10240x128xf32, #tpu.memory_space<hbm>> -> memref<10240x128xf32, #tpu.memory_space<hbm>>
      tpu.enqueue_indirect_dma source(%dma_start3A_298 : memref<10240x128xf32, #tpu.memory_space<hbm>>) target(%arg10 : memref<64x128xf32, #tpu.memory_space<vmem>>) offsets(%dma_start3A_295 : memref<64xi32, #tpu.memory_space<vmem>>) semaphore(%arg15 : memref<!tpu.dma_semaphore, #tpu.memory_space<semaphore_mem>>)
      %dma_wait3A_299 = arith.constant 9 : i32
      %dma_wait3A_300 = arith.constant 0 : i32
      %dma_wait3A_301 = tpu.memref_slice %arg6[%dma_wait3A_299, %dma_wait3A_300] : memref<32x64xi32, #tpu.memory_space<vmem>> -> memref<1x64xi32, #tpu.memory_space<vmem>>
      %dma_wait3A_302 = tpu.memref_squeeze %dma_wait3A_301 : memref<1x64xi32, #tpu.memory_space<vmem>> -> memref<64xi32, #tpu.memory_space<vmem>>
      %dma_wait3A_303 = arith.constant 0 : i32
      %dma_wait3A_304 = arith.constant 0 : i32
      %dma_wait3A_305 = tpu.memref_slice %arg2[%dma_wait3A_303, %dma_wait3A_304] : memref<10240x128xf32, #tpu.memory_space<hbm>> -> memref<10240x128xf32, #tpu.memory_space<hbm>>
      tpu.wait_indirect_dma semaphore(%arg17 : memref<!tpu.dma_semaphore, #tpu.memory_space<semaphore_mem>>) src(%dma_wait3A_305 : memref<10240x128xf32, #tpu.memory_space<hbm>>) dst(%arg12 : memref<64x128xf32, #tpu.memory_space<vmem>>)
      %dma_start3A_306 = arith.constant 9 : i32
      %dma_start3A_307 = arith.constant 0 : i32
      %dma_start3A_308 = tpu.memref_slice %arg7[%dma_start3A_306, %dma_start3A_307] : memref<32x64xi32, #tpu.memory_space<vmem>> -> memref<1x64xi32, #tpu.memory_space<vmem>>
      %dma_start3A_309 = tpu.memref_squeeze %dma_start3A_308 : memref<1x64xi32, #tpu.memory_space<vmem>> -> memref<64xi32, #tpu.memory_space<vmem>>
      %dma_start3A_310 = arith.constant 0 : i32
      %dma_start3A_311 = arith.constant 0 : i32
      %dma_start3A_312 = tpu.memref_slice %arg23[%dma_start3A_310, %dma_start3A_311] : memref<10240x128xf32, #tpu.memory_space<vmem_shared>> -> memref<10240x128xf32, #tpu.memory_space<vmem_shared>>
      tpu.enqueue_indirect_dma source(%arg12 : memref<64x128xf32, #tpu.memory_space<vmem>>) target(%dma_start3A_312 : memref<10240x128xf32, #tpu.memory_space<vmem_shared>>) offsets(%dma_start3A_309 : memref<64xi32, #tpu.memory_space<vmem>>) semaphore(%arg22 : memref<!tpu.dma_semaphore, #tpu.memory_space<semaphore_mem>>) {add = true}
      %dma_wait3A_313 = arith.constant 8 : i32
      %dma_wait3A_314 = arith.constant 0 : i32
      %dma_wait3A_315 = tpu.memref_slice %arg7[%dma_wait3A_313, %dma_wait3A_314] : memref<32x64xi32, #tpu.memory_space<vmem>> -> memref<1x64xi32, #tpu.memory_space<vmem>>
      %dma_wait3A_316 = tpu.memref_squeeze %dma_wait3A_315 : memref<1x64xi32, #tpu.memory_space<vmem>> -> memref<64xi32, #tpu.memory_space<vmem>>
      %dma_wait3A_317 = arith.constant 0 : i32
      %dma_wait3A_318 = arith.constant 0 : i32
      %dma_wait3A_319 = tpu.memref_slice %arg23[%dma_wait3A_317, %dma_wait3A_318] : memref<10240x128xf32, #tpu.memory_space<vmem_shared>> -> memref<10240x128xf32, #tpu.memory_space<vmem_shared>>
      tpu.wait_indirect_dma semaphore(%arg21 : memref<!tpu.dma_semaphore, #tpu.memory_space<semaphore_mem>>) src(%arg11 : memref<64x128xf32, #tpu.memory_space<vmem>>) dst(%dma_wait3A_319 : memref<10240x128xf32, #tpu.memory_space<vmem_shared>>)
      %dma_start3A_320 = arith.constant 13 : i32
      %dma_start3A_321 = arith.constant 0 : i32
      %dma_start3A_322 = tpu.memref_slice %arg6[%dma_start3A_320, %dma_start3A_321] : memref<32x64xi32, #tpu.memory_space<vmem>> -> memref<1x64xi32, #tpu.memory_space<vmem>>
      %dma_start3A_323 = tpu.memref_squeeze %dma_start3A_322 : memref<1x64xi32, #tpu.memory_space<vmem>> -> memref<64xi32, #tpu.memory_space<vmem>>
      %dma_start3A_324 = arith.constant 0 : i32
      %dma_start3A_325 = arith.constant 0 : i32
      %dma_start3A_326 = tpu.memref_slice %arg2[%dma_start3A_324, %dma_start3A_325] : memref<10240x128xf32, #tpu.memory_space<hbm>> -> memref<10240x128xf32, #tpu.memory_space<hbm>>
      tpu.enqueue_indirect_dma source(%dma_start3A_326 : memref<10240x128xf32, #tpu.memory_space<hbm>>) target(%arg11 : memref<64x128xf32, #tpu.memory_space<vmem>>) offsets(%dma_start3A_323 : memref<64xi32, #tpu.memory_space<vmem>>) semaphore(%arg16 : memref<!tpu.dma_semaphore, #tpu.memory_space<semaphore_mem>>)
      %dma_wait3A_327 = arith.constant 10 : i32
      %dma_wait3A_328 = arith.constant 0 : i32
      %dma_wait3A_329 = tpu.memref_slice %arg6[%dma_wait3A_327, %dma_wait3A_328] : memref<32x64xi32, #tpu.memory_space<vmem>> -> memref<1x64xi32, #tpu.memory_space<vmem>>
      %dma_wait3A_330 = tpu.memref_squeeze %dma_wait3A_329 : memref<1x64xi32, #tpu.memory_space<vmem>> -> memref<64xi32, #tpu.memory_space<vmem>>
      %dma_wait3A_331 = arith.constant 0 : i32
      %dma_wait3A_332 = arith.constant 0 : i32
      %dma_wait3A_333 = tpu.memref_slice %arg2[%dma_wait3A_331, %dma_wait3A_332] : memref<10240x128xf32, #tpu.memory_space<hbm>> -> memref<10240x128xf32, #tpu.memory_space<hbm>>
      tpu.wait_indirect_dma semaphore(%arg13 : memref<!tpu.dma_semaphore, #tpu.memory_space<semaphore_mem>>) src(%dma_wait3A_333 : memref<10240x128xf32, #tpu.memory_space<hbm>>) dst(%arg8 : memref<64x128xf32, #tpu.memory_space<vmem>>)
      %dma_start3A_334 = arith.constant 10 : i32
      %dma_start3A_335 = arith.constant 0 : i32
      %dma_start3A_336 = tpu.memref_slice %arg7[%dma_start3A_334, %dma_start3A_335] : memref<32x64xi32, #tpu.memory_space<vmem>> -> memref<1x64xi32, #tpu.memory_space<vmem>>
      %dma_start3A_337 = tpu.memref_squeeze %dma_start3A_336 : memref<1x64xi32, #tpu.memory_space<vmem>> -> memref<64xi32, #tpu.memory_space<vmem>>
      %dma_start3A_338 = arith.constant 0 : i32
      %dma_start3A_339 = arith.constant 0 : i32
      %dma_start3A_340 = tpu.memref_slice %arg23[%dma_start3A_338, %dma_start3A_339] : memref<10240x128xf32, #tpu.memory_space<vmem_shared>> -> memref<10240x128xf32, #tpu.memory_space<vmem_shared>>
      tpu.enqueue_indirect_dma source(%arg8 : memref<64x128xf32, #tpu.memory_space<vmem>>) target(%dma_start3A_340 : memref<10240x128xf32, #tpu.memory_space<vmem_shared>>) offsets(%dma_start3A_337 : memref<64xi32, #tpu.memory_space<vmem>>) semaphore(%arg18 : memref<!tpu.dma_semaphore, #tpu.memory_space<semaphore_mem>>) {add = true}
      %dma_wait3A_341 = arith.constant 9 : i32
      %dma_wait3A_342 = arith.constant 0 : i32
      %dma_wait3A_343 = tpu.memref_slice %arg7[%dma_wait3A_341, %dma_wait3A_342] : memref<32x64xi32, #tpu.memory_space<vmem>> -> memref<1x64xi32, #tpu.memory_space<vmem>>
      %dma_wait3A_344 = tpu.memref_squeeze %dma_wait3A_343 : memref<1x64xi32, #tpu.memory_space<vmem>> -> memref<64xi32, #tpu.memory_space<vmem>>
      %dma_wait3A_345 = arith.constant 0 : i32
      %dma_wait3A_346 = arith.constant 0 : i32
      %dma_wait3A_347 = tpu.memref_slice %arg23[%dma_wait3A_345, %dma_wait3A_346] : memref<10240x128xf32, #tpu.memory_space<vmem_shared>> -> memref<10240x128xf32, #tpu.memory_space<vmem_shared>>
      tpu.wait_indirect_dma semaphore(%arg22 : memref<!tpu.dma_semaphore, #tpu.memory_space<semaphore_mem>>) src(%arg12 : memref<64x128xf32, #tpu.memory_space<vmem>>) dst(%dma_wait3A_347 : memref<10240x128xf32, #tpu.memory_space<vmem_shared>>)
      %dma_start3A_348 = arith.constant 14 : i32
      %dma_start3A_349 = arith.constant 0 : i32
      %dma_start3A_350 = tpu.memref_slice %arg6[%dma_start3A_348, %dma_start3A_349] : memref<32x64xi32, #tpu.memory_space<vmem>> -> memref<1x64xi32, #tpu.memory_space<vmem>>
      %dma_start3A_351 = tpu.memref_squeeze %dma_start3A_350 : memref<1x64xi32, #tpu.memory_space<vmem>> -> memref<64xi32, #tpu.memory_space<vmem>>
      %dma_start3A_352 = arith.constant 0 : i32
      %dma_start3A_353 = arith.constant 0 : i32
      %dma_start3A_354 = tpu.memref_slice %arg2[%dma_start3A_352, %dma_start3A_353] : memref<10240x128xf32, #tpu.memory_space<hbm>> -> memref<10240x128xf32, #tpu.memory_space<hbm>>
      tpu.enqueue_indirect_dma source(%dma_start3A_354 : memref<10240x128xf32, #tpu.memory_space<hbm>>) target(%arg12 : memref<64x128xf32, #tpu.memory_space<vmem>>) offsets(%dma_start3A_351 : memref<64xi32, #tpu.memory_space<vmem>>) semaphore(%arg17 : memref<!tpu.dma_semaphore, #tpu.memory_space<semaphore_mem>>)
      %dma_wait3A_355 = arith.constant 11 : i32
      %dma_wait3A_356 = arith.constant 0 : i32
      %dma_wait3A_357 = tpu.memref_slice %arg6[%dma_wait3A_355, %dma_wait3A_356] : memref<32x64xi32, #tpu.memory_space<vmem>> -> memref<1x64xi32, #tpu.memory_space<vmem>>
      %dma_wait3A_358 = tpu.memref_squeeze %dma_wait3A_357 : memref<1x64xi32, #tpu.memory_space<vmem>> -> memref<64xi32, #tpu.memory_space<vmem>>
      %dma_wait3A_359 = arith.constant 0 : i32
      %dma_wait3A_360 = arith.constant 0 : i32
      %dma_wait3A_361 = tpu.memref_slice %arg2[%dma_wait3A_359, %dma_wait3A_360] : memref<10240x128xf32, #tpu.memory_space<hbm>> -> memref<10240x128xf32, #tpu.memory_space<hbm>>
      tpu.wait_indirect_dma semaphore(%arg14 : memref<!tpu.dma_semaphore, #tpu.memory_space<semaphore_mem>>) src(%dma_wait3A_361 : memref<10240x128xf32, #tpu.memory_space<hbm>>) dst(%arg9 : memref<64x128xf32, #tpu.memory_space<vmem>>)
      %dma_start3A_362 = arith.constant 11 : i32
      %dma_start3A_363 = arith.constant 0 : i32
      %dma_start3A_364 = tpu.memref_slice %arg7[%dma_start3A_362, %dma_start3A_363] : memref<32x64xi32, #tpu.memory_space<vmem>> -> memref<1x64xi32, #tpu.memory_space<vmem>>
      %dma_start3A_365 = tpu.memref_squeeze %dma_start3A_364 : memref<1x64xi32, #tpu.memory_space<vmem>> -> memref<64xi32, #tpu.memory_space<vmem>>
      %dma_start3A_366 = arith.constant 0 : i32
      %dma_start3A_367 = arith.constant 0 : i32
      %dma_start3A_368 = tpu.memref_slice %arg23[%dma_start3A_366, %dma_start3A_367] : memref<10240x128xf32, #tpu.memory_space<vmem_shared>> -> memref<10240x128xf32, #tpu.memory_space<vmem_shared>>
      tpu.enqueue_indirect_dma source(%arg9 : memref<64x128xf32, #tpu.memory_space<vmem>>) target(%dma_start3A_368 : memref<10240x128xf32, #tpu.memory_space<vmem_shared>>) offsets(%dma_start3A_365 : memref<64xi32, #tpu.memory_space<vmem>>) semaphore(%arg19 : memref<!tpu.dma_semaphore, #tpu.memory_space<semaphore_mem>>) {add = true}
      %dma_wait3A_369 = arith.constant 10 : i32
      %dma_wait3A_370 = arith.constant 0 : i32
      %dma_wait3A_371 = tpu.memref_slice %arg7[%dma_wait3A_369, %dma_wait3A_370] : memref<32x64xi32, #tpu.memory_space<vmem>> -> memref<1x64xi32, #tpu.memory_space<vmem>>
      %dma_wait3A_372 = tpu.memref_squeeze %dma_wait3A_371 : memref<1x64xi32, #tpu.memory_space<vmem>> -> memref<64xi32, #tpu.memory_space<vmem>>
      %dma_wait3A_373 = arith.constant 0 : i32
      %dma_wait3A_374 = arith.constant 0 : i32
      %dma_wait3A_375 = tpu.memref_slice %arg23[%dma_wait3A_373, %dma_wait3A_374] : memref<10240x128xf32, #tpu.memory_space<vmem_shared>> -> memref<10240x128xf32, #tpu.memory_space<vmem_shared>>
      tpu.wait_indirect_dma semaphore(%arg18 : memref<!tpu.dma_semaphore, #tpu.memory_space<semaphore_mem>>) src(%arg8 : memref<64x128xf32, #tpu.memory_space<vmem>>) dst(%dma_wait3A_375 : memref<10240x128xf32, #tpu.memory_space<vmem_shared>>)
      %dma_start3A_376 = arith.constant 15 : i32
      %dma_start3A_377 = arith.constant 0 : i32
      %dma_start3A_378 = tpu.memref_slice %arg6[%dma_start3A_376, %dma_start3A_377] : memref<32x64xi32, #tpu.memory_space<vmem>> -> memref<1x64xi32, #tpu.memory_space<vmem>>
      %dma_start3A_379 = tpu.memref_squeeze %dma_start3A_378 : memref<1x64xi32, #tpu.memory_space<vmem>> -> memref<64xi32, #tpu.memory_space<vmem>>
      %dma_start3A_380 = arith.constant 0 : i32
      %dma_start3A_381 = arith.constant 0 : i32
      %dma_start3A_382 = tpu.memref_slice %arg2[%dma_start3A_380, %dma_start3A_381] : memref<10240x128xf32, #tpu.memory_space<hbm>> -> memref<10240x128xf32, #tpu.memory_space<hbm>>
      tpu.enqueue_indirect_dma source(%dma_start3A_382 : memref<10240x128xf32, #tpu.memory_space<hbm>>) target(%arg8 : memref<64x128xf32, #tpu.memory_space<vmem>>) offsets(%dma_start3A_379 : memref<64xi32, #tpu.memory_space<vmem>>) semaphore(%arg13 : memref<!tpu.dma_semaphore, #tpu.memory_space<semaphore_mem>>)
      %dma_wait3A_383 = arith.constant 12 : i32
      %dma_wait3A_384 = arith.constant 0 : i32
      %dma_wait3A_385 = tpu.memref_slice %arg6[%dma_wait3A_383, %dma_wait3A_384] : memref<32x64xi32, #tpu.memory_space<vmem>> -> memref<1x64xi32, #tpu.memory_space<vmem>>
      %dma_wait3A_386 = tpu.memref_squeeze %dma_wait3A_385 : memref<1x64xi32, #tpu.memory_space<vmem>> -> memref<64xi32, #tpu.memory_space<vmem>>
      %dma_wait3A_387 = arith.constant 0 : i32
      %dma_wait3A_388 = arith.constant 0 : i32
      %dma_wait3A_389 = tpu.memref_slice %arg2[%dma_wait3A_387, %dma_wait3A_388] : memref<10240x128xf32, #tpu.memory_space<hbm>> -> memref<10240x128xf32, #tpu.memory_space<hbm>>
      tpu.wait_indirect_dma semaphore(%arg15 : memref<!tpu.dma_semaphore, #tpu.memory_space<semaphore_mem>>) src(%dma_wait3A_389 : memref<10240x128xf32, #tpu.memory_space<hbm>>) dst(%arg10 : memref<64x128xf32, #tpu.memory_space<vmem>>)
      %dma_start3A_390 = arith.constant 12 : i32
      %dma_start3A_391 = arith.constant 0 : i32
      %dma_start3A_392 = tpu.memref_slice %arg7[%dma_start3A_390, %dma_start3A_391] : memref<32x64xi32, #tpu.memory_space<vmem>> -> memref<1x64xi32, #tpu.memory_space<vmem>>
      %dma_start3A_393 = tpu.memref_squeeze %dma_start3A_392 : memref<1x64xi32, #tpu.memory_space<vmem>> -> memref<64xi32, #tpu.memory_space<vmem>>
      %dma_start3A_394 = arith.constant 0 : i32
      %dma_start3A_395 = arith.constant 0 : i32
      %dma_start3A_396 = tpu.memref_slice %arg23[%dma_start3A_394, %dma_start3A_395] : memref<10240x128xf32, #tpu.memory_space<vmem_shared>> -> memref<10240x128xf32, #tpu.memory_space<vmem_shared>>
      tpu.enqueue_indirect_dma source(%arg10 : memref<64x128xf32, #tpu.memory_space<vmem>>) target(%dma_start3A_396 : memref<10240x128xf32, #tpu.memory_space<vmem_shared>>) offsets(%dma_start3A_393 : memref<64xi32, #tpu.memory_space<vmem>>) semaphore(%arg20 : memref<!tpu.dma_semaphore, #tpu.memory_space<semaphore_mem>>) {add = true}
      %dma_wait3A_397 = arith.constant 11 : i32
      %dma_wait3A_398 = arith.constant 0 : i32
      %dma_wait3A_399 = tpu.memref_slice %arg7[%dma_wait3A_397, %dma_wait3A_398] : memref<32x64xi32, #tpu.memory_space<vmem>> -> memref<1x64xi32, #tpu.memory_space<vmem>>
      %dma_wait3A_400 = tpu.memref_squeeze %dma_wait3A_399 : memref<1x64xi32, #tpu.memory_space<vmem>> -> memref<64xi32, #tpu.memory_space<vmem>>
      %dma_wait3A_401 = arith.constant 0 : i32
      %dma_wait3A_402 = arith.constant 0 : i32
      %dma_wait3A_403 = tpu.memref_slice %arg23[%dma_wait3A_401, %dma_wait3A_402] : memref<10240x128xf32, #tpu.memory_space<vmem_shared>> -> memref<10240x128xf32, #tpu.memory_space<vmem_shared>>
      tpu.wait_indirect_dma semaphore(%arg19 : memref<!tpu.dma_semaphore, #tpu.memory_space<semaphore_mem>>) src(%arg9 : memref<64x128xf32, #tpu.memory_space<vmem>>) dst(%dma_wait3A_403 : memref<10240x128xf32, #tpu.memory_space<vmem_shared>>)
      %dma_start3A_404 = arith.constant 16 : i32
      %dma_start3A_405 = arith.constant 0 : i32
      %dma_start3A_406 = tpu.memref_slice %arg6[%dma_start3A_404, %dma_start3A_405] : memref<32x64xi32, #tpu.memory_space<vmem>> -> memref<1x64xi32, #tpu.memory_space<vmem>>
      %dma_start3A_407 = tpu.memref_squeeze %dma_start3A_406 : memref<1x64xi32, #tpu.memory_space<vmem>> -> memref<64xi32, #tpu.memory_space<vmem>>
      %dma_start3A_408 = arith.constant 0 : i32
      %dma_start3A_409 = arith.constant 0 : i32
      %dma_start3A_410 = tpu.memref_slice %arg2[%dma_start3A_408, %dma_start3A_409] : memref<10240x128xf32, #tpu.memory_space<hbm>> -> memref<10240x128xf32, #tpu.memory_space<hbm>>
      tpu.enqueue_indirect_dma source(%dma_start3A_410 : memref<10240x128xf32, #tpu.memory_space<hbm>>) target(%arg9 : memref<64x128xf32, #tpu.memory_space<vmem>>) offsets(%dma_start3A_407 : memref<64xi32, #tpu.memory_space<vmem>>) semaphore(%arg14 : memref<!tpu.dma_semaphore, #tpu.memory_space<semaphore_mem>>)
      %dma_wait3A_411 = arith.constant 13 : i32
      %dma_wait3A_412 = arith.constant 0 : i32
      %dma_wait3A_413 = tpu.memref_slice %arg6[%dma_wait3A_411, %dma_wait3A_412] : memref<32x64xi32, #tpu.memory_space<vmem>> -> memref<1x64xi32, #tpu.memory_space<vmem>>
      %dma_wait3A_414 = tpu.memref_squeeze %dma_wait3A_413 : memref<1x64xi32, #tpu.memory_space<vmem>> -> memref<64xi32, #tpu.memory_space<vmem>>
      %dma_wait3A_415 = arith.constant 0 : i32
      %dma_wait3A_416 = arith.constant 0 : i32
      %dma_wait3A_417 = tpu.memref_slice %arg2[%dma_wait3A_415, %dma_wait3A_416] : memref<10240x128xf32, #tpu.memory_space<hbm>> -> memref<10240x128xf32, #tpu.memory_space<hbm>>
      tpu.wait_indirect_dma semaphore(%arg16 : memref<!tpu.dma_semaphore, #tpu.memory_space<semaphore_mem>>) src(%dma_wait3A_417 : memref<10240x128xf32, #tpu.memory_space<hbm>>) dst(%arg11 : memref<64x128xf32, #tpu.memory_space<vmem>>)
      %dma_start3A_418 = arith.constant 13 : i32
      %dma_start3A_419 = arith.constant 0 : i32
      %dma_start3A_420 = tpu.memref_slice %arg7[%dma_start3A_418, %dma_start3A_419] : memref<32x64xi32, #tpu.memory_space<vmem>> -> memref<1x64xi32, #tpu.memory_space<vmem>>
      %dma_start3A_421 = tpu.memref_squeeze %dma_start3A_420 : memref<1x64xi32, #tpu.memory_space<vmem>> -> memref<64xi32, #tpu.memory_space<vmem>>
      %dma_start3A_422 = arith.constant 0 : i32
      %dma_start3A_423 = arith.constant 0 : i32
      %dma_start3A_424 = tpu.memref_slice %arg23[%dma_start3A_422, %dma_start3A_423] : memref<10240x128xf32, #tpu.memory_space<vmem_shared>> -> memref<10240x128xf32, #tpu.memory_space<vmem_shared>>
      tpu.enqueue_indirect_dma source(%arg11 : memref<64x128xf32, #tpu.memory_space<vmem>>) target(%dma_start3A_424 : memref<10240x128xf32, #tpu.memory_space<vmem_shared>>) offsets(%dma_start3A_421 : memref<64xi32, #tpu.memory_space<vmem>>) semaphore(%arg21 : memref<!tpu.dma_semaphore, #tpu.memory_space<semaphore_mem>>) {add = true}
      %dma_wait3A_425 = arith.constant 12 : i32
      %dma_wait3A_426 = arith.constant 0 : i32
      %dma_wait3A_427 = tpu.memref_slice %arg7[%dma_wait3A_425, %dma_wait3A_426] : memref<32x64xi32, #tpu.memory_space<vmem>> -> memref<1x64xi32, #tpu.memory_space<vmem>>
      %dma_wait3A_428 = tpu.memref_squeeze %dma_wait3A_427 : memref<1x64xi32, #tpu.memory_space<vmem>> -> memref<64xi32, #tpu.memory_space<vmem>>
      %dma_wait3A_429 = arith.constant 0 : i32
      %dma_wait3A_430 = arith.constant 0 : i32
      %dma_wait3A_431 = tpu.memref_slice %arg23[%dma_wait3A_429, %dma_wait3A_430] : memref<10240x128xf32, #tpu.memory_space<vmem_shared>> -> memref<10240x128xf32, #tpu.memory_space<vmem_shared>>
      tpu.wait_indirect_dma semaphore(%arg20 : memref<!tpu.dma_semaphore, #tpu.memory_space<semaphore_mem>>) src(%arg10 : memref<64x128xf32, #tpu.memory_space<vmem>>) dst(%dma_wait3A_431 : memref<10240x128xf32, #tpu.memory_space<vmem_shared>>)
      %dma_start3A_432 = arith.constant 17 : i32
      %dma_start3A_433 = arith.constant 0 : i32
      %dma_start3A_434 = tpu.memref_slice %arg6[%dma_start3A_432, %dma_start3A_433] : memref<32x64xi32, #tpu.memory_space<vmem>> -> memref<1x64xi32, #tpu.memory_space<vmem>>
      %dma_start3A_435 = tpu.memref_squeeze %dma_start3A_434 : memref<1x64xi32, #tpu.memory_space<vmem>> -> memref<64xi32, #tpu.memory_space<vmem>>
      %dma_start3A_436 = arith.constant 0 : i32
      %dma_start3A_437 = arith.constant 0 : i32
      %dma_start3A_438 = tpu.memref_slice %arg2[%dma_start3A_436, %dma_start3A_437] : memref<10240x128xf32, #tpu.memory_space<hbm>> -> memref<10240x128xf32, #tpu.memory_space<hbm>>
      tpu.enqueue_indirect_dma source(%dma_start3A_438 : memref<10240x128xf32, #tpu.memory_space<hbm>>) target(%arg10 : memref<64x128xf32, #tpu.memory_space<vmem>>) offsets(%dma_start3A_435 : memref<64xi32, #tpu.memory_space<vmem>>) semaphore(%arg15 : memref<!tpu.dma_semaphore, #tpu.memory_space<semaphore_mem>>)
      %dma_wait3A_439 = arith.constant 14 : i32
      %dma_wait3A_440 = arith.constant 0 : i32
      %dma_wait3A_441 = tpu.memref_slice %arg6[%dma_wait3A_439, %dma_wait3A_440] : memref<32x64xi32, #tpu.memory_space<vmem>> -> memref<1x64xi32, #tpu.memory_space<vmem>>
      %dma_wait3A_442 = tpu.memref_squeeze %dma_wait3A_441 : memref<1x64xi32, #tpu.memory_space<vmem>> -> memref<64xi32, #tpu.memory_space<vmem>>
      %dma_wait3A_443 = arith.constant 0 : i32
      %dma_wait3A_444 = arith.constant 0 : i32
      %dma_wait3A_445 = tpu.memref_slice %arg2[%dma_wait3A_443, %dma_wait3A_444] : memref<10240x128xf32, #tpu.memory_space<hbm>> -> memref<10240x128xf32, #tpu.memory_space<hbm>>
      tpu.wait_indirect_dma semaphore(%arg17 : memref<!tpu.dma_semaphore, #tpu.memory_space<semaphore_mem>>) src(%dma_wait3A_445 : memref<10240x128xf32, #tpu.memory_space<hbm>>) dst(%arg12 : memref<64x128xf32, #tpu.memory_space<vmem>>)
      %dma_start3A_446 = arith.constant 14 : i32
      %dma_start3A_447 = arith.constant 0 : i32
      %dma_start3A_448 = tpu.memref_slice %arg7[%dma_start3A_446, %dma_start3A_447] : memref<32x64xi32, #tpu.memory_space<vmem>> -> memref<1x64xi32, #tpu.memory_space<vmem>>
      %dma_start3A_449 = tpu.memref_squeeze %dma_start3A_448 : memref<1x64xi32, #tpu.memory_space<vmem>> -> memref<64xi32, #tpu.memory_space<vmem>>
      %dma_start3A_450 = arith.constant 0 : i32
      %dma_start3A_451 = arith.constant 0 : i32
      %dma_start3A_452 = tpu.memref_slice %arg23[%dma_start3A_450, %dma_start3A_451] : memref<10240x128xf32, #tpu.memory_space<vmem_shared>> -> memref<10240x128xf32, #tpu.memory_space<vmem_shared>>
      tpu.enqueue_indirect_dma source(%arg12 : memref<64x128xf32, #tpu.memory_space<vmem>>) target(%dma_start3A_452 : memref<10240x128xf32, #tpu.memory_space<vmem_shared>>) offsets(%dma_start3A_449 : memref<64xi32, #tpu.memory_space<vmem>>) semaphore(%arg22 : memref<!tpu.dma_semaphore, #tpu.memory_space<semaphore_mem>>) {add = true}
      %dma_wait3A_453 = arith.constant 13 : i32
      %dma_wait3A_454 = arith.constant 0 : i32
      %dma_wait3A_455 = tpu.memref_slice %arg7[%dma_wait3A_453, %dma_wait3A_454] : memref<32x64xi32, #tpu.memory_space<vmem>> -> memref<1x64xi32, #tpu.memory_space<vmem>>
      %dma_wait3A_456 = tpu.memref_squeeze %dma_wait3A_455 : memref<1x64xi32, #tpu.memory_space<vmem>> -> memref<64xi32, #tpu.memory_space<vmem>>
      %dma_wait3A_457 = arith.constant 0 : i32
      %dma_wait3A_458 = arith.constant 0 : i32
      %dma_wait3A_459 = tpu.memref_slice %arg23[%dma_wait3A_457, %dma_wait3A_458] : memref<10240x128xf32, #tpu.memory_space<vmem_shared>> -> memref<10240x128xf32, #tpu.memory_space<vmem_shared>>
      tpu.wait_indirect_dma semaphore(%arg21 : memref<!tpu.dma_semaphore, #tpu.memory_space<semaphore_mem>>) src(%arg11 : memref<64x128xf32, #tpu.memory_space<vmem>>) dst(%dma_wait3A_459 : memref<10240x128xf32, #tpu.memory_space<vmem_shared>>)
      %dma_start3A_460 = arith.constant 18 : i32
      %dma_start3A_461 = arith.constant 0 : i32
      %dma_start3A_462 = tpu.memref_slice %arg6[%dma_start3A_460, %dma_start3A_461] : memref<32x64xi32, #tpu.memory_space<vmem>> -> memref<1x64xi32, #tpu.memory_space<vmem>>
      %dma_start3A_463 = tpu.memref_squeeze %dma_start3A_462 : memref<1x64xi32, #tpu.memory_space<vmem>> -> memref<64xi32, #tpu.memory_space<vmem>>
      %dma_start3A_464 = arith.constant 0 : i32
      %dma_start3A_465 = arith.constant 0 : i32
      %dma_start3A_466 = tpu.memref_slice %arg2[%dma_start3A_464, %dma_start3A_465] : memref<10240x128xf32, #tpu.memory_space<hbm>> -> memref<10240x128xf32, #tpu.memory_space<hbm>>
      tpu.enqueue_indirect_dma source(%dma_start3A_466 : memref<10240x128xf32, #tpu.memory_space<hbm>>) target(%arg11 : memref<64x128xf32, #tpu.memory_space<vmem>>) offsets(%dma_start3A_463 : memref<64xi32, #tpu.memory_space<vmem>>) semaphore(%arg16 : memref<!tpu.dma_semaphore, #tpu.memory_space<semaphore_mem>>)
      %dma_wait3A_467 = arith.constant 15 : i32
      %dma_wait3A_468 = arith.constant 0 : i32
      %dma_wait3A_469 = tpu.memref_slice %arg6[%dma_wait3A_467, %dma_wait3A_468] : memref<32x64xi32, #tpu.memory_space<vmem>> -> memref<1x64xi32, #tpu.memory_space<vmem>>
      %dma_wait3A_470 = tpu.memref_squeeze %dma_wait3A_469 : memref<1x64xi32, #tpu.memory_space<vmem>> -> memref<64xi32, #tpu.memory_space<vmem>>
      %dma_wait3A_471 = arith.constant 0 : i32
      %dma_wait3A_472 = arith.constant 0 : i32
      %dma_wait3A_473 = tpu.memref_slice %arg2[%dma_wait3A_471, %dma_wait3A_472] : memref<10240x128xf32, #tpu.memory_space<hbm>> -> memref<10240x128xf32, #tpu.memory_space<hbm>>
      tpu.wait_indirect_dma semaphore(%arg13 : memref<!tpu.dma_semaphore, #tpu.memory_space<semaphore_mem>>) src(%dma_wait3A_473 : memref<10240x128xf32, #tpu.memory_space<hbm>>) dst(%arg8 : memref<64x128xf32, #tpu.memory_space<vmem>>)
      %dma_start3A_474 = arith.constant 15 : i32
      %dma_start3A_475 = arith.constant 0 : i32
      %dma_start3A_476 = tpu.memref_slice %arg7[%dma_start3A_474, %dma_start3A_475] : memref<32x64xi32, #tpu.memory_space<vmem>> -> memref<1x64xi32, #tpu.memory_space<vmem>>
      %dma_start3A_477 = tpu.memref_squeeze %dma_start3A_476 : memref<1x64xi32, #tpu.memory_space<vmem>> -> memref<64xi32, #tpu.memory_space<vmem>>
      %dma_start3A_478 = arith.constant 0 : i32
      %dma_start3A_479 = arith.constant 0 : i32
      %dma_start3A_480 = tpu.memref_slice %arg23[%dma_start3A_478, %dma_start3A_479] : memref<10240x128xf32, #tpu.memory_space<vmem_shared>> -> memref<10240x128xf32, #tpu.memory_space<vmem_shared>>
      tpu.enqueue_indirect_dma source(%arg8 : memref<64x128xf32, #tpu.memory_space<vmem>>) target(%dma_start3A_480 : memref<10240x128xf32, #tpu.memory_space<vmem_shared>>) offsets(%dma_start3A_477 : memref<64xi32, #tpu.memory_space<vmem>>) semaphore(%arg18 : memref<!tpu.dma_semaphore, #tpu.memory_space<semaphore_mem>>) {add = true}
      %dma_wait3A_481 = arith.constant 14 : i32
      %dma_wait3A_482 = arith.constant 0 : i32
      %dma_wait3A_483 = tpu.memref_slice %arg7[%dma_wait3A_481, %dma_wait3A_482] : memref<32x64xi32, #tpu.memory_space<vmem>> -> memref<1x64xi32, #tpu.memory_space<vmem>>
      %dma_wait3A_484 = tpu.memref_squeeze %dma_wait3A_483 : memref<1x64xi32, #tpu.memory_space<vmem>> -> memref<64xi32, #tpu.memory_space<vmem>>
      %dma_wait3A_485 = arith.constant 0 : i32
      %dma_wait3A_486 = arith.constant 0 : i32
      %dma_wait3A_487 = tpu.memref_slice %arg23[%dma_wait3A_485, %dma_wait3A_486] : memref<10240x128xf32, #tpu.memory_space<vmem_shared>> -> memref<10240x128xf32, #tpu.memory_space<vmem_shared>>
      tpu.wait_indirect_dma semaphore(%arg22 : memref<!tpu.dma_semaphore, #tpu.memory_space<semaphore_mem>>) src(%arg12 : memref<64x128xf32, #tpu.memory_space<vmem>>) dst(%dma_wait3A_487 : memref<10240x128xf32, #tpu.memory_space<vmem_shared>>)
      %dma_start3A_488 = arith.constant 19 : i32
      %dma_start3A_489 = arith.constant 0 : i32
      %dma_start3A_490 = tpu.memref_slice %arg6[%dma_start3A_488, %dma_start3A_489] : memref<32x64xi32, #tpu.memory_space<vmem>> -> memref<1x64xi32, #tpu.memory_space<vmem>>
      %dma_start3A_491 = tpu.memref_squeeze %dma_start3A_490 : memref<1x64xi32, #tpu.memory_space<vmem>> -> memref<64xi32, #tpu.memory_space<vmem>>
      %dma_start3A_492 = arith.constant 0 : i32
      %dma_start3A_493 = arith.constant 0 : i32
      %dma_start3A_494 = tpu.memref_slice %arg2[%dma_start3A_492, %dma_start3A_493] : memref<10240x128xf32, #tpu.memory_space<hbm>> -> memref<10240x128xf32, #tpu.memory_space<hbm>>
      tpu.enqueue_indirect_dma source(%dma_start3A_494 : memref<10240x128xf32, #tpu.memory_space<hbm>>) target(%arg12 : memref<64x128xf32, #tpu.memory_space<vmem>>) offsets(%dma_start3A_491 : memref<64xi32, #tpu.memory_space<vmem>>) semaphore(%arg17 : memref<!tpu.dma_semaphore, #tpu.memory_space<semaphore_mem>>)
      %dma_wait3A_495 = arith.constant 16 : i32
      %dma_wait3A_496 = arith.constant 0 : i32
      %dma_wait3A_497 = tpu.memref_slice %arg6[%dma_wait3A_495, %dma_wait3A_496] : memref<32x64xi32, #tpu.memory_space<vmem>> -> memref<1x64xi32, #tpu.memory_space<vmem>>
      %dma_wait3A_498 = tpu.memref_squeeze %dma_wait3A_497 : memref<1x64xi32, #tpu.memory_space<vmem>> -> memref<64xi32, #tpu.memory_space<vmem>>
      %dma_wait3A_499 = arith.constant 0 : i32
      %dma_wait3A_500 = arith.constant 0 : i32
      %dma_wait3A_501 = tpu.memref_slice %arg2[%dma_wait3A_499, %dma_wait3A_500] : memref<10240x128xf32, #tpu.memory_space<hbm>> -> memref<10240x128xf32, #tpu.memory_space<hbm>>
      tpu.wait_indirect_dma semaphore(%arg14 : memref<!tpu.dma_semaphore, #tpu.memory_space<semaphore_mem>>) src(%dma_wait3A_501 : memref<10240x128xf32, #tpu.memory_space<hbm>>) dst(%arg9 : memref<64x128xf32, #tpu.memory_space<vmem>>)
      %dma_start3A_502 = arith.constant 16 : i32
      %dma_start3A_503 = arith.constant 0 : i32
      %dma_start3A_504 = tpu.memref_slice %arg7[%dma_start3A_502, %dma_start3A_503] : memref<32x64xi32, #tpu.memory_space<vmem>> -> memref<1x64xi32, #tpu.memory_space<vmem>>
      %dma_start3A_505 = tpu.memref_squeeze %dma_start3A_504 : memref<1x64xi32, #tpu.memory_space<vmem>> -> memref<64xi32, #tpu.memory_space<vmem>>
      %dma_start3A_506 = arith.constant 0 : i32
      %dma_start3A_507 = arith.constant 0 : i32
      %dma_start3A_508 = tpu.memref_slice %arg23[%dma_start3A_506, %dma_start3A_507] : memref<10240x128xf32, #tpu.memory_space<vmem_shared>> -> memref<10240x128xf32, #tpu.memory_space<vmem_shared>>
      tpu.enqueue_indirect_dma source(%arg9 : memref<64x128xf32, #tpu.memory_space<vmem>>) target(%dma_start3A_508 : memref<10240x128xf32, #tpu.memory_space<vmem_shared>>) offsets(%dma_start3A_505 : memref<64xi32, #tpu.memory_space<vmem>>) semaphore(%arg19 : memref<!tpu.dma_semaphore, #tpu.memory_space<semaphore_mem>>) {add = true}
      %dma_wait3A_509 = arith.constant 15 : i32
      %dma_wait3A_510 = arith.constant 0 : i32
      %dma_wait3A_511 = tpu.memref_slice %arg7[%dma_wait3A_509, %dma_wait3A_510] : memref<32x64xi32, #tpu.memory_space<vmem>> -> memref<1x64xi32, #tpu.memory_space<vmem>>
      %dma_wait3A_512 = tpu.memref_squeeze %dma_wait3A_511 : memref<1x64xi32, #tpu.memory_space<vmem>> -> memref<64xi32, #tpu.memory_space<vmem>>
      %dma_wait3A_513 = arith.constant 0 : i32
      %dma_wait3A_514 = arith.constant 0 : i32
      %dma_wait3A_515 = tpu.memref_slice %arg23[%dma_wait3A_513, %dma_wait3A_514] : memref<10240x128xf32, #tpu.memory_space<vmem_shared>> -> memref<10240x128xf32, #tpu.memory_space<vmem_shared>>
      tpu.wait_indirect_dma semaphore(%arg18 : memref<!tpu.dma_semaphore, #tpu.memory_space<semaphore_mem>>) src(%arg8 : memref<64x128xf32, #tpu.memory_space<vmem>>) dst(%dma_wait3A_515 : memref<10240x128xf32, #tpu.memory_space<vmem_shared>>)
      %dma_start3A_516 = arith.constant 20 : i32
      %dma_start3A_517 = arith.constant 0 : i32
      %dma_start3A_518 = tpu.memref_slice %arg6[%dma_start3A_516, %dma_start3A_517] : memref<32x64xi32, #tpu.memory_space<vmem>> -> memref<1x64xi32, #tpu.memory_space<vmem>>
      %dma_start3A_519 = tpu.memref_squeeze %dma_start3A_518 : memref<1x64xi32, #tpu.memory_space<vmem>> -> memref<64xi32, #tpu.memory_space<vmem>>
      %dma_start3A_520 = arith.constant 0 : i32
      %dma_start3A_521 = arith.constant 0 : i32
      %dma_start3A_522 = tpu.memref_slice %arg2[%dma_start3A_520, %dma_start3A_521] : memref<10240x128xf32, #tpu.memory_space<hbm>> -> memref<10240x128xf32, #tpu.memory_space<hbm>>
      tpu.enqueue_indirect_dma source(%dma_start3A_522 : memref<10240x128xf32, #tpu.memory_space<hbm>>) target(%arg8 : memref<64x128xf32, #tpu.memory_space<vmem>>) offsets(%dma_start3A_519 : memref<64xi32, #tpu.memory_space<vmem>>) semaphore(%arg13 : memref<!tpu.dma_semaphore, #tpu.memory_space<semaphore_mem>>)
      %dma_wait3A_523 = arith.constant 17 : i32
      %dma_wait3A_524 = arith.constant 0 : i32
      %dma_wait3A_525 = tpu.memref_slice %arg6[%dma_wait3A_523, %dma_wait3A_524] : memref<32x64xi32, #tpu.memory_space<vmem>> -> memref<1x64xi32, #tpu.memory_space<vmem>>
      %dma_wait3A_526 = tpu.memref_squeeze %dma_wait3A_525 : memref<1x64xi32, #tpu.memory_space<vmem>> -> memref<64xi32, #tpu.memory_space<vmem>>
      %dma_wait3A_527 = arith.constant 0 : i32
      %dma_wait3A_528 = arith.constant 0 : i32
      %dma_wait3A_529 = tpu.memref_slice %arg2[%dma_wait3A_527, %dma_wait3A_528] : memref<10240x128xf32, #tpu.memory_space<hbm>> -> memref<10240x128xf32, #tpu.memory_space<hbm>>
      tpu.wait_indirect_dma semaphore(%arg15 : memref<!tpu.dma_semaphore, #tpu.memory_space<semaphore_mem>>) src(%dma_wait3A_529 : memref<10240x128xf32, #tpu.memory_space<hbm>>) dst(%arg10 : memref<64x128xf32, #tpu.memory_space<vmem>>)
      %dma_start3A_530 = arith.constant 17 : i32
      %dma_start3A_531 = arith.constant 0 : i32
      %dma_start3A_532 = tpu.memref_slice %arg7[%dma_start3A_530, %dma_start3A_531] : memref<32x64xi32, #tpu.memory_space<vmem>> -> memref<1x64xi32, #tpu.memory_space<vmem>>
      %dma_start3A_533 = tpu.memref_squeeze %dma_start3A_532 : memref<1x64xi32, #tpu.memory_space<vmem>> -> memref<64xi32, #tpu.memory_space<vmem>>
      %dma_start3A_534 = arith.constant 0 : i32
      %dma_start3A_535 = arith.constant 0 : i32
      %dma_start3A_536 = tpu.memref_slice %arg23[%dma_start3A_534, %dma_start3A_535] : memref<10240x128xf32, #tpu.memory_space<vmem_shared>> -> memref<10240x128xf32, #tpu.memory_space<vmem_shared>>
      tpu.enqueue_indirect_dma source(%arg10 : memref<64x128xf32, #tpu.memory_space<vmem>>) target(%dma_start3A_536 : memref<10240x128xf32, #tpu.memory_space<vmem_shared>>) offsets(%dma_start3A_533 : memref<64xi32, #tpu.memory_space<vmem>>) semaphore(%arg20 : memref<!tpu.dma_semaphore, #tpu.memory_space<semaphore_mem>>) {add = true}
      %dma_wait3A_537 = arith.constant 16 : i32
      %dma_wait3A_538 = arith.constant 0 : i32
      %dma_wait3A_539 = tpu.memref_slice %arg7[%dma_wait3A_537, %dma_wait3A_538] : memref<32x64xi32, #tpu.memory_space<vmem>> -> memref<1x64xi32, #tpu.memory_space<vmem>>
      %dma_wait3A_540 = tpu.memref_squeeze %dma_wait3A_539 : memref<1x64xi32, #tpu.memory_space<vmem>> -> memref<64xi32, #tpu.memory_space<vmem>>
      %dma_wait3A_541 = arith.constant 0 : i32
      %dma_wait3A_542 = arith.constant 0 : i32
      %dma_wait3A_543 = tpu.memref_slice %arg23[%dma_wait3A_541, %dma_wait3A_542] : memref<10240x128xf32, #tpu.memory_space<vmem_shared>> -> memref<10240x128xf32, #tpu.memory_space<vmem_shared>>
      tpu.wait_indirect_dma semaphore(%arg19 : memref<!tpu.dma_semaphore, #tpu.memory_space<semaphore_mem>>) src(%arg9 : memref<64x128xf32, #tpu.memory_space<vmem>>) dst(%dma_wait3A_543 : memref<10240x128xf32, #tpu.memory_space<vmem_shared>>)
      %dma_start3A_544 = arith.constant 21 : i32
      %dma_start3A_545 = arith.constant 0 : i32
      %dma_start3A_546 = tpu.memref_slice %arg6[%dma_start3A_544, %dma_start3A_545] : memref<32x64xi32, #tpu.memory_space<vmem>> -> memref<1x64xi32, #tpu.memory_space<vmem>>
      %dma_start3A_547 = tpu.memref_squeeze %dma_start3A_546 : memref<1x64xi32, #tpu.memory_space<vmem>> -> memref<64xi32, #tpu.memory_space<vmem>>
      %dma_start3A_548 = arith.constant 0 : i32
      %dma_start3A_549 = arith.constant 0 : i32
      %dma_start3A_550 = tpu.memref_slice %arg2[%dma_start3A_548, %dma_start3A_549] : memref<10240x128xf32, #tpu.memory_space<hbm>> -> memref<10240x128xf32, #tpu.memory_space<hbm>>
      tpu.enqueue_indirect_dma source(%dma_start3A_550 : memref<10240x128xf32, #tpu.memory_space<hbm>>) target(%arg9 : memref<64x128xf32, #tpu.memory_space<vmem>>) offsets(%dma_start3A_547 : memref<64xi32, #tpu.memory_space<vmem>>) semaphore(%arg14 : memref<!tpu.dma_semaphore, #tpu.memory_space<semaphore_mem>>)
      %dma_wait3A_551 = arith.constant 18 : i32
      %dma_wait3A_552 = arith.constant 0 : i32
      %dma_wait3A_553 = tpu.memref_slice %arg6[%dma_wait3A_551, %dma_wait3A_552] : memref<32x64xi32, #tpu.memory_space<vmem>> -> memref<1x64xi32, #tpu.memory_space<vmem>>
      %dma_wait3A_554 = tpu.memref_squeeze %dma_wait3A_553 : memref<1x64xi32, #tpu.memory_space<vmem>> -> memref<64xi32, #tpu.memory_space<vmem>>
      %dma_wait3A_555 = arith.constant 0 : i32
      %dma_wait3A_556 = arith.constant 0 : i32
      %dma_wait3A_557 = tpu.memref_slice %arg2[%dma_wait3A_555, %dma_wait3A_556] : memref<10240x128xf32, #tpu.memory_space<hbm>> -> memref<10240x128xf32, #tpu.memory_space<hbm>>
      tpu.wait_indirect_dma semaphore(%arg16 : memref<!tpu.dma_semaphore, #tpu.memory_space<semaphore_mem>>) src(%dma_wait3A_557 : memref<10240x128xf32, #tpu.memory_space<hbm>>) dst(%arg11 : memref<64x128xf32, #tpu.memory_space<vmem>>)
      %dma_start3A_558 = arith.constant 18 : i32
      %dma_start3A_559 = arith.constant 0 : i32
      %dma_start3A_560 = tpu.memref_slice %arg7[%dma_start3A_558, %dma_start3A_559] : memref<32x64xi32, #tpu.memory_space<vmem>> -> memref<1x64xi32, #tpu.memory_space<vmem>>
      %dma_start3A_561 = tpu.memref_squeeze %dma_start3A_560 : memref<1x64xi32, #tpu.memory_space<vmem>> -> memref<64xi32, #tpu.memory_space<vmem>>
      %dma_start3A_562 = arith.constant 0 : i32
      %dma_start3A_563 = arith.constant 0 : i32
      %dma_start3A_564 = tpu.memref_slice %arg23[%dma_start3A_562, %dma_start3A_563] : memref<10240x128xf32, #tpu.memory_space<vmem_shared>> -> memref<10240x128xf32, #tpu.memory_space<vmem_shared>>
      tpu.enqueue_indirect_dma source(%arg11 : memref<64x128xf32, #tpu.memory_space<vmem>>) target(%dma_start3A_564 : memref<10240x128xf32, #tpu.memory_space<vmem_shared>>) offsets(%dma_start3A_561 : memref<64xi32, #tpu.memory_space<vmem>>) semaphore(%arg21 : memref<!tpu.dma_semaphore, #tpu.memory_space<semaphore_mem>>) {add = true}
      %dma_wait3A_565 = arith.constant 17 : i32
      %dma_wait3A_566 = arith.constant 0 : i32
      %dma_wait3A_567 = tpu.memref_slice %arg7[%dma_wait3A_565, %dma_wait3A_566] : memref<32x64xi32, #tpu.memory_space<vmem>> -> memref<1x64xi32, #tpu.memory_space<vmem>>
      %dma_wait3A_568 = tpu.memref_squeeze %dma_wait3A_567 : memref<1x64xi32, #tpu.memory_space<vmem>> -> memref<64xi32, #tpu.memory_space<vmem>>
      %dma_wait3A_569 = arith.constant 0 : i32
      %dma_wait3A_570 = arith.constant 0 : i32
      %dma_wait3A_571 = tpu.memref_slice %arg23[%dma_wait3A_569, %dma_wait3A_570] : memref<10240x128xf32, #tpu.memory_space<vmem_shared>> -> memref<10240x128xf32, #tpu.memory_space<vmem_shared>>
      tpu.wait_indirect_dma semaphore(%arg20 : memref<!tpu.dma_semaphore, #tpu.memory_space<semaphore_mem>>) src(%arg10 : memref<64x128xf32, #tpu.memory_space<vmem>>) dst(%dma_wait3A_571 : memref<10240x128xf32, #tpu.memory_space<vmem_shared>>)
      %dma_start3A_572 = arith.constant 22 : i32
      %dma_start3A_573 = arith.constant 0 : i32
      %dma_start3A_574 = tpu.memref_slice %arg6[%dma_start3A_572, %dma_start3A_573] : memref<32x64xi32, #tpu.memory_space<vmem>> -> memref<1x64xi32, #tpu.memory_space<vmem>>
      %dma_start3A_575 = tpu.memref_squeeze %dma_start3A_574 : memref<1x64xi32, #tpu.memory_space<vmem>> -> memref<64xi32, #tpu.memory_space<vmem>>
      %dma_start3A_576 = arith.constant 0 : i32
      %dma_start3A_577 = arith.constant 0 : i32
      %dma_start3A_578 = tpu.memref_slice %arg2[%dma_start3A_576, %dma_start3A_577] : memref<10240x128xf32, #tpu.memory_space<hbm>> -> memref<10240x128xf32, #tpu.memory_space<hbm>>
      tpu.enqueue_indirect_dma source(%dma_start3A_578 : memref<10240x128xf32, #tpu.memory_space<hbm>>) target(%arg10 : memref<64x128xf32, #tpu.memory_space<vmem>>) offsets(%dma_start3A_575 : memref<64xi32, #tpu.memory_space<vmem>>) semaphore(%arg15 : memref<!tpu.dma_semaphore, #tpu.memory_space<semaphore_mem>>)
      %dma_wait3A_579 = arith.constant 19 : i32
      %dma_wait3A_580 = arith.constant 0 : i32
      %dma_wait3A_581 = tpu.memref_slice %arg6[%dma_wait3A_579, %dma_wait3A_580] : memref<32x64xi32, #tpu.memory_space<vmem>> -> memref<1x64xi32, #tpu.memory_space<vmem>>
      %dma_wait3A_582 = tpu.memref_squeeze %dma_wait3A_581 : memref<1x64xi32, #tpu.memory_space<vmem>> -> memref<64xi32, #tpu.memory_space<vmem>>
      %dma_wait3A_583 = arith.constant 0 : i32
      %dma_wait3A_584 = arith.constant 0 : i32
      %dma_wait3A_585 = tpu.memref_slice %arg2[%dma_wait3A_583, %dma_wait3A_584] : memref<10240x128xf32, #tpu.memory_space<hbm>> -> memref<10240x128xf32, #tpu.memory_space<hbm>>
      tpu.wait_indirect_dma semaphore(%arg17 : memref<!tpu.dma_semaphore, #tpu.memory_space<semaphore_mem>>) src(%dma_wait3A_585 : memref<10240x128xf32, #tpu.memory_space<hbm>>) dst(%arg12 : memref<64x128xf32, #tpu.memory_space<vmem>>)
      %dma_start3A_586 = arith.constant 19 : i32
      %dma_start3A_587 = arith.constant 0 : i32
      %dma_start3A_588 = tpu.memref_slice %arg7[%dma_start3A_586, %dma_start3A_587] : memref<32x64xi32, #tpu.memory_space<vmem>> -> memref<1x64xi32, #tpu.memory_space<vmem>>
      %dma_start3A_589 = tpu.memref_squeeze %dma_start3A_588 : memref<1x64xi32, #tpu.memory_space<vmem>> -> memref<64xi32, #tpu.memory_space<vmem>>
      %dma_start3A_590 = arith.constant 0 : i32
      %dma_start3A_591 = arith.constant 0 : i32
      %dma_start3A_592 = tpu.memref_slice %arg23[%dma_start3A_590, %dma_start3A_591] : memref<10240x128xf32, #tpu.memory_space<vmem_shared>> -> memref<10240x128xf32, #tpu.memory_space<vmem_shared>>
      tpu.enqueue_indirect_dma source(%arg12 : memref<64x128xf32, #tpu.memory_space<vmem>>) target(%dma_start3A_592 : memref<10240x128xf32, #tpu.memory_space<vmem_shared>>) offsets(%dma_start3A_589 : memref<64xi32, #tpu.memory_space<vmem>>) semaphore(%arg22 : memref<!tpu.dma_semaphore, #tpu.memory_space<semaphore_mem>>) {add = true}
      %dma_wait3A_593 = arith.constant 18 : i32
      %dma_wait3A_594 = arith.constant 0 : i32
      %dma_wait3A_595 = tpu.memref_slice %arg7[%dma_wait3A_593, %dma_wait3A_594] : memref<32x64xi32, #tpu.memory_space<vmem>> -> memref<1x64xi32, #tpu.memory_space<vmem>>
      %dma_wait3A_596 = tpu.memref_squeeze %dma_wait3A_595 : memref<1x64xi32, #tpu.memory_space<vmem>> -> memref<64xi32, #tpu.memory_space<vmem>>
      %dma_wait3A_597 = arith.constant 0 : i32
      %dma_wait3A_598 = arith.constant 0 : i32
      %dma_wait3A_599 = tpu.memref_slice %arg23[%dma_wait3A_597, %dma_wait3A_598] : memref<10240x128xf32, #tpu.memory_space<vmem_shared>> -> memref<10240x128xf32, #tpu.memory_space<vmem_shared>>
      tpu.wait_indirect_dma semaphore(%arg21 : memref<!tpu.dma_semaphore, #tpu.memory_space<semaphore_mem>>) src(%arg11 : memref<64x128xf32, #tpu.memory_space<vmem>>) dst(%dma_wait3A_599 : memref<10240x128xf32, #tpu.memory_space<vmem_shared>>)
      %dma_start3A_600 = arith.constant 23 : i32
      %dma_start3A_601 = arith.constant 0 : i32
      %dma_start3A_602 = tpu.memref_slice %arg6[%dma_start3A_600, %dma_start3A_601] : memref<32x64xi32, #tpu.memory_space<vmem>> -> memref<1x64xi32, #tpu.memory_space<vmem>>
      %dma_start3A_603 = tpu.memref_squeeze %dma_start3A_602 : memref<1x64xi32, #tpu.memory_space<vmem>> -> memref<64xi32, #tpu.memory_space<vmem>>
      %dma_start3A_604 = arith.constant 0 : i32
      %dma_start3A_605 = arith.constant 0 : i32
      %dma_start3A_606 = tpu.memref_slice %arg2[%dma_start3A_604, %dma_start3A_605] : memref<10240x128xf32, #tpu.memory_space<hbm>> -> memref<10240x128xf32, #tpu.memory_space<hbm>>
      tpu.enqueue_indirect_dma source(%dma_start3A_606 : memref<10240x128xf32, #tpu.memory_space<hbm>>) target(%arg11 : memref<64x128xf32, #tpu.memory_space<vmem>>) offsets(%dma_start3A_603 : memref<64xi32, #tpu.memory_space<vmem>>) semaphore(%arg16 : memref<!tpu.dma_semaphore, #tpu.memory_space<semaphore_mem>>)
      %dma_wait3A_607 = arith.constant 20 : i32
      %dma_wait3A_608 = arith.constant 0 : i32
      %dma_wait3A_609 = tpu.memref_slice %arg6[%dma_wait3A_607, %dma_wait3A_608] : memref<32x64xi32, #tpu.memory_space<vmem>> -> memref<1x64xi32, #tpu.memory_space<vmem>>
      %dma_wait3A_610 = tpu.memref_squeeze %dma_wait3A_609 : memref<1x64xi32, #tpu.memory_space<vmem>> -> memref<64xi32, #tpu.memory_space<vmem>>
      %dma_wait3A_611 = arith.constant 0 : i32
      %dma_wait3A_612 = arith.constant 0 : i32
      %dma_wait3A_613 = tpu.memref_slice %arg2[%dma_wait3A_611, %dma_wait3A_612] : memref<10240x128xf32, #tpu.memory_space<hbm>> -> memref<10240x128xf32, #tpu.memory_space<hbm>>
      tpu.wait_indirect_dma semaphore(%arg13 : memref<!tpu.dma_semaphore, #tpu.memory_space<semaphore_mem>>) src(%dma_wait3A_613 : memref<10240x128xf32, #tpu.memory_space<hbm>>) dst(%arg8 : memref<64x128xf32, #tpu.memory_space<vmem>>)
      %dma_start3A_614 = arith.constant 20 : i32
      %dma_start3A_615 = arith.constant 0 : i32
      %dma_start3A_616 = tpu.memref_slice %arg7[%dma_start3A_614, %dma_start3A_615] : memref<32x64xi32, #tpu.memory_space<vmem>> -> memref<1x64xi32, #tpu.memory_space<vmem>>
      %dma_start3A_617 = tpu.memref_squeeze %dma_start3A_616 : memref<1x64xi32, #tpu.memory_space<vmem>> -> memref<64xi32, #tpu.memory_space<vmem>>
      %dma_start3A_618 = arith.constant 0 : i32
      %dma_start3A_619 = arith.constant 0 : i32
      %dma_start3A_620 = tpu.memref_slice %arg23[%dma_start3A_618, %dma_start3A_619] : memref<10240x128xf32, #tpu.memory_space<vmem_shared>> -> memref<10240x128xf32, #tpu.memory_space<vmem_shared>>
      tpu.enqueue_indirect_dma source(%arg8 : memref<64x128xf32, #tpu.memory_space<vmem>>) target(%dma_start3A_620 : memref<10240x128xf32, #tpu.memory_space<vmem_shared>>) offsets(%dma_start3A_617 : memref<64xi32, #tpu.memory_space<vmem>>) semaphore(%arg18 : memref<!tpu.dma_semaphore, #tpu.memory_space<semaphore_mem>>) {add = true}
      %dma_wait3A_621 = arith.constant 19 : i32
      %dma_wait3A_622 = arith.constant 0 : i32
      %dma_wait3A_623 = tpu.memref_slice %arg7[%dma_wait3A_621, %dma_wait3A_622] : memref<32x64xi32, #tpu.memory_space<vmem>> -> memref<1x64xi32, #tpu.memory_space<vmem>>
      %dma_wait3A_624 = tpu.memref_squeeze %dma_wait3A_623 : memref<1x64xi32, #tpu.memory_space<vmem>> -> memref<64xi32, #tpu.memory_space<vmem>>
      %dma_wait3A_625 = arith.constant 0 : i32
      %dma_wait3A_626 = arith.constant 0 : i32
      %dma_wait3A_627 = tpu.memref_slice %arg23[%dma_wait3A_625, %dma_wait3A_626] : memref<10240x128xf32, #tpu.memory_space<vmem_shared>> -> memref<10240x128xf32, #tpu.memory_space<vmem_shared>>
      tpu.wait_indirect_dma semaphore(%arg22 : memref<!tpu.dma_semaphore, #tpu.memory_space<semaphore_mem>>) src(%arg12 : memref<64x128xf32, #tpu.memory_space<vmem>>) dst(%dma_wait3A_627 : memref<10240x128xf32, #tpu.memory_space<vmem_shared>>)
      %dma_start3A_628 = arith.constant 24 : i32
      %dma_start3A_629 = arith.constant 0 : i32
      %dma_start3A_630 = tpu.memref_slice %arg6[%dma_start3A_628, %dma_start3A_629] : memref<32x64xi32, #tpu.memory_space<vmem>> -> memref<1x64xi32, #tpu.memory_space<vmem>>
      %dma_start3A_631 = tpu.memref_squeeze %dma_start3A_630 : memref<1x64xi32, #tpu.memory_space<vmem>> -> memref<64xi32, #tpu.memory_space<vmem>>
      %dma_start3A_632 = arith.constant 0 : i32
      %dma_start3A_633 = arith.constant 0 : i32
      %dma_start3A_634 = tpu.memref_slice %arg2[%dma_start3A_632, %dma_start3A_633] : memref<10240x128xf32, #tpu.memory_space<hbm>> -> memref<10240x128xf32, #tpu.memory_space<hbm>>
      tpu.enqueue_indirect_dma source(%dma_start3A_634 : memref<10240x128xf32, #tpu.memory_space<hbm>>) target(%arg12 : memref<64x128xf32, #tpu.memory_space<vmem>>) offsets(%dma_start3A_631 : memref<64xi32, #tpu.memory_space<vmem>>) semaphore(%arg17 : memref<!tpu.dma_semaphore, #tpu.memory_space<semaphore_mem>>)
      %dma_wait3A_635 = arith.constant 21 : i32
      %dma_wait3A_636 = arith.constant 0 : i32
      %dma_wait3A_637 = tpu.memref_slice %arg6[%dma_wait3A_635, %dma_wait3A_636] : memref<32x64xi32, #tpu.memory_space<vmem>> -> memref<1x64xi32, #tpu.memory_space<vmem>>
      %dma_wait3A_638 = tpu.memref_squeeze %dma_wait3A_637 : memref<1x64xi32, #tpu.memory_space<vmem>> -> memref<64xi32, #tpu.memory_space<vmem>>
      %dma_wait3A_639 = arith.constant 0 : i32
      %dma_wait3A_640 = arith.constant 0 : i32
      %dma_wait3A_641 = tpu.memref_slice %arg2[%dma_wait3A_639, %dma_wait3A_640] : memref<10240x128xf32, #tpu.memory_space<hbm>> -> memref<10240x128xf32, #tpu.memory_space<hbm>>
      tpu.wait_indirect_dma semaphore(%arg14 : memref<!tpu.dma_semaphore, #tpu.memory_space<semaphore_mem>>) src(%dma_wait3A_641 : memref<10240x128xf32, #tpu.memory_space<hbm>>) dst(%arg9 : memref<64x128xf32, #tpu.memory_space<vmem>>)
      %dma_start3A_642 = arith.constant 21 : i32
      %dma_start3A_643 = arith.constant 0 : i32
      %dma_start3A_644 = tpu.memref_slice %arg7[%dma_start3A_642, %dma_start3A_643] : memref<32x64xi32, #tpu.memory_space<vmem>> -> memref<1x64xi32, #tpu.memory_space<vmem>>
      %dma_start3A_645 = tpu.memref_squeeze %dma_start3A_644 : memref<1x64xi32, #tpu.memory_space<vmem>> -> memref<64xi32, #tpu.memory_space<vmem>>
      %dma_start3A_646 = arith.constant 0 : i32
      %dma_start3A_647 = arith.constant 0 : i32
      %dma_start3A_648 = tpu.memref_slice %arg23[%dma_start3A_646, %dma_start3A_647] : memref<10240x128xf32, #tpu.memory_space<vmem_shared>> -> memref<10240x128xf32, #tpu.memory_space<vmem_shared>>
      tpu.enqueue_indirect_dma source(%arg9 : memref<64x128xf32, #tpu.memory_space<vmem>>) target(%dma_start3A_648 : memref<10240x128xf32, #tpu.memory_space<vmem_shared>>) offsets(%dma_start3A_645 : memref<64xi32, #tpu.memory_space<vmem>>) semaphore(%arg19 : memref<!tpu.dma_semaphore, #tpu.memory_space<semaphore_mem>>) {add = true}
      %dma_wait3A_649 = arith.constant 20 : i32
      %dma_wait3A_650 = arith.constant 0 : i32
      %dma_wait3A_651 = tpu.memref_slice %arg7[%dma_wait3A_649, %dma_wait3A_650] : memref<32x64xi32, #tpu.memory_space<vmem>> -> memref<1x64xi32, #tpu.memory_space<vmem>>
      %dma_wait3A_652 = tpu.memref_squeeze %dma_wait3A_651 : memref<1x64xi32, #tpu.memory_space<vmem>> -> memref<64xi32, #tpu.memory_space<vmem>>
      %dma_wait3A_653 = arith.constant 0 : i32
      %dma_wait3A_654 = arith.constant 0 : i32
      %dma_wait3A_655 = tpu.memref_slice %arg23[%dma_wait3A_653, %dma_wait3A_654] : memref<10240x128xf32, #tpu.memory_space<vmem_shared>> -> memref<10240x128xf32, #tpu.memory_space<vmem_shared>>
      tpu.wait_indirect_dma semaphore(%arg18 : memref<!tpu.dma_semaphore, #tpu.memory_space<semaphore_mem>>) src(%arg8 : memref<64x128xf32, #tpu.memory_space<vmem>>) dst(%dma_wait3A_655 : memref<10240x128xf32, #tpu.memory_space<vmem_shared>>)
      %dma_start3A_656 = arith.constant 25 : i32
      %dma_start3A_657 = arith.constant 0 : i32
      %dma_start3A_658 = tpu.memref_slice %arg6[%dma_start3A_656, %dma_start3A_657] : memref<32x64xi32, #tpu.memory_space<vmem>> -> memref<1x64xi32, #tpu.memory_space<vmem>>
      %dma_start3A_659 = tpu.memref_squeeze %dma_start3A_658 : memref<1x64xi32, #tpu.memory_space<vmem>> -> memref<64xi32, #tpu.memory_space<vmem>>
      %dma_start3A_660 = arith.constant 0 : i32
      %dma_start3A_661 = arith.constant 0 : i32
      %dma_start3A_662 = tpu.memref_slice %arg2[%dma_start3A_660, %dma_start3A_661] : memref<10240x128xf32, #tpu.memory_space<hbm>> -> memref<10240x128xf32, #tpu.memory_space<hbm>>
      tpu.enqueue_indirect_dma source(%dma_start3A_662 : memref<10240x128xf32, #tpu.memory_space<hbm>>) target(%arg8 : memref<64x128xf32, #tpu.memory_space<vmem>>) offsets(%dma_start3A_659 : memref<64xi32, #tpu.memory_space<vmem>>) semaphore(%arg13 : memref<!tpu.dma_semaphore, #tpu.memory_space<semaphore_mem>>)
      %dma_wait3A_663 = arith.constant 22 : i32
      %dma_wait3A_664 = arith.constant 0 : i32
      %dma_wait3A_665 = tpu.memref_slice %arg6[%dma_wait3A_663, %dma_wait3A_664] : memref<32x64xi32, #tpu.memory_space<vmem>> -> memref<1x64xi32, #tpu.memory_space<vmem>>
      %dma_wait3A_666 = tpu.memref_squeeze %dma_wait3A_665 : memref<1x64xi32, #tpu.memory_space<vmem>> -> memref<64xi32, #tpu.memory_space<vmem>>
      %dma_wait3A_667 = arith.constant 0 : i32
      %dma_wait3A_668 = arith.constant 0 : i32
      %dma_wait3A_669 = tpu.memref_slice %arg2[%dma_wait3A_667, %dma_wait3A_668] : memref<10240x128xf32, #tpu.memory_space<hbm>> -> memref<10240x128xf32, #tpu.memory_space<hbm>>
      tpu.wait_indirect_dma semaphore(%arg15 : memref<!tpu.dma_semaphore, #tpu.memory_space<semaphore_mem>>) src(%dma_wait3A_669 : memref<10240x128xf32, #tpu.memory_space<hbm>>) dst(%arg10 : memref<64x128xf32, #tpu.memory_space<vmem>>)
      %dma_start3A_670 = arith.constant 22 : i32
      %dma_start3A_671 = arith.constant 0 : i32
      %dma_start3A_672 = tpu.memref_slice %arg7[%dma_start3A_670, %dma_start3A_671] : memref<32x64xi32, #tpu.memory_space<vmem>> -> memref<1x64xi32, #tpu.memory_space<vmem>>
      %dma_start3A_673 = tpu.memref_squeeze %dma_start3A_672 : memref<1x64xi32, #tpu.memory_space<vmem>> -> memref<64xi32, #tpu.memory_space<vmem>>
      %dma_start3A_674 = arith.constant 0 : i32
      %dma_start3A_675 = arith.constant 0 : i32
      %dma_start3A_676 = tpu.memref_slice %arg23[%dma_start3A_674, %dma_start3A_675] : memref<10240x128xf32, #tpu.memory_space<vmem_shared>> -> memref<10240x128xf32, #tpu.memory_space<vmem_shared>>
      tpu.enqueue_indirect_dma source(%arg10 : memref<64x128xf32, #tpu.memory_space<vmem>>) target(%dma_start3A_676 : memref<10240x128xf32, #tpu.memory_space<vmem_shared>>) offsets(%dma_start3A_673 : memref<64xi32, #tpu.memory_space<vmem>>) semaphore(%arg20 : memref<!tpu.dma_semaphore, #tpu.memory_space<semaphore_mem>>) {add = true}
      %dma_wait3A_677 = arith.constant 21 : i32
      %dma_wait3A_678 = arith.constant 0 : i32
      %dma_wait3A_679 = tpu.memref_slice %arg7[%dma_wait3A_677, %dma_wait3A_678] : memref<32x64xi32, #tpu.memory_space<vmem>> -> memref<1x64xi32, #tpu.memory_space<vmem>>
      %dma_wait3A_680 = tpu.memref_squeeze %dma_wait3A_679 : memref<1x64xi32, #tpu.memory_space<vmem>> -> memref<64xi32, #tpu.memory_space<vmem>>
      %dma_wait3A_681 = arith.constant 0 : i32
      %dma_wait3A_682 = arith.constant 0 : i32
      %dma_wait3A_683 = tpu.memref_slice %arg23[%dma_wait3A_681, %dma_wait3A_682] : memref<10240x128xf32, #tpu.memory_space<vmem_shared>> -> memref<10240x128xf32, #tpu.memory_space<vmem_shared>>
      tpu.wait_indirect_dma semaphore(%arg19 : memref<!tpu.dma_semaphore, #tpu.memory_space<semaphore_mem>>) src(%arg9 : memref<64x128xf32, #tpu.memory_space<vmem>>) dst(%dma_wait3A_683 : memref<10240x128xf32, #tpu.memory_space<vmem_shared>>)
      %dma_start3A_684 = arith.constant 26 : i32
      %dma_start3A_685 = arith.constant 0 : i32
      %dma_start3A_686 = tpu.memref_slice %arg6[%dma_start3A_684, %dma_start3A_685] : memref<32x64xi32, #tpu.memory_space<vmem>> -> memref<1x64xi32, #tpu.memory_space<vmem>>
      %dma_start3A_687 = tpu.memref_squeeze %dma_start3A_686 : memref<1x64xi32, #tpu.memory_space<vmem>> -> memref<64xi32, #tpu.memory_space<vmem>>
      %dma_start3A_688 = arith.constant 0 : i32
      %dma_start3A_689 = arith.constant 0 : i32
      %dma_start3A_690 = tpu.memref_slice %arg2[%dma_start3A_688, %dma_start3A_689] : memref<10240x128xf32, #tpu.memory_space<hbm>> -> memref<10240x128xf32, #tpu.memory_space<hbm>>
      tpu.enqueue_indirect_dma source(%dma_start3A_690 : memref<10240x128xf32, #tpu.memory_space<hbm>>) target(%arg9 : memref<64x128xf32, #tpu.memory_space<vmem>>) offsets(%dma_start3A_687 : memref<64xi32, #tpu.memory_space<vmem>>) semaphore(%arg14 : memref<!tpu.dma_semaphore, #tpu.memory_space<semaphore_mem>>)
      %dma_wait3A_691 = arith.constant 23 : i32
      %dma_wait3A_692 = arith.constant 0 : i32
      %dma_wait3A_693 = tpu.memref_slice %arg6[%dma_wait3A_691, %dma_wait3A_692] : memref<32x64xi32, #tpu.memory_space<vmem>> -> memref<1x64xi32, #tpu.memory_space<vmem>>
      %dma_wait3A_694 = tpu.memref_squeeze %dma_wait3A_693 : memref<1x64xi32, #tpu.memory_space<vmem>> -> memref<64xi32, #tpu.memory_space<vmem>>
      %dma_wait3A_695 = arith.constant 0 : i32
      %dma_wait3A_696 = arith.constant 0 : i32
      %dma_wait3A_697 = tpu.memref_slice %arg2[%dma_wait3A_695, %dma_wait3A_696] : memref<10240x128xf32, #tpu.memory_space<hbm>> -> memref<10240x128xf32, #tpu.memory_space<hbm>>
      tpu.wait_indirect_dma semaphore(%arg16 : memref<!tpu.dma_semaphore, #tpu.memory_space<semaphore_mem>>) src(%dma_wait3A_697 : memref<10240x128xf32, #tpu.memory_space<hbm>>) dst(%arg11 : memref<64x128xf32, #tpu.memory_space<vmem>>)
      %dma_start3A_698 = arith.constant 23 : i32
      %dma_start3A_699 = arith.constant 0 : i32
      %dma_start3A_700 = tpu.memref_slice %arg7[%dma_start3A_698, %dma_start3A_699] : memref<32x64xi32, #tpu.memory_space<vmem>> -> memref<1x64xi32, #tpu.memory_space<vmem>>
      %dma_start3A_701 = tpu.memref_squeeze %dma_start3A_700 : memref<1x64xi32, #tpu.memory_space<vmem>> -> memref<64xi32, #tpu.memory_space<vmem>>
      %dma_start3A_702 = arith.constant 0 : i32
      %dma_start3A_703 = arith.constant 0 : i32
      %dma_start3A_704 = tpu.memref_slice %arg23[%dma_start3A_702, %dma_start3A_703] : memref<10240x128xf32, #tpu.memory_space<vmem_shared>> -> memref<10240x128xf32, #tpu.memory_space<vmem_shared>>
      tpu.enqueue_indirect_dma source(%arg11 : memref<64x128xf32, #tpu.memory_space<vmem>>) target(%dma_start3A_704 : memref<10240x128xf32, #tpu.memory_space<vmem_shared>>) offsets(%dma_start3A_701 : memref<64xi32, #tpu.memory_space<vmem>>) semaphore(%arg21 : memref<!tpu.dma_semaphore, #tpu.memory_space<semaphore_mem>>) {add = true}
      %dma_wait3A_705 = arith.constant 22 : i32
      %dma_wait3A_706 = arith.constant 0 : i32
      %dma_wait3A_707 = tpu.memref_slice %arg7[%dma_wait3A_705, %dma_wait3A_706] : memref<32x64xi32, #tpu.memory_space<vmem>> -> memref<1x64xi32, #tpu.memory_space<vmem>>
      %dma_wait3A_708 = tpu.memref_squeeze %dma_wait3A_707 : memref<1x64xi32, #tpu.memory_space<vmem>> -> memref<64xi32, #tpu.memory_space<vmem>>
      %dma_wait3A_709 = arith.constant 0 : i32
      %dma_wait3A_710 = arith.constant 0 : i32
      %dma_wait3A_711 = tpu.memref_slice %arg23[%dma_wait3A_709, %dma_wait3A_710] : memref<10240x128xf32, #tpu.memory_space<vmem_shared>> -> memref<10240x128xf32, #tpu.memory_space<vmem_shared>>
      tpu.wait_indirect_dma semaphore(%arg20 : memref<!tpu.dma_semaphore, #tpu.memory_space<semaphore_mem>>) src(%arg10 : memref<64x128xf32, #tpu.memory_space<vmem>>) dst(%dma_wait3A_711 : memref<10240x128xf32, #tpu.memory_space<vmem_shared>>)
      %dma_start3A_712 = arith.constant 27 : i32
      %dma_start3A_713 = arith.constant 0 : i32
      %dma_start3A_714 = tpu.memref_slice %arg6[%dma_start3A_712, %dma_start3A_713] : memref<32x64xi32, #tpu.memory_space<vmem>> -> memref<1x64xi32, #tpu.memory_space<vmem>>
      %dma_start3A_715 = tpu.memref_squeeze %dma_start3A_714 : memref<1x64xi32, #tpu.memory_space<vmem>> -> memref<64xi32, #tpu.memory_space<vmem>>
      %dma_start3A_716 = arith.constant 0 : i32
      %dma_start3A_717 = arith.constant 0 : i32
      %dma_start3A_718 = tpu.memref_slice %arg2[%dma_start3A_716, %dma_start3A_717] : memref<10240x128xf32, #tpu.memory_space<hbm>> -> memref<10240x128xf32, #tpu.memory_space<hbm>>
      tpu.enqueue_indirect_dma source(%dma_start3A_718 : memref<10240x128xf32, #tpu.memory_space<hbm>>) target(%arg10 : memref<64x128xf32, #tpu.memory_space<vmem>>) offsets(%dma_start3A_715 : memref<64xi32, #tpu.memory_space<vmem>>) semaphore(%arg15 : memref<!tpu.dma_semaphore, #tpu.memory_space<semaphore_mem>>)
      %dma_wait3A_719 = arith.constant 24 : i32
      %dma_wait3A_720 = arith.constant 0 : i32
      %dma_wait3A_721 = tpu.memref_slice %arg6[%dma_wait3A_719, %dma_wait3A_720] : memref<32x64xi32, #tpu.memory_space<vmem>> -> memref<1x64xi32, #tpu.memory_space<vmem>>
      %dma_wait3A_722 = tpu.memref_squeeze %dma_wait3A_721 : memref<1x64xi32, #tpu.memory_space<vmem>> -> memref<64xi32, #tpu.memory_space<vmem>>
      %dma_wait3A_723 = arith.constant 0 : i32
      %dma_wait3A_724 = arith.constant 0 : i32
      %dma_wait3A_725 = tpu.memref_slice %arg2[%dma_wait3A_723, %dma_wait3A_724] : memref<10240x128xf32, #tpu.memory_space<hbm>> -> memref<10240x128xf32, #tpu.memory_space<hbm>>
      tpu.wait_indirect_dma semaphore(%arg17 : memref<!tpu.dma_semaphore, #tpu.memory_space<semaphore_mem>>) src(%dma_wait3A_725 : memref<10240x128xf32, #tpu.memory_space<hbm>>) dst(%arg12 : memref<64x128xf32, #tpu.memory_space<vmem>>)
      %dma_start3A_726 = arith.constant 24 : i32
      %dma_start3A_727 = arith.constant 0 : i32
      %dma_start3A_728 = tpu.memref_slice %arg7[%dma_start3A_726, %dma_start3A_727] : memref<32x64xi32, #tpu.memory_space<vmem>> -> memref<1x64xi32, #tpu.memory_space<vmem>>
      %dma_start3A_729 = tpu.memref_squeeze %dma_start3A_728 : memref<1x64xi32, #tpu.memory_space<vmem>> -> memref<64xi32, #tpu.memory_space<vmem>>
      %dma_start3A_730 = arith.constant 0 : i32
      %dma_start3A_731 = arith.constant 0 : i32
      %dma_start3A_732 = tpu.memref_slice %arg23[%dma_start3A_730, %dma_start3A_731] : memref<10240x128xf32, #tpu.memory_space<vmem_shared>> -> memref<10240x128xf32, #tpu.memory_space<vmem_shared>>
      tpu.enqueue_indirect_dma source(%arg12 : memref<64x128xf32, #tpu.memory_space<vmem>>) target(%dma_start3A_732 : memref<10240x128xf32, #tpu.memory_space<vmem_shared>>) offsets(%dma_start3A_729 : memref<64xi32, #tpu.memory_space<vmem>>) semaphore(%arg22 : memref<!tpu.dma_semaphore, #tpu.memory_space<semaphore_mem>>) {add = true}
      %dma_wait3A_733 = arith.constant 23 : i32
      %dma_wait3A_734 = arith.constant 0 : i32
      %dma_wait3A_735 = tpu.memref_slice %arg7[%dma_wait3A_733, %dma_wait3A_734] : memref<32x64xi32, #tpu.memory_space<vmem>> -> memref<1x64xi32, #tpu.memory_space<vmem>>
      %dma_wait3A_736 = tpu.memref_squeeze %dma_wait3A_735 : memref<1x64xi32, #tpu.memory_space<vmem>> -> memref<64xi32, #tpu.memory_space<vmem>>
      %dma_wait3A_737 = arith.constant 0 : i32
      %dma_wait3A_738 = arith.constant 0 : i32
      %dma_wait3A_739 = tpu.memref_slice %arg23[%dma_wait3A_737, %dma_wait3A_738] : memref<10240x128xf32, #tpu.memory_space<vmem_shared>> -> memref<10240x128xf32, #tpu.memory_space<vmem_shared>>
      tpu.wait_indirect_dma semaphore(%arg21 : memref<!tpu.dma_semaphore, #tpu.memory_space<semaphore_mem>>) src(%arg11 : memref<64x128xf32, #tpu.memory_space<vmem>>) dst(%dma_wait3A_739 : memref<10240x128xf32, #tpu.memory_space<vmem_shared>>)
      %dma_start3A_740 = arith.constant 28 : i32
      %dma_start3A_741 = arith.constant 0 : i32
      %dma_start3A_742 = tpu.memref_slice %arg6[%dma_start3A_740, %dma_start3A_741] : memref<32x64xi32, #tpu.memory_space<vmem>> -> memref<1x64xi32, #tpu.memory_space<vmem>>
      %dma_start3A_743 = tpu.memref_squeeze %dma_start3A_742 : memref<1x64xi32, #tpu.memory_space<vmem>> -> memref<64xi32, #tpu.memory_space<vmem>>
      %dma_start3A_744 = arith.constant 0 : i32
      %dma_start3A_745 = arith.constant 0 : i32
      %dma_start3A_746 = tpu.memref_slice %arg2[%dma_start3A_744, %dma_start3A_745] : memref<10240x128xf32, #tpu.memory_space<hbm>> -> memref<10240x128xf32, #tpu.memory_space<hbm>>
      tpu.enqueue_indirect_dma source(%dma_start3A_746 : memref<10240x128xf32, #tpu.memory_space<hbm>>) target(%arg11 : memref<64x128xf32, #tpu.memory_space<vmem>>) offsets(%dma_start3A_743 : memref<64xi32, #tpu.memory_space<vmem>>) semaphore(%arg16 : memref<!tpu.dma_semaphore, #tpu.memory_space<semaphore_mem>>)
      %dma_wait3A_747 = arith.constant 25 : i32
      %dma_wait3A_748 = arith.constant 0 : i32
      %dma_wait3A_749 = tpu.memref_slice %arg6[%dma_wait3A_747, %dma_wait3A_748] : memref<32x64xi32, #tpu.memory_space<vmem>> -> memref<1x64xi32, #tpu.memory_space<vmem>>
      %dma_wait3A_750 = tpu.memref_squeeze %dma_wait3A_749 : memref<1x64xi32, #tpu.memory_space<vmem>> -> memref<64xi32, #tpu.memory_space<vmem>>
      %dma_wait3A_751 = arith.constant 0 : i32
      %dma_wait3A_752 = arith.constant 0 : i32
      %dma_wait3A_753 = tpu.memref_slice %arg2[%dma_wait3A_751, %dma_wait3A_752] : memref<10240x128xf32, #tpu.memory_space<hbm>> -> memref<10240x128xf32, #tpu.memory_space<hbm>>
      tpu.wait_indirect_dma semaphore(%arg13 : memref<!tpu.dma_semaphore, #tpu.memory_space<semaphore_mem>>) src(%dma_wait3A_753 : memref<10240x128xf32, #tpu.memory_space<hbm>>) dst(%arg8 : memref<64x128xf32, #tpu.memory_space<vmem>>)
      %dma_start3A_754 = arith.constant 25 : i32
      %dma_start3A_755 = arith.constant 0 : i32
      %dma_start3A_756 = tpu.memref_slice %arg7[%dma_start3A_754, %dma_start3A_755] : memref<32x64xi32, #tpu.memory_space<vmem>> -> memref<1x64xi32, #tpu.memory_space<vmem>>
      %dma_start3A_757 = tpu.memref_squeeze %dma_start3A_756 : memref<1x64xi32, #tpu.memory_space<vmem>> -> memref<64xi32, #tpu.memory_space<vmem>>
      %dma_start3A_758 = arith.constant 0 : i32
      %dma_start3A_759 = arith.constant 0 : i32
      %dma_start3A_760 = tpu.memref_slice %arg23[%dma_start3A_758, %dma_start3A_759] : memref<10240x128xf32, #tpu.memory_space<vmem_shared>> -> memref<10240x128xf32, #tpu.memory_space<vmem_shared>>
      tpu.enqueue_indirect_dma source(%arg8 : memref<64x128xf32, #tpu.memory_space<vmem>>) target(%dma_start3A_760 : memref<10240x128xf32, #tpu.memory_space<vmem_shared>>) offsets(%dma_start3A_757 : memref<64xi32, #tpu.memory_space<vmem>>) semaphore(%arg18 : memref<!tpu.dma_semaphore, #tpu.memory_space<semaphore_mem>>) {add = true}
      %dma_wait3A_761 = arith.constant 24 : i32
      %dma_wait3A_762 = arith.constant 0 : i32
      %dma_wait3A_763 = tpu.memref_slice %arg7[%dma_wait3A_761, %dma_wait3A_762] : memref<32x64xi32, #tpu.memory_space<vmem>> -> memref<1x64xi32, #tpu.memory_space<vmem>>
      %dma_wait3A_764 = tpu.memref_squeeze %dma_wait3A_763 : memref<1x64xi32, #tpu.memory_space<vmem>> -> memref<64xi32, #tpu.memory_space<vmem>>
      %dma_wait3A_765 = arith.constant 0 : i32
      %dma_wait3A_766 = arith.constant 0 : i32
      %dma_wait3A_767 = tpu.memref_slice %arg23[%dma_wait3A_765, %dma_wait3A_766] : memref<10240x128xf32, #tpu.memory_space<vmem_shared>> -> memref<10240x128xf32, #tpu.memory_space<vmem_shared>>
      tpu.wait_indirect_dma semaphore(%arg22 : memref<!tpu.dma_semaphore, #tpu.memory_space<semaphore_mem>>) src(%arg12 : memref<64x128xf32, #tpu.memory_space<vmem>>) dst(%dma_wait3A_767 : memref<10240x128xf32, #tpu.memory_space<vmem_shared>>)
      %dma_start3A_768 = arith.constant 29 : i32
      %dma_start3A_769 = arith.constant 0 : i32
      %dma_start3A_770 = tpu.memref_slice %arg6[%dma_start3A_768, %dma_start3A_769] : memref<32x64xi32, #tpu.memory_space<vmem>> -> memref<1x64xi32, #tpu.memory_space<vmem>>
      %dma_start3A_771 = tpu.memref_squeeze %dma_start3A_770 : memref<1x64xi32, #tpu.memory_space<vmem>> -> memref<64xi32, #tpu.memory_space<vmem>>
      %dma_start3A_772 = arith.constant 0 : i32
      %dma_start3A_773 = arith.constant 0 : i32
      %dma_start3A_774 = tpu.memref_slice %arg2[%dma_start3A_772, %dma_start3A_773] : memref<10240x128xf32, #tpu.memory_space<hbm>> -> memref<10240x128xf32, #tpu.memory_space<hbm>>
      tpu.enqueue_indirect_dma source(%dma_start3A_774 : memref<10240x128xf32, #tpu.memory_space<hbm>>) target(%arg12 : memref<64x128xf32, #tpu.memory_space<vmem>>) offsets(%dma_start3A_771 : memref<64xi32, #tpu.memory_space<vmem>>) semaphore(%arg17 : memref<!tpu.dma_semaphore, #tpu.memory_space<semaphore_mem>>)
      %dma_wait3A_775 = arith.constant 26 : i32
      %dma_wait3A_776 = arith.constant 0 : i32
      %dma_wait3A_777 = tpu.memref_slice %arg6[%dma_wait3A_775, %dma_wait3A_776] : memref<32x64xi32, #tpu.memory_space<vmem>> -> memref<1x64xi32, #tpu.memory_space<vmem>>
      %dma_wait3A_778 = tpu.memref_squeeze %dma_wait3A_777 : memref<1x64xi32, #tpu.memory_space<vmem>> -> memref<64xi32, #tpu.memory_space<vmem>>
      %dma_wait3A_779 = arith.constant 0 : i32
      %dma_wait3A_780 = arith.constant 0 : i32
      %dma_wait3A_781 = tpu.memref_slice %arg2[%dma_wait3A_779, %dma_wait3A_780] : memref<10240x128xf32, #tpu.memory_space<hbm>> -> memref<10240x128xf32, #tpu.memory_space<hbm>>
      tpu.wait_indirect_dma semaphore(%arg14 : memref<!tpu.dma_semaphore, #tpu.memory_space<semaphore_mem>>) src(%dma_wait3A_781 : memref<10240x128xf32, #tpu.memory_space<hbm>>) dst(%arg9 : memref<64x128xf32, #tpu.memory_space<vmem>>)
      %dma_start3A_782 = arith.constant 26 : i32
      %dma_start3A_783 = arith.constant 0 : i32
      %dma_start3A_784 = tpu.memref_slice %arg7[%dma_start3A_782, %dma_start3A_783] : memref<32x64xi32, #tpu.memory_space<vmem>> -> memref<1x64xi32, #tpu.memory_space<vmem>>
      %dma_start3A_785 = tpu.memref_squeeze %dma_start3A_784 : memref<1x64xi32, #tpu.memory_space<vmem>> -> memref<64xi32, #tpu.memory_space<vmem>>
      %dma_start3A_786 = arith.constant 0 : i32
      %dma_start3A_787 = arith.constant 0 : i32
      %dma_start3A_788 = tpu.memref_slice %arg23[%dma_start3A_786, %dma_start3A_787] : memref<10240x128xf32, #tpu.memory_space<vmem_shared>> -> memref<10240x128xf32, #tpu.memory_space<vmem_shared>>
      tpu.enqueue_indirect_dma source(%arg9 : memref<64x128xf32, #tpu.memory_space<vmem>>) target(%dma_start3A_788 : memref<10240x128xf32, #tpu.memory_space<vmem_shared>>) offsets(%dma_start3A_785 : memref<64xi32, #tpu.memory_space<vmem>>) semaphore(%arg19 : memref<!tpu.dma_semaphore, #tpu.memory_space<semaphore_mem>>) {add = true}
      %dma_wait3A_789 = arith.constant 25 : i32
      %dma_wait3A_790 = arith.constant 0 : i32
      %dma_wait3A_791 = tpu.memref_slice %arg7[%dma_wait3A_789, %dma_wait3A_790] : memref<32x64xi32, #tpu.memory_space<vmem>> -> memref<1x64xi32, #tpu.memory_space<vmem>>
      %dma_wait3A_792 = tpu.memref_squeeze %dma_wait3A_791 : memref<1x64xi32, #tpu.memory_space<vmem>> -> memref<64xi32, #tpu.memory_space<vmem>>
      %dma_wait3A_793 = arith.constant 0 : i32
      %dma_wait3A_794 = arith.constant 0 : i32
      %dma_wait3A_795 = tpu.memref_slice %arg23[%dma_wait3A_793, %dma_wait3A_794] : memref<10240x128xf32, #tpu.memory_space<vmem_shared>> -> memref<10240x128xf32, #tpu.memory_space<vmem_shared>>
      tpu.wait_indirect_dma semaphore(%arg18 : memref<!tpu.dma_semaphore, #tpu.memory_space<semaphore_mem>>) src(%arg8 : memref<64x128xf32, #tpu.memory_space<vmem>>) dst(%dma_wait3A_795 : memref<10240x128xf32, #tpu.memory_space<vmem_shared>>)
      %dma_start3A_796 = arith.constant 30 : i32
      %dma_start3A_797 = arith.constant 0 : i32
      %dma_start3A_798 = tpu.memref_slice %arg6[%dma_start3A_796, %dma_start3A_797] : memref<32x64xi32, #tpu.memory_space<vmem>> -> memref<1x64xi32, #tpu.memory_space<vmem>>
      %dma_start3A_799 = tpu.memref_squeeze %dma_start3A_798 : memref<1x64xi32, #tpu.memory_space<vmem>> -> memref<64xi32, #tpu.memory_space<vmem>>
      %dma_start3A_800 = arith.constant 0 : i32
      %dma_start3A_801 = arith.constant 0 : i32
      %dma_start3A_802 = tpu.memref_slice %arg2[%dma_start3A_800, %dma_start3A_801] : memref<10240x128xf32, #tpu.memory_space<hbm>> -> memref<10240x128xf32, #tpu.memory_space<hbm>>
      tpu.enqueue_indirect_dma source(%dma_start3A_802 : memref<10240x128xf32, #tpu.memory_space<hbm>>) target(%arg8 : memref<64x128xf32, #tpu.memory_space<vmem>>) offsets(%dma_start3A_799 : memref<64xi32, #tpu.memory_space<vmem>>) semaphore(%arg13 : memref<!tpu.dma_semaphore, #tpu.memory_space<semaphore_mem>>)
      %dma_wait3A_803 = arith.constant 27 : i32
      %dma_wait3A_804 = arith.constant 0 : i32
      %dma_wait3A_805 = tpu.memref_slice %arg6[%dma_wait3A_803, %dma_wait3A_804] : memref<32x64xi32, #tpu.memory_space<vmem>> -> memref<1x64xi32, #tpu.memory_space<vmem>>
      %dma_wait3A_806 = tpu.memref_squeeze %dma_wait3A_805 : memref<1x64xi32, #tpu.memory_space<vmem>> -> memref<64xi32, #tpu.memory_space<vmem>>
      %dma_wait3A_807 = arith.constant 0 : i32
      %dma_wait3A_808 = arith.constant 0 : i32
      %dma_wait3A_809 = tpu.memref_slice %arg2[%dma_wait3A_807, %dma_wait3A_808] : memref<10240x128xf32, #tpu.memory_space<hbm>> -> memref<10240x128xf32, #tpu.memory_space<hbm>>
      tpu.wait_indirect_dma semaphore(%arg15 : memref<!tpu.dma_semaphore, #tpu.memory_space<semaphore_mem>>) src(%dma_wait3A_809 : memref<10240x128xf32, #tpu.memory_space<hbm>>) dst(%arg10 : memref<64x128xf32, #tpu.memory_space<vmem>>)
      %dma_start3A_810 = arith.constant 27 : i32
      %dma_start3A_811 = arith.constant 0 : i32
      %dma_start3A_812 = tpu.memref_slice %arg7[%dma_start3A_810, %dma_start3A_811] : memref<32x64xi32, #tpu.memory_space<vmem>> -> memref<1x64xi32, #tpu.memory_space<vmem>>
      %dma_start3A_813 = tpu.memref_squeeze %dma_start3A_812 : memref<1x64xi32, #tpu.memory_space<vmem>> -> memref<64xi32, #tpu.memory_space<vmem>>
      %dma_start3A_814 = arith.constant 0 : i32
      %dma_start3A_815 = arith.constant 0 : i32
      %dma_start3A_816 = tpu.memref_slice %arg23[%dma_start3A_814, %dma_start3A_815] : memref<10240x128xf32, #tpu.memory_space<vmem_shared>> -> memref<10240x128xf32, #tpu.memory_space<vmem_shared>>
      tpu.enqueue_indirect_dma source(%arg10 : memref<64x128xf32, #tpu.memory_space<vmem>>) target(%dma_start3A_816 : memref<10240x128xf32, #tpu.memory_space<vmem_shared>>) offsets(%dma_start3A_813 : memref<64xi32, #tpu.memory_space<vmem>>) semaphore(%arg20 : memref<!tpu.dma_semaphore, #tpu.memory_space<semaphore_mem>>) {add = true}
      %dma_wait3A_817 = arith.constant 26 : i32
      %dma_wait3A_818 = arith.constant 0 : i32
      %dma_wait3A_819 = tpu.memref_slice %arg7[%dma_wait3A_817, %dma_wait3A_818] : memref<32x64xi32, #tpu.memory_space<vmem>> -> memref<1x64xi32, #tpu.memory_space<vmem>>
      %dma_wait3A_820 = tpu.memref_squeeze %dma_wait3A_819 : memref<1x64xi32, #tpu.memory_space<vmem>> -> memref<64xi32, #tpu.memory_space<vmem>>
      %dma_wait3A_821 = arith.constant 0 : i32
      %dma_wait3A_822 = arith.constant 0 : i32
      %dma_wait3A_823 = tpu.memref_slice %arg23[%dma_wait3A_821, %dma_wait3A_822] : memref<10240x128xf32, #tpu.memory_space<vmem_shared>> -> memref<10240x128xf32, #tpu.memory_space<vmem_shared>>
      tpu.wait_indirect_dma semaphore(%arg19 : memref<!tpu.dma_semaphore, #tpu.memory_space<semaphore_mem>>) src(%arg9 : memref<64x128xf32, #tpu.memory_space<vmem>>) dst(%dma_wait3A_823 : memref<10240x128xf32, #tpu.memory_space<vmem_shared>>)
      %dma_start3A_824 = arith.constant 31 : i32
      %dma_start3A_825 = arith.constant 0 : i32
      %dma_start3A_826 = tpu.memref_slice %arg6[%dma_start3A_824, %dma_start3A_825] : memref<32x64xi32, #tpu.memory_space<vmem>> -> memref<1x64xi32, #tpu.memory_space<vmem>>
      %dma_start3A_827 = tpu.memref_squeeze %dma_start3A_826 : memref<1x64xi32, #tpu.memory_space<vmem>> -> memref<64xi32, #tpu.memory_space<vmem>>
      %dma_start3A_828 = arith.constant 0 : i32
      %dma_start3A_829 = arith.constant 0 : i32
      %dma_start3A_830 = tpu.memref_slice %arg2[%dma_start3A_828, %dma_start3A_829] : memref<10240x128xf32, #tpu.memory_space<hbm>> -> memref<10240x128xf32, #tpu.memory_space<hbm>>
      tpu.enqueue_indirect_dma source(%dma_start3A_830 : memref<10240x128xf32, #tpu.memory_space<hbm>>) target(%arg9 : memref<64x128xf32, #tpu.memory_space<vmem>>) offsets(%dma_start3A_827 : memref<64xi32, #tpu.memory_space<vmem>>) semaphore(%arg14 : memref<!tpu.dma_semaphore, #tpu.memory_space<semaphore_mem>>)
      %dma_wait3A_831 = arith.constant 28 : i32
      %dma_wait3A_832 = arith.constant 0 : i32
      %dma_wait3A_833 = tpu.memref_slice %arg6[%dma_wait3A_831, %dma_wait3A_832] : memref<32x64xi32, #tpu.memory_space<vmem>> -> memref<1x64xi32, #tpu.memory_space<vmem>>
      %dma_wait3A_834 = tpu.memref_squeeze %dma_wait3A_833 : memref<1x64xi32, #tpu.memory_space<vmem>> -> memref<64xi32, #tpu.memory_space<vmem>>
      %dma_wait3A_835 = arith.constant 0 : i32
      %dma_wait3A_836 = arith.constant 0 : i32
      %dma_wait3A_837 = tpu.memref_slice %arg2[%dma_wait3A_835, %dma_wait3A_836] : memref<10240x128xf32, #tpu.memory_space<hbm>> -> memref<10240x128xf32, #tpu.memory_space<hbm>>
      tpu.wait_indirect_dma semaphore(%arg16 : memref<!tpu.dma_semaphore, #tpu.memory_space<semaphore_mem>>) src(%dma_wait3A_837 : memref<10240x128xf32, #tpu.memory_space<hbm>>) dst(%arg11 : memref<64x128xf32, #tpu.memory_space<vmem>>)
      %dma_start3A_838 = arith.constant 28 : i32
      %dma_start3A_839 = arith.constant 0 : i32
      %dma_start3A_840 = tpu.memref_slice %arg7[%dma_start3A_838, %dma_start3A_839] : memref<32x64xi32, #tpu.memory_space<vmem>> -> memref<1x64xi32, #tpu.memory_space<vmem>>
      %dma_start3A_841 = tpu.memref_squeeze %dma_start3A_840 : memref<1x64xi32, #tpu.memory_space<vmem>> -> memref<64xi32, #tpu.memory_space<vmem>>
      %dma_start3A_842 = arith.constant 0 : i32
      %dma_start3A_843 = arith.constant 0 : i32
      %dma_start3A_844 = tpu.memref_slice %arg23[%dma_start3A_842, %dma_start3A_843] : memref<10240x128xf32, #tpu.memory_space<vmem_shared>> -> memref<10240x128xf32, #tpu.memory_space<vmem_shared>>
      tpu.enqueue_indirect_dma source(%arg11 : memref<64x128xf32, #tpu.memory_space<vmem>>) target(%dma_start3A_844 : memref<10240x128xf32, #tpu.memory_space<vmem_shared>>) offsets(%dma_start3A_841 : memref<64xi32, #tpu.memory_space<vmem>>) semaphore(%arg21 : memref<!tpu.dma_semaphore, #tpu.memory_space<semaphore_mem>>) {add = true}
      %dma_wait3A_845 = arith.constant 29 : i32
      %dma_wait3A_846 = arith.constant 0 : i32
      %dma_wait3A_847 = tpu.memref_slice %arg6[%dma_wait3A_845, %dma_wait3A_846] : memref<32x64xi32, #tpu.memory_space<vmem>> -> memref<1x64xi32, #tpu.memory_space<vmem>>
      %dma_wait3A_848 = tpu.memref_squeeze %dma_wait3A_847 : memref<1x64xi32, #tpu.memory_space<vmem>> -> memref<64xi32, #tpu.memory_space<vmem>>
      %dma_wait3A_849 = arith.constant 0 : i32
      %dma_wait3A_850 = arith.constant 0 : i32
      %dma_wait3A_851 = tpu.memref_slice %arg2[%dma_wait3A_849, %dma_wait3A_850] : memref<10240x128xf32, #tpu.memory_space<hbm>> -> memref<10240x128xf32, #tpu.memory_space<hbm>>
      tpu.wait_indirect_dma semaphore(%arg17 : memref<!tpu.dma_semaphore, #tpu.memory_space<semaphore_mem>>) src(%dma_wait3A_851 : memref<10240x128xf32, #tpu.memory_space<hbm>>) dst(%arg12 : memref<64x128xf32, #tpu.memory_space<vmem>>)
      %dma_start3A_852 = arith.constant 29 : i32
      %dma_start3A_853 = arith.constant 0 : i32
      %dma_start3A_854 = tpu.memref_slice %arg7[%dma_start3A_852, %dma_start3A_853] : memref<32x64xi32, #tpu.memory_space<vmem>> -> memref<1x64xi32, #tpu.memory_space<vmem>>
      %dma_start3A_855 = tpu.memref_squeeze %dma_start3A_854 : memref<1x64xi32, #tpu.memory_space<vmem>> -> memref<64xi32, #tpu.memory_space<vmem>>
      %dma_start3A_856 = arith.constant 0 : i32
      %dma_start3A_857 = arith.constant 0 : i32
      %dma_start3A_858 = tpu.memref_slice %arg23[%dma_start3A_856, %dma_start3A_857] : memref<10240x128xf32, #tpu.memory_space<vmem_shared>> -> memref<10240x128xf32, #tpu.memory_space<vmem_shared>>
      tpu.enqueue_indirect_dma source(%arg12 : memref<64x128xf32, #tpu.memory_space<vmem>>) target(%dma_start3A_858 : memref<10240x128xf32, #tpu.memory_space<vmem_shared>>) offsets(%dma_start3A_855 : memref<64xi32, #tpu.memory_space<vmem>>) semaphore(%arg22 : memref<!tpu.dma_semaphore, #tpu.memory_space<semaphore_mem>>) {add = true}
      %dma_wait3A_859 = arith.constant 30 : i32
      %dma_wait3A_860 = arith.constant 0 : i32
      %dma_wait3A_861 = tpu.memref_slice %arg6[%dma_wait3A_859, %dma_wait3A_860] : memref<32x64xi32, #tpu.memory_space<vmem>> -> memref<1x64xi32, #tpu.memory_space<vmem>>
      %dma_wait3A_862 = tpu.memref_squeeze %dma_wait3A_861 : memref<1x64xi32, #tpu.memory_space<vmem>> -> memref<64xi32, #tpu.memory_space<vmem>>
      %dma_wait3A_863 = arith.constant 0 : i32
      %dma_wait3A_864 = arith.constant 0 : i32
      %dma_wait3A_865 = tpu.memref_slice %arg2[%dma_wait3A_863, %dma_wait3A_864] : memref<10240x128xf32, #tpu.memory_space<hbm>> -> memref<10240x128xf32, #tpu.memory_space<hbm>>
      tpu.wait_indirect_dma semaphore(%arg13 : memref<!tpu.dma_semaphore, #tpu.memory_space<semaphore_mem>>) src(%dma_wait3A_865 : memref<10240x128xf32, #tpu.memory_space<hbm>>) dst(%arg8 : memref<64x128xf32, #tpu.memory_space<vmem>>)
      %dma_start3A_866 = arith.constant 30 : i32
      %dma_start3A_867 = arith.constant 0 : i32
      %dma_start3A_868 = tpu.memref_slice %arg7[%dma_start3A_866, %dma_start3A_867] : memref<32x64xi32, #tpu.memory_space<vmem>> -> memref<1x64xi32, #tpu.memory_space<vmem>>
      %dma_start3A_869 = tpu.memref_squeeze %dma_start3A_868 : memref<1x64xi32, #tpu.memory_space<vmem>> -> memref<64xi32, #tpu.memory_space<vmem>>
      %dma_start3A_870 = arith.constant 0 : i32
      %dma_start3A_871 = arith.constant 0 : i32
      %dma_start3A_872 = tpu.memref_slice %arg23[%dma_start3A_870, %dma_start3A_871] : memref<10240x128xf32, #tpu.memory_space<vmem_shared>> -> memref<10240x128xf32, #tpu.memory_space<vmem_shared>>
      tpu.enqueue_indirect_dma source(%arg8 : memref<64x128xf32, #tpu.memory_space<vmem>>) target(%dma_start3A_872 : memref<10240x128xf32, #tpu.memory_space<vmem_shared>>) offsets(%dma_start3A_869 : memref<64xi32, #tpu.memory_space<vmem>>) semaphore(%arg18 : memref<!tpu.dma_semaphore, #tpu.memory_space<semaphore_mem>>) {add = true}
      %dma_wait3A_873 = arith.constant 31 : i32
      %dma_wait3A_874 = arith.constant 0 : i32
      %dma_wait3A_875 = tpu.memref_slice %arg6[%dma_wait3A_873, %dma_wait3A_874] : memref<32x64xi32, #tpu.memory_space<vmem>> -> memref<1x64xi32, #tpu.memory_space<vmem>>
      %dma_wait3A_876 = tpu.memref_squeeze %dma_wait3A_875 : memref<1x64xi32, #tpu.memory_space<vmem>> -> memref<64xi32, #tpu.memory_space<vmem>>
      %dma_wait3A_877 = arith.constant 0 : i32
      %dma_wait3A_878 = arith.constant 0 : i32
      %dma_wait3A_879 = tpu.memref_slice %arg2[%dma_wait3A_877, %dma_wait3A_878] : memref<10240x128xf32, #tpu.memory_space<hbm>> -> memref<10240x128xf32, #tpu.memory_space<hbm>>
      tpu.wait_indirect_dma semaphore(%arg14 : memref<!tpu.dma_semaphore, #tpu.memory_space<semaphore_mem>>) src(%dma_wait3A_879 : memref<10240x128xf32, #tpu.memory_space<hbm>>) dst(%arg9 : memref<64x128xf32, #tpu.memory_space<vmem>>)
      %dma_start3A_880 = arith.constant 31 : i32
      %dma_start3A_881 = arith.constant 0 : i32
      %dma_start3A_882 = tpu.memref_slice %arg7[%dma_start3A_880, %dma_start3A_881] : memref<32x64xi32, #tpu.memory_space<vmem>> -> memref<1x64xi32, #tpu.memory_space<vmem>>
      %dma_start3A_883 = tpu.memref_squeeze %dma_start3A_882 : memref<1x64xi32, #tpu.memory_space<vmem>> -> memref<64xi32, #tpu.memory_space<vmem>>
      %dma_start3A_884 = arith.constant 0 : i32
      %dma_start3A_885 = arith.constant 0 : i32
      %dma_start3A_886 = tpu.memref_slice %arg23[%dma_start3A_884, %dma_start3A_885] : memref<10240x128xf32, #tpu.memory_space<vmem_shared>> -> memref<10240x128xf32, #tpu.memory_space<vmem_shared>>
      tpu.enqueue_indirect_dma source(%arg9 : memref<64x128xf32, #tpu.memory_space<vmem>>) target(%dma_start3A_886 : memref<10240x128xf32, #tpu.memory_space<vmem_shared>>) offsets(%dma_start3A_883 : memref<64xi32, #tpu.memory_space<vmem>>) semaphore(%arg19 : memref<!tpu.dma_semaphore, #tpu.memory_space<semaphore_mem>>) {add = true}
      %dma_wait3A_887 = arith.constant 27 : i32
      %dma_wait3A_888 = arith.constant 0 : i32
      %dma_wait3A_889 = tpu.memref_slice %arg7[%dma_wait3A_887, %dma_wait3A_888] : memref<32x64xi32, #tpu.memory_space<vmem>> -> memref<1x64xi32, #tpu.memory_space<vmem>>
      %dma_wait3A_890 = tpu.memref_squeeze %dma_wait3A_889 : memref<1x64xi32, #tpu.memory_space<vmem>> -> memref<64xi32, #tpu.memory_space<vmem>>
      %dma_wait3A_891 = arith.constant 0 : i32
      %dma_wait3A_892 = arith.constant 0 : i32
      %dma_wait3A_893 = tpu.memref_slice %arg23[%dma_wait3A_891, %dma_wait3A_892] : memref<10240x128xf32, #tpu.memory_space<vmem_shared>> -> memref<10240x128xf32, #tpu.memory_space<vmem_shared>>
      tpu.wait_indirect_dma semaphore(%arg20 : memref<!tpu.dma_semaphore, #tpu.memory_space<semaphore_mem>>) src(%arg10 : memref<64x128xf32, #tpu.memory_space<vmem>>) dst(%dma_wait3A_893 : memref<10240x128xf32, #tpu.memory_space<vmem_shared>>)
      %dma_wait3A_894 = arith.constant 28 : i32
      %dma_wait3A_895 = arith.constant 0 : i32
      %dma_wait3A_896 = tpu.memref_slice %arg7[%dma_wait3A_894, %dma_wait3A_895] : memref<32x64xi32, #tpu.memory_space<vmem>> -> memref<1x64xi32, #tpu.memory_space<vmem>>
      %dma_wait3A_897 = tpu.memref_squeeze %dma_wait3A_896 : memref<1x64xi32, #tpu.memory_space<vmem>> -> memref<64xi32, #tpu.memory_space<vmem>>
      %dma_wait3A_898 = arith.constant 0 : i32
      %dma_wait3A_899 = arith.constant 0 : i32
      %dma_wait3A_900 = tpu.memref_slice %arg23[%dma_wait3A_898, %dma_wait3A_899] : memref<10240x128xf32, #tpu.memory_space<vmem_shared>> -> memref<10240x128xf32, #tpu.memory_space<vmem_shared>>
      tpu.wait_indirect_dma semaphore(%arg21 : memref<!tpu.dma_semaphore, #tpu.memory_space<semaphore_mem>>) src(%arg11 : memref<64x128xf32, #tpu.memory_space<vmem>>) dst(%dma_wait3A_900 : memref<10240x128xf32, #tpu.memory_space<vmem_shared>>)
      %dma_wait3A_901 = arith.constant 29 : i32
      %dma_wait3A_902 = arith.constant 0 : i32
      %dma_wait3A_903 = tpu.memref_slice %arg7[%dma_wait3A_901, %dma_wait3A_902] : memref<32x64xi32, #tpu.memory_space<vmem>> -> memref<1x64xi32, #tpu.memory_space<vmem>>
      %dma_wait3A_904 = tpu.memref_squeeze %dma_wait3A_903 : memref<1x64xi32, #tpu.memory_space<vmem>> -> memref<64xi32, #tpu.memory_space<vmem>>
      %dma_wait3A_905 = arith.constant 0 : i32
      %dma_wait3A_906 = arith.constant 0 : i32
      %dma_wait3A_907 = tpu.memref_slice %arg23[%dma_wait3A_905, %dma_wait3A_906] : memref<10240x128xf32, #tpu.memory_space<vmem_shared>> -> memref<10240x128xf32, #tpu.memory_space<vmem_shared>>
      tpu.wait_indirect_dma semaphore(%arg22 : memref<!tpu.dma_semaphore, #tpu.memory_space<semaphore_mem>>) src(%arg12 : memref<64x128xf32, #tpu.memory_space<vmem>>) dst(%dma_wait3A_907 : memref<10240x128xf32, #tpu.memory_space<vmem_shared>>)
      %dma_wait3A_908 = arith.constant 30 : i32
      %dma_wait3A_909 = arith.constant 0 : i32
      %dma_wait3A_910 = tpu.memref_slice %arg7[%dma_wait3A_908, %dma_wait3A_909] : memref<32x64xi32, #tpu.memory_space<vmem>> -> memref<1x64xi32, #tpu.memory_space<vmem>>
      %dma_wait3A_911 = tpu.memref_squeeze %dma_wait3A_910 : memref<1x64xi32, #tpu.memory_space<vmem>> -> memref<64xi32, #tpu.memory_space<vmem>>
      %dma_wait3A_912 = arith.constant 0 : i32
      %dma_wait3A_913 = arith.constant 0 : i32
      %dma_wait3A_914 = tpu.memref_slice %arg23[%dma_wait3A_912, %dma_wait3A_913] : memref<10240x128xf32, #tpu.memory_space<vmem_shared>> -> memref<10240x128xf32, #tpu.memory_space<vmem_shared>>
      tpu.wait_indirect_dma semaphore(%arg18 : memref<!tpu.dma_semaphore, #tpu.memory_space<semaphore_mem>>) src(%arg8 : memref<64x128xf32, #tpu.memory_space<vmem>>) dst(%dma_wait3A_914 : memref<10240x128xf32, #tpu.memory_space<vmem_shared>>)
      %dma_wait3A_915 = arith.constant 31 : i32
      %dma_wait3A_916 = arith.constant 0 : i32
      %dma_wait3A_917 = tpu.memref_slice %arg7[%dma_wait3A_915, %dma_wait3A_916] : memref<32x64xi32, #tpu.memory_space<vmem>> -> memref<1x64xi32, #tpu.memory_space<vmem>>
      %dma_wait3A_918 = tpu.memref_squeeze %dma_wait3A_917 : memref<1x64xi32, #tpu.memory_space<vmem>> -> memref<64xi32, #tpu.memory_space<vmem>>
      %dma_wait3A_919 = arith.constant 0 : i32
      %dma_wait3A_920 = arith.constant 0 : i32
      %dma_wait3A_921 = tpu.memref_slice %arg23[%dma_wait3A_919, %dma_wait3A_920] : memref<10240x128xf32, #tpu.memory_space<vmem_shared>> -> memref<10240x128xf32, #tpu.memory_space<vmem_shared>>
      tpu.wait_indirect_dma semaphore(%arg19 : memref<!tpu.dma_semaphore, #tpu.memory_space<semaphore_mem>>) src(%arg9 : memref<64x128xf32, #tpu.memory_space<vmem>>) dst(%dma_wait3A_921 : memref<10240x128xf32, #tpu.memory_space<vmem_shared>>)
      %scan3A_922 = arith.constant 0 : i32
      scf.yield %scan3A_922 : i32
    }
    %scan3A_20 = arith.constant 5 : i32
    %barrier3A_21 = arith.constant 0 : index
    tpu.barrier barrier_id(%barrier3A_21)
    %mul3A_22 = arith.constant 640 : i32
    %mul3A_23 = arith.muli %arg1, %mul3A_22 : i32
    %mul3A_24 = arith.constant 640 : i32
    %mul3A_25 = arith.muli %arg1, %mul3A_24 : i32
    "tpu.region"() ({
      %run_scoped3A = tpu.sem_alloc : memref<!tpu.dma_semaphore, #tpu.memory_space<semaphore_mem>>
      %dma_start3A = arith.constant 0 : i32
      %dma_start3A_26 = tpu.memref_slice %arg5[%arg0, %mul3A_25, %dma_start3A] : memref<2x10240x128xf32, #tpu.memory_space<hbm>> -> memref<1x640x128xf32, #tpu.memory_space<hbm>>
      %dma_start3A_27 = tpu.memref_squeeze %dma_start3A_26 : memref<1x640x128xf32, #tpu.memory_space<hbm>> -> memref<640x128xf32, #tpu.memory_space<hbm>>
      %dma_start3A_28 = arith.constant 0 : i32
      %dma_start3A_29 = tpu.memref_slice %arg23[%mul3A_23, %dma_start3A_28] : memref<10240x128xf32, #tpu.memory_space<vmem_shared>> -> memref<640x128xf32, #tpu.memory_space<vmem_shared>>
      tpu.enqueue_dma source(%dma_start3A_29 : memref<640x128xf32, #tpu.memory_space<vmem_shared>>) target(%dma_start3A_27 : memref<640x128xf32, #tpu.memory_space<hbm>>) target_semaphore(%run_scoped3A : memref<!tpu.dma_semaphore, #tpu.memory_space<semaphore_mem>>)
      %dma_wait3A = arith.constant 0 : i32
      %dma_wait3A_30 = tpu.memref_slice %arg5[%arg0, %mul3A_25, %dma_wait3A] : memref<2x10240x128xf32, #tpu.memory_space<hbm>> -> memref<1x640x128xf32, #tpu.memory_space<hbm>>
      %dma_wait3A_31 = tpu.memref_squeeze %dma_wait3A_30 : memref<1x640x128xf32, #tpu.memory_space<hbm>> -> memref<640x128xf32, #tpu.memory_space<hbm>>
      %dma_wait3A_32 = arith.constant 0 : i32
      %dma_wait3A_33 = tpu.memref_slice %arg23[%mul3A_23, %dma_wait3A_32] : memref<10240x128xf32, #tpu.memory_space<vmem_shared>> -> memref<640x128xf32, #tpu.memory_space<vmem_shared>>
      tpu.wait_dma2 semaphore(%run_scoped3A : memref<!tpu.dma_semaphore, #tpu.memory_space<semaphore_mem>>) src(%dma_wait3A_33 : memref<640x128xf32, #tpu.memory_space<vmem_shared>>) dst(%dma_wait3A_31 : memref<640x128xf32, #tpu.memory_space<hbm>>)
      tpu.yield
    }) : () -> ()
    return
  }
}

#map = affine_map<(d0, d1) -> (0, 0, 0, 0)>
#map1 = affine_map<(d0, d1) -> (0, 0)>
module attributes {stable_mosaic.version = 14 : i64} {
  func.func @_deg_kernel(%arg0: i32, %arg1: i32, %arg2: memref<32x16x5x128xi32, #tpu.memory_space<hbm>>, %arg3: memref<2x10240xf32, #tpu.memory_space<hbm>>, %arg4: memref<5x128xi32, #tpu.memory_space<vmem>>, %arg5: memref<128xf32, #tpu.memory_space<vmem>>, %arg6: memref<640xf32, #tpu.memory_space<vmem>>, %arg7: memref<10240xf32, #tpu.memory_space<vmem_shared>>, %arg8: memref<!tpu.dma_semaphore, #tpu.memory_space<semaphore_mem>>) attributes {dimension_semantics = [#tpu.dimension_semantics<core_parallel>, #tpu.dimension_semantics<subcore_parallel>], iteration_bounds = array<i64: 2, 16>, scalar_prefetch = 0 : i64, scratch_operands = 5 : i64, tpu.core_type = #tpu.core_type<sc_vector_subcore>, window_params = [{transform_indices = #map}, {transform_indices = #map1}]} {
    %mul3A = arith.constant 2 : i32
    %mul3A_0 = arith.muli %arg1, %mul3A : i32
    %add3A = arith.addi %mul3A_0, %arg0 : i32
    %scan3A = arith.constant 0 : i32
    %scan3A_1 = arith.constant 0 : i32
    %scan3A_2 = arith.constant 40 : i32
    %scan3A_3 = arith.addi %scan3A_1, %scan3A_2 : i32
    %scan3A_4 = arith.constant 1 : i32
    %scan3A_5 = scf.for %scan3A_28 = %scan3A_1 to %scan3A_3 step %scan3A_4 iter_args(%scan3A_29 = %scan3A) -> (i32)  : i32 {
      %broadcast_in_dim3A = arith.constant 0.000000e+00 : f32
      %broadcast_in_dim3A_30 = vector.broadcast %broadcast_in_dim3A : f32 to vector<16xf32>
      %mul3A_31 = arith.constant 16 : i32
      %mul3A_32 = arith.muli %scan3A_28, %mul3A_31 : i32
      %swap3A = arith.index_cast %mul3A_32 : i32 to index
      %swap3A_33 = tpu.vector_load %arg6[%swap3A] {strides = array<i32>} : memref<640xf32, #tpu.memory_space<vmem>>, vector<16xf32>,
      %swap3A_34 = vector.shape_cast %swap3A_33 : vector<16xf32> to vector<16xf32>
      %swap3A_35 = vector.shape_cast %broadcast_in_dim3A_30 : vector<16xf32> to vector<16xf32>
      tpu.vector_store %arg6[%swap3A], %swap3A_35 {strides = array<i32>} : memref<640xf32, #tpu.memory_space<vmem>>, vector<16xf32>,
      %scan3A_36 = arith.constant 0 : i32
      scf.yield %scan3A_36 : i32
    }
    %scan3A_6 = arith.constant 40 : i32
    %scan3A_7 = arith.constant 0 : i32
    %scan3A_8 = arith.constant 0 : i32
    %scan3A_9 = arith.constant 8 : i32
    %scan3A_10 = arith.addi %scan3A_8, %scan3A_9 : i32
    %scan3A_11 = arith.constant 1 : i32
    %scan3A_12 = scf.for %scan3A_28 = %scan3A_8 to %scan3A_10 step %scan3A_11 iter_args(%scan3A_29 = %scan3A_7) -> (i32)  : i32 {
      %broadcast_in_dim3A = arith.constant 1.000000e+00 : f32
      %broadcast_in_dim3A_30 = vector.broadcast %broadcast_in_dim3A : f32 to vector<16xf32>
      %mul3A_31 = arith.constant 16 : i32
      %mul3A_32 = arith.muli %scan3A_28, %mul3A_31 : i32
      %swap3A = arith.index_cast %mul3A_32 : i32 to index
      %swap3A_33 = tpu.vector_load %arg5[%swap3A] {strides = array<i32>} : memref<128xf32, #tpu.memory_space<vmem>>, vector<16xf32>,
      %swap3A_34 = vector.shape_cast %swap3A_33 : vector<16xf32> to vector<16xf32>
      %swap3A_35 = vector.shape_cast %broadcast_in_dim3A_30 : vector<16xf32> to vector<16xf32>
      tpu.vector_store %arg5[%swap3A], %swap3A_35 {strides = array<i32>} : memref<128xf32, #tpu.memory_space<vmem>>, vector<16xf32>,
      %scan3A_36 = arith.constant 0 : i32
      scf.yield %scan3A_36 : i32
    }
    %scan3A_13 = arith.constant 8 : i32
    %mul3A_14 = arith.constant 640 : i32
    %mul3A_15 = arith.muli %arg1, %mul3A_14 : i32
    "tpu.region"() ({
      %run_scoped3A = tpu.sem_alloc : memref<!tpu.dma_semaphore, #tpu.memory_space<semaphore_mem>>
      %dma_start3A = tpu.memref_slice %arg7[%mul3A_15] : memref<10240xf32, #tpu.memory_space<vmem_shared>> -> memref<640xf32, #tpu.memory_space<vmem_shared>>
      %dma_start3A_28 = tpu.memref_slice %arg7[%mul3A_15] : memref<10240xf32, #tpu.memory_space<vmem_shared>> -> memref<640xf32, #tpu.memory_space<vmem_shared>>
      tpu.enqueue_dma source(%arg6 : memref<640xf32, #tpu.memory_space<vmem>>) target(%dma_start3A_28 : memref<640xf32, #tpu.memory_space<vmem_shared>>) target_semaphore(%run_scoped3A : memref<!tpu.dma_semaphore, #tpu.memory_space<semaphore_mem>>)
      %dma_wait3A = tpu.memref_slice %arg7[%mul3A_15] : memref<10240xf32, #tpu.memory_space<vmem_shared>> -> memref<640xf32, #tpu.memory_space<vmem_shared>>
      %dma_wait3A_29 = tpu.memref_slice %arg7[%mul3A_15] : memref<10240xf32, #tpu.memory_space<vmem_shared>> -> memref<640xf32, #tpu.memory_space<vmem_shared>>
      tpu.wait_dma2 semaphore(%run_scoped3A : memref<!tpu.dma_semaphore, #tpu.memory_space<semaphore_mem>>) src(%arg6 : memref<640xf32, #tpu.memory_space<vmem>>) dst(%dma_wait3A_29 : memref<640xf32, #tpu.memory_space<vmem_shared>>)
      tpu.yield
    }) : () -> ()
    %barrier3A = arith.constant 0 : index
    tpu.barrier barrier_id(%barrier3A)
    %scan3A_16 = arith.constant 0 : i32
    %scan3A_17 = arith.constant 0 : i32
    %scan3A_18 = arith.constant 16 : i32
    %scan3A_19 = arith.addi %scan3A_17, %scan3A_18 : i32
    %scan3A_20 = arith.constant 1 : i32
    %scan3A_21 = scf.for %scan3A_28 = %scan3A_17 to %scan3A_19 step %scan3A_20 iter_args(%scan3A_29 = %scan3A_16) -> (i32)  : i32 {
      "tpu.region"() ({
        %run_scoped3A = tpu.sem_alloc : memref<!tpu.dma_semaphore, #tpu.memory_space<semaphore_mem>>
        %dma_start3A_89 = arith.constant 0 : i32
        %dma_start3A_90 = arith.constant 0 : i32
        %dma_start3A_91 = tpu.memref_slice %arg2[%add3A, %scan3A_28, %dma_start3A_89, %dma_start3A_90] : memref<32x16x5x128xi32, #tpu.memory_space<hbm>> -> memref<1x1x5x128xi32, #tpu.memory_space<hbm>>
        %dma_start3A_92 = tpu.memref_squeeze %dma_start3A_91 : memref<1x1x5x128xi32, #tpu.memory_space<hbm>> -> memref<5x128xi32, #tpu.memory_space<hbm>>
        %dma_start3A_93 = arith.constant 0 : i32
        %dma_start3A_94 = arith.constant 0 : i32
        %dma_start3A_95 = tpu.memref_slice %arg2[%add3A, %scan3A_28, %dma_start3A_93, %dma_start3A_94] : memref<32x16x5x128xi32, #tpu.memory_space<hbm>> -> memref<1x1x5x128xi32, #tpu.memory_space<hbm>>
        %dma_start3A_96 = tpu.memref_squeeze %dma_start3A_95 : memref<1x1x5x128xi32, #tpu.memory_space<hbm>> -> memref<5x128xi32, #tpu.memory_space<hbm>>
        tpu.enqueue_dma source(%dma_start3A_96 : memref<5x128xi32, #tpu.memory_space<hbm>>) target(%arg4 : memref<5x128xi32, #tpu.memory_space<vmem>>) target_semaphore(%run_scoped3A : memref<!tpu.dma_semaphore, #tpu.memory_space<semaphore_mem>>)
        %dma_wait3A_97 = arith.constant 0 : i32
        %dma_wait3A_98 = arith.constant 0 : i32
        %dma_wait3A_99 = tpu.memref_slice %arg2[%add3A, %scan3A_28, %dma_wait3A_97, %dma_wait3A_98] : memref<32x16x5x128xi32, #tpu.memory_space<hbm>> -> memref<1x1x5x128xi32, #tpu.memory_space<hbm>>
        %dma_wait3A_100 = tpu.memref_squeeze %dma_wait3A_99 : memref<1x1x5x128xi32, #tpu.memory_space<hbm>> -> memref<5x128xi32, #tpu.memory_space<hbm>>
        %dma_wait3A_101 = arith.constant 0 : i32
        %dma_wait3A_102 = arith.constant 0 : i32
        %dma_wait3A_103 = tpu.memref_slice %arg2[%add3A, %scan3A_28, %dma_wait3A_101, %dma_wait3A_102] : memref<32x16x5x128xi32, #tpu.memory_space<hbm>> -> memref<1x1x5x128xi32, #tpu.memory_space<hbm>>
        %dma_wait3A_104 = tpu.memref_squeeze %dma_wait3A_103 : memref<1x1x5x128xi32, #tpu.memory_space<hbm>> -> memref<5x128xi32, #tpu.memory_space<hbm>>
        tpu.wait_dma2 semaphore(%run_scoped3A : memref<!tpu.dma_semaphore, #tpu.memory_space<semaphore_mem>>) src(%dma_wait3A_104 : memref<5x128xi32, #tpu.memory_space<hbm>>) dst(%arg4 : memref<5x128xi32, #tpu.memory_space<vmem>>)
        tpu.yield
      }) : () -> ()
      %dma_start3A = arith.constant 0 : i32
      %dma_start3A_30 = arith.constant 0 : i32
      %dma_start3A_31 = tpu.memref_slice %arg4[%dma_start3A, %dma_start3A_30] : memref<5x128xi32, #tpu.memory_space<vmem>> -> memref<1x128xi32, #tpu.memory_space<vmem>>
      %dma_start3A_32 = tpu.memref_squeeze %dma_start3A_31 : memref<1x128xi32, #tpu.memory_space<vmem>> -> memref<128xi32, #tpu.memory_space<vmem>>
      %dma_start3A_33 = arith.constant 0 : i32
      %dma_start3A_34 = tpu.memref_slice %arg7[%dma_start3A_33] : memref<10240xf32, #tpu.memory_space<vmem_shared>> -> memref<10240xf32, #tpu.memory_space<vmem_shared>>
      tpu.enqueue_indirect_dma source(%arg5 : memref<128xf32, #tpu.memory_space<vmem>>) target(%dma_start3A_34 : memref<10240xf32, #tpu.memory_space<vmem_shared>>) offsets(%dma_start3A_32 : memref<128xi32, #tpu.memory_space<vmem>>) semaphore(%arg8 : memref<!tpu.dma_semaphore, #tpu.memory_space<semaphore_mem>>) {add = true}
      %dma_start3A_35 = arith.constant 1 : i32
      %dma_start3A_36 = arith.constant 0 : i32
      %dma_start3A_37 = tpu.memref_slice %arg4[%dma_start3A_35, %dma_start3A_36] : memref<5x128xi32, #tpu.memory_space<vmem>> -> memref<1x128xi32, #tpu.memory_space<vmem>>
      %dma_start3A_38 = tpu.memref_squeeze %dma_start3A_37 : memref<1x128xi32, #tpu.memory_space<vmem>> -> memref<128xi32, #tpu.memory_space<vmem>>
      %dma_start3A_39 = arith.constant 0 : i32
      %dma_start3A_40 = tpu.memref_slice %arg7[%dma_start3A_39] : memref<10240xf32, #tpu.memory_space<vmem_shared>> -> memref<10240xf32, #tpu.memory_space<vmem_shared>>
      tpu.enqueue_indirect_dma source(%arg5 : memref<128xf32, #tpu.memory_space<vmem>>) target(%dma_start3A_40 : memref<10240xf32, #tpu.memory_space<vmem_shared>>) offsets(%dma_start3A_38 : memref<128xi32, #tpu.memory_space<vmem>>) semaphore(%arg8 : memref<!tpu.dma_semaphore, #tpu.memory_space<semaphore_mem>>) {add = true}
      %dma_start3A_41 = arith.constant 2 : i32
      %dma_start3A_42 = arith.constant 0 : i32
      %dma_start3A_43 = tpu.memref_slice %arg4[%dma_start3A_41, %dma_start3A_42] : memref<5x128xi32, #tpu.memory_space<vmem>> -> memref<1x128xi32, #tpu.memory_space<vmem>>
      %dma_start3A_44 = tpu.memref_squeeze %dma_start3A_43 : memref<1x128xi32, #tpu.memory_space<vmem>> -> memref<128xi32, #tpu.memory_space<vmem>>
      %dma_start3A_45 = arith.constant 0 : i32
      %dma_start3A_46 = tpu.memref_slice %arg7[%dma_start3A_45] : memref<10240xf32, #tpu.memory_space<vmem_shared>> -> memref<10240xf32, #tpu.memory_space<vmem_shared>>
      tpu.enqueue_indirect_dma source(%arg5 : memref<128xf32, #tpu.memory_space<vmem>>) target(%dma_start3A_46 : memref<10240xf32, #tpu.memory_space<vmem_shared>>) offsets(%dma_start3A_44 : memref<128xi32, #tpu.memory_space<vmem>>) semaphore(%arg8 : memref<!tpu.dma_semaphore, #tpu.memory_space<semaphore_mem>>) {add = true}
      %dma_start3A_47 = arith.constant 3 : i32
      %dma_start3A_48 = arith.constant 0 : i32
      %dma_start3A_49 = tpu.memref_slice %arg4[%dma_start3A_47, %dma_start3A_48] : memref<5x128xi32, #tpu.memory_space<vmem>> -> memref<1x128xi32, #tpu.memory_space<vmem>>
      %dma_start3A_50 = tpu.memref_squeeze %dma_start3A_49 : memref<1x128xi32, #tpu.memory_space<vmem>> -> memref<128xi32, #tpu.memory_space<vmem>>
      %dma_start3A_51 = arith.constant 0 : i32
      %dma_start3A_52 = tpu.memref_slice %arg7[%dma_start3A_51] : memref<10240xf32, #tpu.memory_space<vmem_shared>> -> memref<10240xf32, #tpu.memory_space<vmem_shared>>
      tpu.enqueue_indirect_dma source(%arg5 : memref<128xf32, #tpu.memory_space<vmem>>) target(%dma_start3A_52 : memref<10240xf32, #tpu.memory_space<vmem_shared>>) offsets(%dma_start3A_50 : memref<128xi32, #tpu.memory_space<vmem>>) semaphore(%arg8 : memref<!tpu.dma_semaphore, #tpu.memory_space<semaphore_mem>>) {add = true}
      %dma_start3A_53 = arith.constant 4 : i32
      %dma_start3A_54 = arith.constant 0 : i32
      %dma_start3A_55 = tpu.memref_slice %arg4[%dma_start3A_53, %dma_start3A_54] : memref<5x128xi32, #tpu.memory_space<vmem>> -> memref<1x128xi32, #tpu.memory_space<vmem>>
      %dma_start3A_56 = tpu.memref_squeeze %dma_start3A_55 : memref<1x128xi32, #tpu.memory_space<vmem>> -> memref<128xi32, #tpu.memory_space<vmem>>
      %dma_start3A_57 = arith.constant 0 : i32
      %dma_start3A_58 = tpu.memref_slice %arg7[%dma_start3A_57] : memref<10240xf32, #tpu.memory_space<vmem_shared>> -> memref<10240xf32, #tpu.memory_space<vmem_shared>>
      tpu.enqueue_indirect_dma source(%arg5 : memref<128xf32, #tpu.memory_space<vmem>>) target(%dma_start3A_58 : memref<10240xf32, #tpu.memory_space<vmem_shared>>) offsets(%dma_start3A_56 : memref<128xi32, #tpu.memory_space<vmem>>) semaphore(%arg8 : memref<!tpu.dma_semaphore, #tpu.memory_space<semaphore_mem>>) {add = true}
      %dma_wait3A = arith.constant 0 : i32
      %dma_wait3A_59 = arith.constant 0 : i32
      %dma_wait3A_60 = tpu.memref_slice %arg4[%dma_wait3A, %dma_wait3A_59] : memref<5x128xi32, #tpu.memory_space<vmem>> -> memref<1x128xi32, #tpu.memory_space<vmem>>
      %dma_wait3A_61 = tpu.memref_squeeze %dma_wait3A_60 : memref<1x128xi32, #tpu.memory_space<vmem>> -> memref<128xi32, #tpu.memory_space<vmem>>
      %dma_wait3A_62 = arith.constant 0 : i32
      %dma_wait3A_63 = tpu.memref_slice %arg7[%dma_wait3A_62] : memref<10240xf32, #tpu.memory_space<vmem_shared>> -> memref<10240xf32, #tpu.memory_space<vmem_shared>>
      tpu.wait_indirect_dma semaphore(%arg8 : memref<!tpu.dma_semaphore, #tpu.memory_space<semaphore_mem>>) src(%arg5 : memref<128xf32, #tpu.memory_space<vmem>>) dst(%dma_wait3A_63 : memref<10240xf32, #tpu.memory_space<vmem_shared>>)
      %dma_wait3A_64 = arith.constant 1 : i32
      %dma_wait3A_65 = arith.constant 0 : i32
      %dma_wait3A_66 = tpu.memref_slice %arg4[%dma_wait3A_64, %dma_wait3A_65] : memref<5x128xi32, #tpu.memory_space<vmem>> -> memref<1x128xi32, #tpu.memory_space<vmem>>
      %dma_wait3A_67 = tpu.memref_squeeze %dma_wait3A_66 : memref<1x128xi32, #tpu.memory_space<vmem>> -> memref<128xi32, #tpu.memory_space<vmem>>
      %dma_wait3A_68 = arith.constant 0 : i32
      %dma_wait3A_69 = tpu.memref_slice %arg7[%dma_wait3A_68] : memref<10240xf32, #tpu.memory_space<vmem_shared>> -> memref<10240xf32, #tpu.memory_space<vmem_shared>>
      tpu.wait_indirect_dma semaphore(%arg8 : memref<!tpu.dma_semaphore, #tpu.memory_space<semaphore_mem>>) src(%arg5 : memref<128xf32, #tpu.memory_space<vmem>>) dst(%dma_wait3A_69 : memref<10240xf32, #tpu.memory_space<vmem_shared>>)
      %dma_wait3A_70 = arith.constant 2 : i32
      %dma_wait3A_71 = arith.constant 0 : i32
      %dma_wait3A_72 = tpu.memref_slice %arg4[%dma_wait3A_70, %dma_wait3A_71] : memref<5x128xi32, #tpu.memory_space<vmem>> -> memref<1x128xi32, #tpu.memory_space<vmem>>
      %dma_wait3A_73 = tpu.memref_squeeze %dma_wait3A_72 : memref<1x128xi32, #tpu.memory_space<vmem>> -> memref<128xi32, #tpu.memory_space<vmem>>
      %dma_wait3A_74 = arith.constant 0 : i32
      %dma_wait3A_75 = tpu.memref_slice %arg7[%dma_wait3A_74] : memref<10240xf32, #tpu.memory_space<vmem_shared>> -> memref<10240xf32, #tpu.memory_space<vmem_shared>>
      tpu.wait_indirect_dma semaphore(%arg8 : memref<!tpu.dma_semaphore, #tpu.memory_space<semaphore_mem>>) src(%arg5 : memref<128xf32, #tpu.memory_space<vmem>>) dst(%dma_wait3A_75 : memref<10240xf32, #tpu.memory_space<vmem_shared>>)
      %dma_wait3A_76 = arith.constant 3 : i32
      %dma_wait3A_77 = arith.constant 0 : i32
      %dma_wait3A_78 = tpu.memref_slice %arg4[%dma_wait3A_76, %dma_wait3A_77] : memref<5x128xi32, #tpu.memory_space<vmem>> -> memref<1x128xi32, #tpu.memory_space<vmem>>
      %dma_wait3A_79 = tpu.memref_squeeze %dma_wait3A_78 : memref<1x128xi32, #tpu.memory_space<vmem>> -> memref<128xi32, #tpu.memory_space<vmem>>
      %dma_wait3A_80 = arith.constant 0 : i32
      %dma_wait3A_81 = tpu.memref_slice %arg7[%dma_wait3A_80] : memref<10240xf32, #tpu.memory_space<vmem_shared>> -> memref<10240xf32, #tpu.memory_space<vmem_shared>>
      tpu.wait_indirect_dma semaphore(%arg8 : memref<!tpu.dma_semaphore, #tpu.memory_space<semaphore_mem>>) src(%arg5 : memref<128xf32, #tpu.memory_space<vmem>>) dst(%dma_wait3A_81 : memref<10240xf32, #tpu.memory_space<vmem_shared>>)
      %dma_wait3A_82 = arith.constant 4 : i32
      %dma_wait3A_83 = arith.constant 0 : i32
      %dma_wait3A_84 = tpu.memref_slice %arg4[%dma_wait3A_82, %dma_wait3A_83] : memref<5x128xi32, #tpu.memory_space<vmem>> -> memref<1x128xi32, #tpu.memory_space<vmem>>
      %dma_wait3A_85 = tpu.memref_squeeze %dma_wait3A_84 : memref<1x128xi32, #tpu.memory_space<vmem>> -> memref<128xi32, #tpu.memory_space<vmem>>
      %dma_wait3A_86 = arith.constant 0 : i32
      %dma_wait3A_87 = tpu.memref_slice %arg7[%dma_wait3A_86] : memref<10240xf32, #tpu.memory_space<vmem_shared>> -> memref<10240xf32, #tpu.memory_space<vmem_shared>>
      tpu.wait_indirect_dma semaphore(%arg8 : memref<!tpu.dma_semaphore, #tpu.memory_space<semaphore_mem>>) src(%arg5 : memref<128xf32, #tpu.memory_space<vmem>>) dst(%dma_wait3A_87 : memref<10240xf32, #tpu.memory_space<vmem_shared>>)
      %scan3A_88 = arith.constant 0 : i32
      scf.yield %scan3A_88 : i32
    }
    %scan3A_22 = arith.constant 16 : i32
    %barrier3A_23 = arith.constant 0 : index
    tpu.barrier barrier_id(%barrier3A_23)
    %mul3A_24 = arith.constant 640 : i32
    %mul3A_25 = arith.muli %arg1, %mul3A_24 : i32
    %mul3A_26 = arith.constant 640 : i32
    %mul3A_27 = arith.muli %arg1, %mul3A_26 : i32
    "tpu.region"() ({
      %run_scoped3A = tpu.sem_alloc : memref<!tpu.dma_semaphore, #tpu.memory_space<semaphore_mem>>
      %dma_start3A = tpu.memref_slice %arg3[%arg0, %mul3A_27] : memref<2x10240xf32, #tpu.memory_space<hbm>> -> memref<1x640xf32, #tpu.memory_space<hbm>>
      %dma_start3A_28 = tpu.memref_squeeze %dma_start3A : memref<1x640xf32, #tpu.memory_space<hbm>> -> memref<640xf32, #tpu.memory_space<hbm>>
      %dma_start3A_29 = tpu.memref_slice %arg7[%mul3A_25] : memref<10240xf32, #tpu.memory_space<vmem_shared>> -> memref<640xf32, #tpu.memory_space<vmem_shared>>
      tpu.enqueue_dma source(%dma_start3A_29 : memref<640xf32, #tpu.memory_space<vmem_shared>>) target(%dma_start3A_28 : memref<640xf32, #tpu.memory_space<hbm>>) target_semaphore(%run_scoped3A : memref<!tpu.dma_semaphore, #tpu.memory_space<semaphore_mem>>)
      %dma_wait3A = tpu.memref_slice %arg3[%arg0, %mul3A_27] : memref<2x10240xf32, #tpu.memory_space<hbm>> -> memref<1x640xf32, #tpu.memory_space<hbm>>
      %dma_wait3A_30 = tpu.memref_squeeze %dma_wait3A : memref<1x640xf32, #tpu.memory_space<hbm>> -> memref<640xf32, #tpu.memory_space<hbm>>
      %dma_wait3A_31 = tpu.memref_slice %arg7[%mul3A_25] : memref<10240xf32, #tpu.memory_space<vmem_shared>> -> memref<640xf32, #tpu.memory_space<vmem_shared>>
      tpu.wait_dma2 semaphore(%run_scoped3A : memref<!tpu.dma_semaphore, #tpu.memory_space<semaphore_mem>>) src(%dma_wait3A_31 : memref<640xf32, #tpu.memory_space<vmem_shared>>) dst(%dma_wait3A_30 : memref<640xf32, #tpu.memory_space<hbm>>)
      tpu.yield
    }) : () -> ()
    return
  }
}

module attributes {stable_mosaic.version = 14 : i64} {
  func.func @_scale_mm_body(%arg0: i32, %arg1: memref<2000x128xf32, #tpu.memory_space<vmem>>, %arg2: memref<128x128xf32, #tpu.memory_space<vmem>>, %arg3: memref<2000x1xf32, #tpu.memory_space<vmem>>, %arg4: memref<2000x1xf32, #tpu.memory_space<vmem>>, %arg5: memref<2000x128xf32, #tpu.memory_space<vmem>>, %arg6: memref<2000x1xf32, #tpu.memory_space<vmem>>) attributes {dimension_semantics = [#tpu.dimension_semantics<arbitrary>], iteration_bounds = array<i64: 5>, scalar_prefetch = 0 : i64, scratch_operands = 0 : i64, tpu.core_type = #tpu.core_type<tc>, window_params = [{transform_indices = @transform_0, window_bounds = array<i64: 2000, 128>}, {pipeline_mode = #tpu.pipeline_mode<synchronous>, transform_indices = @transform_1, window_bounds = array<i64: 128, 128>}, {transform_indices = @transform_2, window_bounds = array<i64: 2000, 1>}, {transform_indices = @transform_3, window_bounds = array<i64: 2000, 1>}, {transform_indices = @transform_4, window_bounds = array<i64: 2000, 128>}, {transform_indices = @transform_5, window_bounds = array<i64: 2000, 1>}]} {
    %get3A = arith.constant 0 : index
    %get3A_0 = arith.constant 0 : index
    %get3A_1 = vector.load %arg3[%get3A, %get3A_0] : memref<2000x1xf32, #tpu.memory_space<vmem>>, vector<2000x1xf32>
    %get3A_2 = arith.constant 0 : index
    %get3A_3 = arith.constant 0 : index
    %get3A_4 = vector.load %arg4[%get3A_2, %get3A_3] : memref<2000x1xf32, #tpu.memory_space<vmem>>, vector<2000x1xf32>
    %add3A = arith.addf %get3A_1, %get3A_4 : vector<2000x1xf32>
    %add3A_5 = arith.constant 1.000000e+00 : f32
    %add3A_6 = vector.broadcast %add3A_5 : f32 to vector<2000x1xf32>
    %add3A_7 = arith.addf %add3A, %add3A_6 : vector<2000x1xf32>
    %rsqrt3A = math.rsqrt %add3A_7 : vector<2000x1xf32>
    %swap3A = arith.constant 0 : index
    %swap3A_8 = arith.constant 0 : index
    %swap3A_9 = vector.load %arg6[%swap3A, %swap3A_8] : memref<2000x1xf32, #tpu.memory_space<vmem>>, vector<2000x1xf32>
    tpu.vector_store %arg6[%swap3A, %swap3A_8], %rsqrt3A {strides = array<i32>} : memref<2000x1xf32, #tpu.memory_space<vmem>>, vector<2000x1xf32>,
    %get3A_10 = arith.constant 0 : index
    %get3A_11 = arith.constant 0 : index
    %get3A_12 = vector.load %arg1[%get3A_10, %get3A_11] : memref<2000x128xf32, #tpu.memory_space<vmem>>, vector<2000x128xf32>
    %get3A_13 = arith.constant 0 : index
    %get3A_14 = arith.constant 0 : index
    %get3A_15 = vector.load %arg2[%get3A_13, %get3A_14] : memref<128x128xf32, #tpu.memory_space<vmem>>, vector<128x128xf32>
    %dot_general3A = arith.constant dense<0.000000e+00> : vector<2000x128xf32>
    %dot_general3A_16 = tpu.matmul %get3A_12, %get3A_15, %dot_general3A {dimension_numbers = #tpu.dot_dimension_numbers<[1], [0], [0], [1], [0, 0, 1, 1], [], []>, transpose_lhs_hint = false} : vector<2000x128xf32>, vector<128x128xf32>, vector<2000x128xf32> -> vector<2000x128xf32>
    %mul3A = vector.broadcast %rsqrt3A : vector<2000x1xf32> to vector<2000x128xf32>
    %mul3A_17 = arith.mulf %dot_general3A_16, %mul3A : vector<2000x128xf32>
    %swap3A_18 = arith.constant 0 : index
    %swap3A_19 = arith.constant 0 : index
    %swap3A_20 = vector.load %arg5[%swap3A_18, %swap3A_19] : memref<2000x128xf32, #tpu.memory_space<vmem>>, vector<2000x128xf32>
    tpu.vector_store %arg5[%swap3A_18, %swap3A_19], %mul3A_17 {strides = array<i32>} : memref<2000x128xf32, #tpu.memory_space<vmem>>, vector<2000x128xf32>,
    return
  }
  func.func @transform_0(%arg0: i32) -> (i32, i32) {
    %c0_i32 = arith.constant 0 : i32
    %c0_i32_0 = arith.constant 0 : i32
    return %arg0, %c0_i32 : i32, i32
  }
  func.func @transform_1(%arg0: i32) -> (i32, i32) {
    %c0_i32 = arith.constant 0 : i32
    %c0_i32_0 = arith.constant 0 : i32
    %c0_i32_1 = arith.constant 0 : i32
    return %c0_i32, %c0_i32_0 : i32, i32
  }
  func.func @transform_2(%arg0: i32) -> (i32, i32) {
    %c0_i32 = arith.constant 0 : i32
    %c0_i32_0 = arith.constant 0 : i32
    return %arg0, %c0_i32 : i32, i32
  }
  func.func @transform_3(%arg0: i32) -> (i32, i32) {
    %c0_i32 = arith.constant 0 : i32
    %c0_i32_0 = arith.constant 0 : i32
    return %arg0, %c0_i32 : i32, i32
  }
  func.func @transform_4(%arg0: i32) -> (i32, i32) {
    %c0_i32 = arith.constant 0 : i32
    %c0_i32_0 = arith.constant 0 : i32
    return %arg0, %c0_i32 : i32, i32
  }
  func.func @transform_5(%arg0: i32) -> (i32, i32) {
    %c0_i32 = arith.constant 0 : i32
    %c0_i32_0 = arith.constant 0 : i32
    return %arg0, %c0_i32 : i32, i32
  }
}

module attributes {stable_mosaic.version = 14 : i64} {
  func.func @_combine_body(%arg0: i32, %arg1: memref<2x2000x128xf32, #tpu.memory_space<vmem>>, %arg2: memref<2000x128xf32, #tpu.memory_space<vmem>>, %arg3: memref<2000x1xf32, #tpu.memory_space<vmem>>, %arg4: memref<1x128xf32, #tpu.memory_space<vmem>>, %arg5: memref<2000x128xf32, #tpu.memory_space<vmem>>) attributes {dimension_semantics = [#tpu.dimension_semantics<arbitrary>], iteration_bounds = array<i64: 5>, scalar_prefetch = 0 : i64, scratch_operands = 0 : i64, tpu.core_type = #tpu.core_type<tc>, window_params = [{transform_indices = @transform_0, window_bounds = array<i64: 2, 2000, 128>}, {transform_indices = @transform_1, window_bounds = array<i64: 2000, 128>}, {transform_indices = @transform_2, window_bounds = array<i64: 2000, 1>}, {pipeline_mode = #tpu.pipeline_mode<synchronous>, transform_indices = @transform_3, window_bounds = array<i64: 1, 128>}, {transform_indices = @transform_4, window_bounds = array<i64: 2000, 128>}]} {
    %get3A = arith.constant 0 : index
    %get3A_0 = arith.constant 0 : index
    %get3A_1 = arith.constant 0 : index
    %get3A_2 = vector.load %arg1[%get3A, %get3A_0, %get3A_1] : memref<2x2000x128xf32, #tpu.memory_space<vmem>>, vector<1x2000x128xf32>
    %get3A_3 = vector.shape_cast %get3A_2 : vector<1x2000x128xf32> to vector<2000x128xf32>
    %get3A_4 = arith.constant 1 : index
    %get3A_5 = arith.constant 0 : index
    %get3A_6 = arith.constant 0 : index
    %get3A_7 = vector.load %arg1[%get3A_4, %get3A_5, %get3A_6] : memref<2x2000x128xf32, #tpu.memory_space<vmem>>, vector<1x2000x128xf32>
    %get3A_8 = vector.shape_cast %get3A_7 : vector<1x2000x128xf32> to vector<2000x128xf32>
    %add3A = arith.addf %get3A_3, %get3A_8 : vector<2000x128xf32>
    %get3A_9 = arith.constant 0 : index
    %get3A_10 = arith.constant 0 : index
    %get3A_11 = vector.load %arg2[%get3A_9, %get3A_10] : memref<2000x128xf32, #tpu.memory_space<vmem>>, vector<2000x128xf32>
    %add3A_12 = arith.addf %add3A, %get3A_11 : vector<2000x128xf32>
    %get3A_13 = arith.constant 0 : index
    %get3A_14 = arith.constant 0 : index
    %get3A_15 = vector.load %arg3[%get3A_13, %get3A_14] : memref<2000x1xf32, #tpu.memory_space<vmem>>, vector<2000x1xf32>
    %mul3A = vector.broadcast %get3A_15 : vector<2000x1xf32> to vector<2000x128xf32>
    %mul3A_16 = arith.mulf %add3A_12, %mul3A : vector<2000x128xf32>
    %get3A_17 = arith.constant 0 : index
    %get3A_18 = arith.constant 0 : index
    %get3A_19 = vector.load %arg4[%get3A_17, %get3A_18] : memref<1x128xf32, #tpu.memory_space<vmem>>, vector<1x128xf32>
    %add3A_20 = vector.broadcast %get3A_19 : vector<1x128xf32> to vector<2000x128xf32>
    %add3A_21 = arith.addf %mul3A_16, %add3A_20 : vector<2000x128xf32>
    %swap3A = arith.constant 0 : index
    %swap3A_22 = arith.constant 0 : index
    %swap3A_23 = vector.load %arg5[%swap3A, %swap3A_22] : memref<2000x128xf32, #tpu.memory_space<vmem>>, vector<2000x128xf32>
    tpu.vector_store %arg5[%swap3A, %swap3A_22], %add3A_21 {strides = array<i32>} : memref<2000x128xf32, #tpu.memory_space<vmem>>, vector<2000x128xf32>,
    return
  }
  func.func @transform_0(%arg0: i32) -> (i32, i32, i32) {
    %c0_i32 = arith.constant 0 : i32
    %c0_i32_0 = arith.constant 0 : i32
    %c0_i32_1 = arith.constant 0 : i32
    return %c0_i32, %arg0, %c0_i32_0 : i32, i32, i32
  }
  func.func @transform_1(%arg0: i32) -> (i32, i32) {
    %c0_i32 = arith.constant 0 : i32
    %c0_i32_0 = arith.constant 0 : i32
    return %arg0, %c0_i32 : i32, i32
  }
  func.func @transform_2(%arg0: i32) -> (i32, i32) {
    %c0_i32 = arith.constant 0 : i32
    %c0_i32_0 = arith.constant 0 : i32
    return %arg0, %c0_i32 : i32, i32
  }
  func.func @transform_3(%arg0: i32) -> (i32, i32) {
    %c0_i32 = arith.constant 0 : i32
    %c0_i32_0 = arith.constant 0 : i32
    %c0_i32_1 = arith.constant 0 : i32
    return %c0_i32, %c0_i32_0 : i32, i32
  }
  func.func @transform_4(%arg0: i32) -> (i32, i32) {
    %c0_i32 = arith.constant 0 : i32
    %c0_i32_0 = arith.constant 0 : i32
    return %arg0, %c0_i32 : i32, i32
  }
}

</mosaic_0001>

<sc_bundles>
// kernel: kernel.6.cloned.1.call-start
scs
__scs_entry_jumppad:
0x0: {  	(pc) =	sbr.rel $0x88, $3  }
0x1: {  	(tag) =	ssettag $0x0;
	lr =	simm.s32 $0x1  }
0x2: {  	[smem:$0x3F9D] =	sst lr;
	_ =	strace $0xD0000000  }
0x3: {  	_ = 	snop  }
0x4: {  	_ = 	snop  }
0x5: {  	_ = 	snop  }
0x6: {  	_ = 	snop  }
0x7: {  	_ = 	snop  }
__scs_overlays_trampoline_lowered:
0x8: {  	[smem:$0x3FAC] =	sst s0  }
0x9: {  	[smem:$0x3FAD] =	sst s1  }
0xa: {  	[smem:$0x3FAE] =	sst s2  }
0xb: {  	[smem:$0x3FAF] =	sst s3  }
0xc: {  	[smem:$0x3FB0] =	sst s4  }
0xd: {  	[smem:$0x3FB1] =	sst s5  }
0xe: {  	[smem:$0x3FB2] =	sst s6  }
0xf: {  	[smem:$0x3FB3] =	sst s7  }
0x10: {  	[smem:$0x3FB4] =	sst s8  }
0x11: {  	[smem:$0x3FB5] =	sst s9;
	s0 =	simm.s32 @!p0 $0x0  }
0x12: {  	s1 =	sld [smem:$0x3F9B];
	s0 =	simm.s32 @p0 $0x1  }
0x13: {  	[smem:$0x3FB6] =	sst s0;
	s0 =	simm.s32 @!p1 $0x0  }
0x14: {  	s2 =	sld [smem:$0x3F9A];
	s0 =	simm.s32 @p1 $0x1  }
0x15: {  	[smem:$0x3FB7] =	sst s0;
	s0 =	simm.s32 @!p2 $0x0  }
0x16: {  	s3 =	sld [smem:$0x3FDB];
	s0 =	simm.s32 @p2 $0x1  }
0x17: {  	s4 =	simm.s32 $0x1BF5;
	[smem:$0x3FB9] =	sst s0  }
0x18: {  	s0 =	sld [smem:$0x3F9C];
	_ =	swait.ge [sflag:s4], $0x0  }
0x19: {  	s7 =	sld [smem:$0x3F9D]  }
0x1a: {  	s8 =	sadd.s32 $0xFFFFE003, lr  }
0x1b: {  	s9 =	sadd.s32 $0xFFFFFEF7, lr;
	s5 =	simm.s32 $0xFFFFFFFF;
	p2 =	slt.u32 s8, $0xFFFFF086  }
0x1c: {  	p1 =	slt.u32 s9, $0xF7A;
	s5 =	simm.s32 @!p2 $0x0  }
0x1d: {  	s5 =	simm.s32 @p1 $0x1;
	p0 =	seq.s32 s7, s2  }
0x1e: {  	s7 =	smul.u32 @!p0 $0xF7A, s2;
	p2 =	seq.s32 @!p0 s5, $0x0  }
0x1f: {  	s9 =	smul.u32 $0xF7A, s1;
	s8 =	simm.s32 @!p0 $0x1BF5;
	p2 =	por !p2, p0  }
0x20: {  	[sflag:s8] =	ssyncset.s32 @!p0 $0xFFFFF086;
	s6 =	sadd.s32 @!p0 s3, s7;
	s7 =	simm.s32 @!p0 $0x108  }
0x21: {  	s3 =	sadd.s32 s3, s9;
	s6 =	sadd.s32 @!p0 $0x88, s6;
	s7 =	simm.s32 @p2 $0x1082  }
0x22: {  	[simem:s7], [sflag:s8] =	dma.local @!p0 [hbm:s6], $0xF7A  }
0x23: {  	s9 =	sor.u32 $0xD0000000, s2;
	s6 =	simm.s32 $0x108;
	_ =	swait.ge @!p0 [sflag:s8], $0x0  }
0x24: {  	s3 =	sadd.s32 $0x88, s3;
	s6 =	simm.s32 @!p1 $0x1082;
	[sflag:s4] =	ssyncset.s32 $0xFFFFF086  }
0x25: {  	[simem:s6], [sflag:s4] =	dma.local [hbm:s3], $0xF7A  }
0x26: {  	[smem:$0x3F9D] =	sst s1;
	(tag) =	ssettag s2;
	_ =	strace s9  }
0x27: {  	s1 =	sld [smem:$0x3FAD]  }
0x28: {  	s2 =	sld [smem:$0x3FAE]  }
0x29: {  	s4 =	sld [smem:$0x3FB0]  }
0x2a: {  	p0 =	seq.s32 s5, $0x0;
	s5 =	sld [smem:$0x3FB1]  }
0x2b: {  	s6 =	sld [smem:$0x3FB2]  }
0x2c: {  	s7 =	sld [smem:$0x3FB3]  }
0x2d: {  	s3 =	simm.s32 $0x108;
	s8 =	sld [smem:$0x3FB4]  }
0x2e: {  	s3 =	simm.s32 @!p0 $0x1082;
	s9 =	sld [smem:$0x3FB5]  }
0x2f: {  	lr =	sadd.s32 s0, s3;
	s0 =	sld [smem:$0x3FAC]  }
0x30: {  	s3 =	sld [smem:$0x3FAF]  }
0x31: {  	[smem:$0x3FB8] =	sst s10  }
0x32: {  	s10 =	sld [smem:$0x3FB6];
	_ =	sdelay $0x3  }
0x33: {  	p0 =	seq.s32 s10, $0x1;
	s10 =	sld [smem:$0x3FB8];
	_ =	sdelay $0x3  }
0x34: {  	[smem:$0x3FB8] =	sst s10  }
0x35: {  	s10 =	sld [smem:$0x3FB7];
	_ =	sdelay $0x3  }
0x36: {  	p1 =	seq.s32 s10, $0x1;
	s10 =	sld [smem:$0x3FB8];
	_ =	sdelay $0x3  }
0x37: {  	[smem:$0x3FB8] =	sst s10  }
0x38: {  	s10 =	sld [smem:$0x3FB9]  }
0x39: {  	_ = 	snop;
	(pc) =	sbr.ind lr, $3  }
0x3a: {  	_ = 	snop  }
0x3b: {  	_ = 	snop  }
0x3c: {  	p2 =	seq.s32 s10, $0x1;
	s10 =	sld [smem:$0x3FB8]  }
0x3d: {  	_ =	shalt  }
0x3e: {  	_ =	shalt  }
0x3f: {  	_ =	shalt  }
0x40: {  	_ =	shalt  }
0x41: {  	_ =	shalt  }
0x42: {  	_ =	shalt  }
0x43: {  	_ =	shalt  }
0x44: {  	_ =	shalt  }
0x45: {  	_ =	shalt  }
0x46: {  	_ =	shalt  }
0x47: {  	_ =	shalt  }
0x48: {  	_ =	shalt  }
0x49: {  	_ =	shalt  }
0x4a: {  	_ =	shalt  }
0x4b: {  	_ =	shalt  }
0x4c: {  	_ =	shalt  }
0x4d: {  	_ =	shalt  }
0x4e: {  	_ =	shalt  }
0x4f: {  	_ =	shalt  }
0x50: {  	_ =	shalt  }
0x51: {  	_ =	shalt  }
0x52: {  	_ =	shalt  }
0x53: {  	_ =	shalt  }
0x54: {  	_ =	shalt  }
0x55: {  	_ =	shalt  }
0x56: {  	_ =	shalt  }
0x57: {  	_ =	shalt  }
0x58: {  	_ =	shalt  }
0x59: {  	_ =	shalt  }
0x5a: {  	_ =	shalt  }
0x5b: {  	_ =	shalt  }
0x5c: {  	_ =	shalt  }
0x5d: {  	_ =	shalt  }
0x5e: {  	_ =	shalt  }
0x5f: {  	_ =	shalt  }
0x60: {  	_ =	shalt  }
0x61: {  	_ =	shalt  }
0x62: {  	_ =	shalt  }
0x63: {  	_ =	shalt  }
0x64: {  	_ =	shalt  }
0x65: {  	_ =	shalt  }
0x66: {  	_ =	shalt  }
0x67: {  	_ =	shalt  }
0x68: {  	_ =	shalt  }
0x69: {  	_ =	shalt  }
0x6a: {  	_ =	shalt  }
0x6b: {  	_ =	shalt  }
0x6c: {  	_ =	shalt  }
0x6d: {  	_ =	shalt  }
0x6e: {  	_ =	shalt  }
0x6f: {  	_ =	shalt  }
0x70: {  	_ =	shalt  }
0x71: {  	_ =	shalt  }
0x72: {  	_ =	shalt  }
0x73: {  	_ =	shalt  }
0x74: {  	_ =	shalt  }
0x75: {  	_ =	shalt  }
0x76: {  	_ =	shalt  }
0x77: {  	_ =	shalt  }
0x78: {  	_ =	shalt  }
0x79: {  	_ =	shalt  }
0x7a: {  	_ =	shalt  }
0x7b: {  	_ =	shalt  }
0x7c: {  	_ =	shalt  }
0x7d: {  	_ =	shalt  }
0x7e: {  	_ =	shalt  }
0x7f: {  	_ =	shalt  }
0x80: {  	_ =	shalt  }
0x81: {  	_ =	shalt  }
0x82: {  	_ =	shalt  }
0x83: {  	_ =	shalt  }
0x84: {  	_ =	shalt  }
0x85: {  	_ =	shalt  }
0x86: {  	_ =	shalt  }
0x87: {  	_ =	shalt  }
.Lfunc_end0:
.L_simem_size_0:
called_computation_lowered:
.L_overlay_start_0:
0x88: {  	s2 =	sld [smem:$0x3FD9]  }
0x89: {  	s3 =	sld [smem:$0x3FFE];
	_ =	sdelay $0x1  }
0x8a: {  	s1 =	srdreg.scid  }
0x8b: {  	s0 =	sand.u32 $0x1, s1  }
0x8c: {  	s16 =	sshll.u32 s0, $0xA;
	s2 =	sadd.s32 s3, s2  }
0x8d: {  	s2 =	sadd.s32 s2, s16  }
0x8e: {  	[smem:$0x3FC4] =	sst s2  }
0x8f: {  	_ = 	snop  }
0x90: {  	(tm) =	ssettm $0x1  }
0x91: {  	s17 =	sld [smem:$0x3FFB];
	_ =	sdelay $0x3  }
0x92: {  	_ =	strace s17  }
0x93: {  	s2 =	sld [smem:$0x3FFC];
	_ =	sdelay $0x3  }
0x94: {  	_ =	strace s2  }
0x95: {  	s2 =	sld [smem:$0x3FFD];
	_ =	sdelay $0x3  }
0x96: {  	_ =	strace s2  }
0x97: {  	_ =	strace $0x8FFFFFFF  }
0x98: {  	s18 =	sld [smem:$0x3FDB];
	_ =	sdelay $0x1  }
0x99: {  	s19 =	simm.s32 $_scs_section_size  }
0x9a: {  	s4 =	simm.s32 $_size__tile_overlayer_lowered;
	s5 =	simm.s32 $_tile_overlayer_lowered  }
0x9b: {  	s22 =	simm.s32 $0x1BFF;
	s21 =	sshll.u32 s5, $0x1;
	s2 =	sadd.s32 s19, s18  }
0x9c: {  	s6 =	simm.s32 $0x0;
	s20 =	sshll.u32 s4, $0x1;
	s4 =	sadd.s32 s21, s2  }
0x9d: {  	[timem:s6], [sflag:s22] =	dma.local [hbm:s4], s20  }
0x9e: {  	_ =	swait.ge [sflag:s22], s20  }
0x9f: {  	s3 =	ssub.s32 $0x0, s20;
	[sflag:s22] =	ssyncset.done $0x0  }
0xa0: {  	[sflag:s22] =	ssyncadd.s32 s3;
	_ =	sdelay $0x1  }
0xa1: {  	s23 =	simm.s32 $0x1B8B  }
0xa2: {  	_ =	swait.ge [sflag:s23], $0x1  }
0xa3: {  	[sflag:s23] =	ssyncset.done $0x0  }
0xa4: {  	s25 =	simm.s32 $0x1B8E;
	s24 =	sld [smem:$0x3FFE];
	[sflag:s23] =	ssyncadd.s32 $0xFFFFFFFF  }
0xa5: {  	s26 =	simm.s32 $execute0_lowered;
	[smem:$0x3FD2] =	sst s25  }
0xa6: {  	s4 =	sshll.u32 s26, $0x1;
	_ =	strace $0x80000046;
	[dreg:$0x1] =	wrdreg $0xFFFFFFFF  }
0xa7: {  	s28 =	simm.s32 $_size_execute0_lowered;
	s2 =	sadd.s32 s2, s4;
	[dreg:$0x0] =	wrdreg $0x0  }
0xa8: {  	s4 =	sshll.u32 s28, $0x1;
	[dreg:$0x2] =	wrdreg s2  }
0xa9: {  	[dreg:$0x3] =	wrdreg s4  }
0xaa: {  	[dreg:$0x4] =	wrdreg $0xC0  }
0xab: {  	_ =	task [dreg:s6], $0x5FFFF  }
0xac: {  	[dreg:$0x1] =	wrdreg $0xFFFFFFFF  }
0xad: {  	[dreg:$0x0] =	wrdreg $0x60  }
0xae: {  	[dreg:$0x2] =	wrdreg s24  }
0xaf: {  	[dreg:$0x3] =	wrdreg $0x7000  }
0xb0: {  	[dreg:$0x4] =	wrdreg $0x9  }
0xb1: {  	_ =	task.clear_ibuf [dreg:s6], $0x5FFFF;
	_ =	strace $0x90000046  }
0xb2: {  	s29 =	simm.s32 $0x9;
	_ =	strace $0x80000048  }
0xb3: {  	_ =	swait.ge [sflag:s29], $0x1  }
0xb4: {  	[sflag:s29] =	ssyncadd.s32 $0xFFFFFFFF  }
0xb5: {  	_ =	strace $0x90000048  }
0xb6: {  	_ =	sfence  }
0xb7: {  	s30 =	sld [smem:$0x0];
	_ =	sdelay $0x2  }
0xb8: {  	s31 =	sshll.u32 s1, $0xD;
	s1 =	sshrl.u32 s1, $0x2  }
0xb9: {  	s3 =	sand.u32 $0x4000, s31;
	s1 =	sadd.s32 s1, s30  }
0xba: {  	s0 =	sor.u32 s3, s0;
	s1 =	sshll.u32 s1, $0x11  }
0xbb: {  	s0 =	sor.u32 s1, s0  }
0xbc: {  	s0 =	sadd.s32 $0x8F2B, s0  }
0xbd: {  	[sflag:s0] =	ssyncadd.remote.s32 $0x1  }
0xbe: {  	_ =	sfence.sel $0xFFFF  }
0xbf: {  	[dreg:$0x0] =	wrdreg $0xFFFFFFFF;
	(pc) =	sbr.abs _section_cstart, $3  }
0xc0: {  	[dreg:$0x1] =	wrdreg $0xFFFFFFFF  }
0xc1: {  	_ =	task.clear_ibuf [dreg:s6], $0x2FFFF;
	_ =	strace $0x9FFFFFFF  }
0xc2: {  	(tm) =	ssettm $0x7FFFFFFF  }
0xc3: {  	_ =	shalt  }
tec
execute0_lowered:
.L_overlay_start_1:
0x0: {  	(tag) =	ssettag $0x1  }
0x1: {  	s4 =	rddreg [dreg:$0x0]  }
0x2: {  	s2 =	rddreg [dreg:$0x1]  }
0x3: {  	s0 =	rddreg [dreg:$0x2];
	s3 =	simm.s32 $0x0;
	s1 =	stileid.u32  }
0x4: {  	s5 =	srdreg.scid;
	s10 =	simm.s32 $0x80;
	s11 =	simm.s32 $0x400  }
0x5: {  	s12 =	simm.s32 $0x100;
	s13 =	simm.s32 $0x180;
	s14 =	simm.s32 $0x200  }
0x6: {  	s15 =	simm.s32 $0x1;
	s18 =	simm.s32 $0x20;
	s19 =	simm.s32 $0x10  }
0x7: {  	s20 =	simm.s32 $0x0;
	[smem:$0x7FF] =	sst s3;
	s6 =	smul.u32 $0x500, s1  }
0x8: {  	s5 =	sand.u32 $0x1, s5;
	s8 =	sshll.u32 s1, $0xC;
	s29 =	smul.u32 $0xA00, s1  }
0x9: {  	s16 =	sshll.u32 s1, $0x6;
	_ =	strace $0x80000047;
	s7 =	sshll.u32 s5, $0x7  }
0xa: {  	s8 =	sadd.s32 s8, s4;
	s9 =	ssub.s32 $0x2, s5;
	s31 =	sshll.u32 s5, $0xB  }
0xb: {  	s16 =	sor.u32 $0x1C02, s16;
	s6 =	sor.u32 s7, s6;
	s30 =	sshrl.u32 s9, $0x1  }
0xc: {  	s7 =	sshrl.u32 s29, $0x2;
	s6 =	sshrl.u32 s6, $0x3;
	s9 =	ssub.s32 s9, s30  }
0xd: {  	s6 =	sadd.s32 s6, s4;
	s4 =	sadd.s32 s7, s2;
	s7 =	sadd.s32 s31, s8  }
0xe: {  	s8 =	simm.s32 $0x480;
	s5 =	sadd.s32 $0x11E00, s6;
	s6 =	smax.u32 s9, $0x1  }
0xf: {  	v0 =	vimm.f32 $0.0e+00;
	v1 =	vimm.f32 $1.000000000e+00;
	s7 =	sadd.s32 $0x1E00, s7;
	s9 =	simm.s32 $0x2;
	s17 =	sshrl.u32 s4, $0x3  }
.LBB2_1:
0x10: {  	[tilespmem:$0x480] =	vst v0  }
0x11: {  	[tilespmem:$0x490] =	vst v0  }
0x12: {  	[tilespmem:$0x4A0] =	vst v0  }
0x13: {  	[tilespmem:$0x4B0] =	vst v0  }
0x14: {  	[tilespmem:$0x4C0] =	vst v0  }
0x15: {  	[tilespmem:$0x4D0] =	vst v0  }
0x16: {  	[tilespmem:$0x4E0] =	vst v0  }
0x17: {  	[tilespmem:$0x4F0] =	vst v0  }
0x18: {  	[tilespmem:$0x500] =	vst v0  }
0x19: {  	[tilespmem:$0x510] =	vst v0  }
0x1a: {  	[tilespmem:$0x520] =	vst v0  }
0x1b: {  	[tilespmem:$0x530] =	vst v0  }
0x1c: {  	[tilespmem:$0x540] =	vst v0  }
0x1d: {  	[tilespmem:$0x550] =	vst v0  }
0x1e: {  	[tilespmem:$0x560] =	vst v0  }
0x1f: {  	[tilespmem:$0x570] =	vst v0  }
0x20: {  	[tilespmem:$0x580] =	vst v0  }
0x21: {  	[tilespmem:$0x590] =	vst v0  }
0x22: {  	[tilespmem:$0x5A0] =	vst v0  }
0x23: {  	[tilespmem:$0x5B0] =	vst v0  }
0x24: {  	[tilespmem:$0x5C0] =	vst v0  }
0x25: {  	[tilespmem:$0x5D0] =	vst v0  }
0x26: {  	[tilespmem:$0x5E0] =	vst v0  }
0x27: {  	[tilespmem:$0x5F0] =	vst v0  }
0x28: {  	[tilespmem:$0x600] =	vst v0  }
0x29: {  	[tilespmem:$0x610] =	vst v0  }
0x2a: {  	[tilespmem:$0x620] =	vst v0  }
0x2b: {  	[tilespmem:$0x630] =	vst v0  }
0x2c: {  	[tilespmem:$0x640] =	vst v0  }
0x2d: {  	[tilespmem:$0x650] =	vst v0  }
0x2e: {  	[tilespmem:$0x660] =	vst v0  }
0x2f: {  	[tilespmem:$0x670] =	vst v0  }
0x30: {  	[tilespmem:$0x680] =	vst v0  }
0x31: {  	[tilespmem:$0x690] =	vst v0  }
0x32: {  	[tilespmem:$0x6A0] =	vst v0  }
0x33: {  	[tilespmem:$0x6B0] =	vst v0  }
0x34: {  	[tilespmem:$0x6C0] =	vst v0  }
0x35: {  	[tilespmem:$0x6D0] =	vst v0  }
0x36: {  	[tilespmem:$0x6E0] =	vst v0  }
0x37: {  	[tilespmem:$0x6F0] =	vst v0  }
0x38: {  	[tilespmem:$0x400] =	vst v1  }
0x39: {  	[tilespmem:$0x410] =	vst v1  }
0x3a: {  	[tilespmem:$0x420] =	vst v1  }
0x3b: {  	[tilespmem:$0x430] =	vst v1  }
0x3c: {  	[tilespmem:$0x440] =	vst v1  }
0x3d: {  	[tilespmem:$0x450] =	vst v1  }
0x3e: {  	[tilespmem:$0x460] =	vst v1  }
0x3f: {  	[tilespmem:$0x470] =	vst v1  }
0x40: {  	[spmem:s4] =	stream.linear.scatter [tilespmem:s8], [sflag:$0x2], $0x280, $0x38;
	[tilespmem:$0x980] =	vst v63  }
0x41: {  	_ =	swait.ge [sflag:s9], $0x280  }
0x42: {  	[sflag:s9] =	ssyncset.done $0x0  }
0x43: {  	[sflag:s9] =	ssyncadd.s32 $0xFFFFFD80  }
0x44: {  	s21 =	sadd.s32 $0x0, s7;
	[bflag:$0x0] =	sbarrier.arrive $0xFFFF  }
0x45: {  	[tilespmem:s3], [sflag:$0x2] =	stream.linear.gather [hbm4b:s21+s3], $0x280, $0x38;
	[tilespmem:$0x980] =	vst v63  }
0x46: {  	_ =	swait.ge [sflag:s9], $0x280  }
0x47: {  	[sflag:s9] =	ssyncset.done $0x0  }
0x48: {  	[sflag:s9] =	ssyncadd.s32 $0xFFFFFD80  }
0x49: {  	[spmem:s2] =	stream.indirect.scatter.add.f32 [tilespmem:s11], [sflag:$0x1], $0x1, s3, s10, $0xb8;
	[tilespmem:$0x980] =	vst v63  }
0x4a: {  	_ = 	snop  }
0x4b: {  	[spmem:s2] =	stream.indirect.scatter.add.f32 [tilespmem:s11], [sflag:$0x1], $0x1, s10, s10, $0xb8;
	[tilespmem:$0x980] =	vst v63  }
0x4c: {  	_ = 	snop  }
0x4d: {  	[spmem:s2] =	stream.indirect.scatter.add.f32 [tilespmem:s11], [sflag:$0x1], $0x1, s12, s10, $0xb8;
	[tilespmem:$0x980] =	vst v63  }
0x4e: {  	_ = 	snop  }
0x4f: {  	[spmem:s2] =	stream.indirect.scatter.add.f32 [tilespmem:s11], [sflag:$0x1], $0x1, s13, s10, $0xb8;
	[tilespmem:$0x980] =	vst v63  }
0x50: {  	_ = 	snop  }
0x51: {  	[spmem:s2] =	stream.indirect.scatter.add.f32 [tilespmem:s11], [sflag:$0x1], $0x1, s14, s10, $0xb8;
	[tilespmem:$0x980] =	vst v63  }
0x52: {  	_ =	swait.ge [sflag:s15], $0x80  }
0x53: {  	[sflag:s15] =	ssyncset.done $0x0  }
0x54: {  	[sflag:s15] =	ssyncadd.s32 $0xFFFFFF80  }
0x55: {  	_ =	swait.ge [sflag:s15], $0x80  }
0x56: {  	[sflag:s15] =	ssyncset.done $0x0  }
0x57: {  	[sflag:s15] =	ssyncadd.s32 $0xFFFFFF80  }
0x58: {  	_ =	swait.ge [sflag:s15], $0x80  }
0x59: {  	[sflag:s15] =	ssyncset.done $0x0  }
0x5a: {  	[sflag:s15] =	ssyncadd.s32 $0xFFFFFF80  }
0x5b: {  	_ =	swait.ge [sflag:s15], $0x80  }
0x5c: {  	[sflag:s15] =	ssyncset.done $0x0  }
0x5d: {  	[sflag:s15] =	ssyncadd.s32 $0xFFFFFF80  }
0x5e: {  	_ =	swait.ge [sflag:s15], $0x80  }
0x5f: {  	s22 =	simm.s32 $0x100;
	s21 =	simm.s32 $0x80;
	[sflag:s15] =	ssyncset.done $0x0  }
.LBB2_2:
0x60: {  	s23 =	sadd.s32 s21, s7  }
0x61: {  	[sflag:s15] =	ssyncadd.s32 $0xFFFFFF80;
	s21 =	smov.u32 s22;
	s24 =	sadd.s32 $0x80, s22  }
0x62: {  	[tilespmem:s3], [sflag:$0x2] =	stream.linear.gather [hbm4b:s23+s3], $0x280, $0x38;
	[tilespmem:$0x980] =	vst v63  }
0x63: {  	p0 =	sne.s32 s22, $0x780;
	_ =	swait.ge [sflag:s9], $0x280  }
0x64: {  	[sflag:s9] =	ssyncset.done $0x0  }
0x65: {  	[sflag:s9] =	ssyncadd.s32 $0xFFFFFD80  }
0x66: {  	[spmem:s2] =	stream.indirect.scatter.add.f32 [tilespmem:s11], [sflag:$0x1], $0x1, s3, s10, $0xb8;
	[tilespmem:$0x980] =	vst v63  }
0x67: {  	_ = 	snop  }
0x68: {  	[spmem:s2] =	stream.indirect.scatter.add.f32 [tilespmem:s11], [sflag:$0x1], $0x1, s10, s10, $0xb8;
	[tilespmem:$0x980] =	vst v63  }
0x69: {  	_ = 	snop  }
0x6a: {  	[spmem:s2] =	stream.indirect.scatter.add.f32 [tilespmem:s11], [sflag:$0x1], $0x1, s12, s10, $0xb8;
	[tilespmem:$0x980] =	vst v63  }
0x6b: {  	_ = 	snop  }
0x6c: {  	[spmem:s2] =	stream.indirect.scatter.add.f32 [tilespmem:s11], [sflag:$0x1], $0x1, s13, s10, $0xb8;
	[tilespmem:$0x980] =	vst v63  }
0x6d: {  	_ = 	snop  }
0x6e: {  	[spmem:s2] =	stream.indirect.scatter.add.f32 [tilespmem:s11], [sflag:$0x1], $0x1, s14, s10, $0xb8;
	[tilespmem:$0x980] =	vst v63  }
0x6f: {  	_ =	swait.ge [sflag:s15], $0x80  }
0x70: {  	[sflag:s15] =	ssyncset.done $0x0  }
0x71: {  	[sflag:s15] =	ssyncadd.s32 $0xFFFFFF80  }
0x72: {  	_ =	swait.ge [sflag:s15], $0x80  }
0x73: {  	[sflag:s15] =	ssyncset.done $0x0  }
0x74: {  	[sflag:s15] =	ssyncadd.s32 $0xFFFFFF80  }
0x75: {  	_ =	swait.ge [sflag:s15], $0x80  }
0x76: {  	[sflag:s15] =	ssyncset.done $0x0  }
0x77: {  	[sflag:s15] =	ssyncadd.s32 $0xFFFFFF80  }
.Ltmp0:
0x78: {  	_ =	swait.ge [sflag:s15], $0x80;
	(pc) =	sbr.rel @p0 .LBB2_2-.Ltmp0, $4  }
0x79: {  	[sflag:s15] =	ssyncset.done $0x0  }
0x7a: {  	[sflag:s15] =	ssyncadd.s32 $0xFFFFFF80  }
0x7b: {  	_ =	swait.ge [sflag:s15], $0x80  }
0x7c: {  	s22 =	smov.u32 s24;
	[sflag:s15] =	ssyncset.done $0x0  }
0x7d: {  	s21 =	sadd.s32 s21, s7;
	[sflag:s15] =	ssyncadd.s32 $0xFFFFFF80  }
0x7e: {  	[tilespmem:s3], [sflag:$0x2] =	stream.linear.gather [hbm4b:s21+s3], $0x280, $0x38;
	[tilespmem:$0x980] =	vst v63  }
0x7f: {  	_ =	swait.ge [sflag:s9], $0x280  }
0x80: {  	[sflag:s9] =	ssyncset.done $0x0  }
0x81: {  	[sflag:s9] =	ssyncadd.s32 $0xFFFFFD80  }
0x82: {  	[spmem:s2] =	stream.indirect.scatter.add.f32 [tilespmem:s11], [sflag:$0x1], $0x1, s3, s10, $0xb8;
	[tilespmem:$0x980] =	vst v63  }
0x83: {  	_ = 	snop  }
0x84: {  	[spmem:s2] =	stream.indirect.scatter.add.f32 [tilespmem:s11], [sflag:$0x1], $0x1, s10, s10, $0xb8;
	[tilespmem:$0x980] =	vst v63  }
0x85: {  	_ = 	snop  }
0x86: {  	[spmem:s2] =	stream.indirect.scatter.add.f32 [tilespmem:s11], [sflag:$0x1], $0x1, s12, s10, $0xb8;
	[tilespmem:$0x980] =	vst v63  }
0x87: {  	_ = 	snop  }
0x88: {  	[spmem:s2] =	stream.indirect.scatter.add.f32 [tilespmem:s11], [sflag:$0x1], $0x1, s13, s10, $0xb8;
	[tilespmem:$0x980] =	vst v63  }
0x89: {  	_ = 	snop  }
0x8a: {  	[spmem:s2] =	stream.indirect.scatter.add.f32 [tilespmem:s11], [sflag:$0x1], $0x1, s14, s10, $0xb8;
	[tilespmem:$0x980] =	vst v63  }
0x8b: {  	_ =	swait.ge [sflag:s15], $0x80  }
0x8c: {  	[sflag:s15] =	ssyncset.done $0x0  }
0x8d: {  	[sflag:s15] =	ssyncadd.s32 $0xFFFFFF80  }
0x8e: {  	_ =	swait.ge [sflag:s15], $0x80  }
0x8f: {  	[sflag:s15] =	ssyncset.done $0x0  }
0x90: {  	[sflag:s15] =	ssyncadd.s32 $0xFFFFFF80  }
0x91: {  	_ =	swait.ge [sflag:s15], $0x80  }
0x92: {  	[sflag:s15] =	ssyncset.done $0x0  }
0x93: {  	[sflag:s15] =	ssyncadd.s32 $0xFFFFFF80  }
0x94: {  	_ =	swait.ge [sflag:s15], $0x80  }
0x95: {  	[sflag:s15] =	ssyncset.done $0x0  }
0x96: {  	[sflag:s15] =	ssyncadd.s32 $0xFFFFFF80  }
0x97: {  	_ =	swait.ge [sflag:s15], $0x80  }
0x98: {  	s20 =	sadd.s32 $0x1, s20;
	[sflag:s15] =	ssyncset.done $0x0  }
0x99: {  	p0 =	sne.s32 s20, s6;
	[sflag:s15] =	ssyncadd.s32 $0xFFFFFF80  }
.Ltmp1:
0x9a: {  	[bflag:$0x0] =	sbarrier.arrive $0xFFFF;
	(pc) =	sbr.rel @p0 .LBB2_1-.Ltmp1, $4  }
0x9b: {  	[hbm:s5@s18], [sflag:s16] =	dma.strided [spmem:s17@s19], $0x50, s15, $0x10   }
0x9c: {  	_ =	swait.ge [sflag:s9], $0x50  }
0x9d: {  	[sflag:s9] =	ssyncset.done $0x0  }
0x9e: {  	[sflag:s9] =	ssyncadd.s32 $0xFFFFFFB0  }
0x9f: {  	_ =	sfence.sel $0x180000  }
0xa0: {  	[bflag:$0x0] =	sbarrier.arrive $0xFFFF  }
0xa1: {  	p0 =	sne.s32 s1, $0x0;
	_ =	strace $0x90000047  }
0xa2: {  	s0 =	sadd.s32 @!p0 $0x100000, s0;
	[bflag:$0x2] =	sbarrier.arrive $0xFFFF  }
0xa3: {  	[sflag:s0] =	ssyncadd.tile.s32 @!p0 $0x1;
	_ =	shalt  }
.Lfunc_end2:
_tile_overlayer_lowered:
.L_overlay_start_2:
0xa4: {  	(tag) =	ssettag $0x2  }
0xa5: {  	s0 =	rddreg [dreg:$0x0];
	s2 =	stileid.u32  }
0xa6: {  	s1 =	rddreg [dreg:$0x1];
	p0 =	sne.s32 s2, $0x0  }
0xa7: {  	s3 =	rddreg [dreg:$0x2];
	[bflag:$0x3] =	sbarrier.arrive $0xFFFF;
	s2 =	simm.s32 @!p0 $0x1C02  }
0xa8: {  	[timem:s3], [sflag:s2] =	dma.local @!p0 [hbm:s0], s1  }
0xa9: {  	s0 =	simm.s32 @!p0 $0x2  }
0xaa: {  	_ =	swait.ge @!p0 [sflag:s0], s1  }
0xab: {  	s1 =	ssub.s32 @!p0 $0x0, s1;
	[sflag:s0] =	ssyncset.done @!p0 $0x0  }
0xac: {  	[sflag:s0] =	ssyncadd.s32 @!p0 s1  }
0xad: {  	[bflag:$0x3] =	sbarrier.arrive $0xFFFF  }
0xae: {  	_ =	shalt  }

// kernel: kernel.9.cloned.1.call-start
scs
__scs_entry_jumppad:
0x0: {  	(pc) =	sbr.rel $0x88, $3  }
0x1: {  	(tag) =	ssettag $0x0;
	lr =	simm.s32 $0x1  }
0x2: {  	[smem:$0x3F9D] =	sst lr;
	_ =	strace $0xD0000000  }
0x3: {  	_ = 	snop  }
0x4: {  	_ = 	snop  }
0x5: {  	_ = 	snop  }
0x6: {  	_ = 	snop  }
0x7: {  	_ = 	snop  }
__scs_overlays_trampoline_lowered:
0x8: {  	[smem:$0x3FAC] =	sst s0  }
0x9: {  	[smem:$0x3FAD] =	sst s1  }
0xa: {  	[smem:$0x3FAE] =	sst s2  }
0xb: {  	[smem:$0x3FAF] =	sst s3  }
0xc: {  	[smem:$0x3FB0] =	sst s4  }
0xd: {  	[smem:$0x3FB1] =	sst s5  }
0xe: {  	[smem:$0x3FB2] =	sst s6  }
0xf: {  	[smem:$0x3FB3] =	sst s7  }
0x10: {  	[smem:$0x3FB4] =	sst s8  }
0x11: {  	[smem:$0x3FB5] =	sst s9;
	s0 =	simm.s32 @!p0 $0x0  }
0x12: {  	s1 =	sld [smem:$0x3F9B];
	s0 =	simm.s32 @p0 $0x1  }
0x13: {  	[smem:$0x3FB6] =	sst s0;
	s0 =	simm.s32 @!p1 $0x0  }
0x14: {  	s2 =	sld [smem:$0x3F9A];
	s0 =	simm.s32 @p1 $0x1  }
0x15: {  	[smem:$0x3FB7] =	sst s0;
	s0 =	simm.s32 @!p2 $0x0  }
0x16: {  	s3 =	sld [smem:$0x3FDB];
	s0 =	simm.s32 @p2 $0x1  }
0x17: {  	s4 =	simm.s32 $0x1BF5;
	[smem:$0x3FB9] =	sst s0  }
0x18: {  	s0 =	sld [smem:$0x3F9C];
	_ =	swait.ge [sflag:s4], $0x0  }
0x19: {  	s7 =	sld [smem:$0x3F9D]  }
0x1a: {  	s8 =	sadd.s32 $0xFFFFE003, lr  }
0x1b: {  	s9 =	sadd.s32 $0xFFFFFEF7, lr;
	s5 =	simm.s32 $0xFFFFFFFF;
	p2 =	slt.u32 s8, $0xFFFFF086  }
0x1c: {  	p1 =	slt.u32 s9, $0xF7A;
	s5 =	simm.s32 @!p2 $0x0  }
0x1d: {  	s5 =	simm.s32 @p1 $0x1;
	p0 =	seq.s32 s7, s2  }
0x1e: {  	s7 =	smul.u32 @!p0 $0xF7A, s2;
	p2 =	seq.s32 @!p0 s5, $0x0  }
0x1f: {  	s9 =	smul.u32 $0xF7A, s1;
	s8 =	simm.s32 @!p0 $0x1BF5;
	p2 =	por !p2, p0  }
0x20: {  	[sflag:s8] =	ssyncset.s32 @!p0 $0xFFFFF086;
	s6 =	sadd.s32 @!p0 s3, s7;
	s7 =	simm.s32 @!p0 $0x108  }
0x21: {  	s3 =	sadd.s32 s3, s9;
	s6 =	sadd.s32 @!p0 $0x88, s6;
	s7 =	simm.s32 @p2 $0x1082  }
0x22: {  	[simem:s7], [sflag:s8] =	dma.local @!p0 [hbm:s6], $0xF7A  }
0x23: {  	s9 =	sor.u32 $0xD0000000, s2;
	s6 =	simm.s32 $0x108;
	_ =	swait.ge @!p0 [sflag:s8], $0x0  }
0x24: {  	s3 =	sadd.s32 $0x88, s3;
	s6 =	simm.s32 @!p1 $0x1082;
	[sflag:s4] =	ssyncset.s32 $0xFFFFF086  }
0x25: {  	[simem:s6], [sflag:s4] =	dma.local [hbm:s3], $0xF7A  }
0x26: {  	[smem:$0x3F9D] =	sst s1;
	(tag) =	ssettag s2;
	_ =	strace s9  }
0x27: {  	s1 =	sld [smem:$0x3FAD]  }
0x28: {  	s2 =	sld [smem:$0x3FAE]  }
0x29: {  	s4 =	sld [smem:$0x3FB0]  }
0x2a: {  	p0 =	seq.s32 s5, $0x0;
	s5 =	sld [smem:$0x3FB1]  }
0x2b: {  	s6 =	sld [smem:$0x3FB2]  }
0x2c: {  	s7 =	sld [smem:$0x3FB3]  }
0x2d: {  	s3 =	simm.s32 $0x108;
	s8 =	sld [smem:$0x3FB4]  }
0x2e: {  	s3 =	simm.s32 @!p0 $0x1082;
	s9 =	sld [smem:$0x3FB5]  }
0x2f: {  	lr =	sadd.s32 s0, s3;
	s0 =	sld [smem:$0x3FAC]  }
0x30: {  	s3 =	sld [smem:$0x3FAF]  }
0x31: {  	[smem:$0x3FB8] =	sst s10  }
0x32: {  	s10 =	sld [smem:$0x3FB6];
	_ =	sdelay $0x3  }
0x33: {  	p0 =	seq.s32 s10, $0x1;
	s10 =	sld [smem:$0x3FB8];
	_ =	sdelay $0x3  }
0x34: {  	[smem:$0x3FB8] =	sst s10  }
0x35: {  	s10 =	sld [smem:$0x3FB7];
	_ =	sdelay $0x3  }
0x36: {  	p1 =	seq.s32 s10, $0x1;
	s10 =	sld [smem:$0x3FB8];
	_ =	sdelay $0x3  }
0x37: {  	[smem:$0x3FB8] =	sst s10  }
0x38: {  	s10 =	sld [smem:$0x3FB9]  }
0x39: {  	_ = 	snop;
	(pc) =	sbr.ind lr, $3  }
0x3a: {  	_ = 	snop  }
0x3b: {  	_ = 	snop  }
0x3c: {  	p2 =	seq.s32 s10, $0x1;
	s10 =	sld [smem:$0x3FB8]  }
0x3d: {  	_ =	shalt  }
0x3e: {  	_ =	shalt  }
0x3f: {  	_ =	shalt  }
0x40: {  	_ =	shalt  }
0x41: {  	_ =	shalt  }
0x42: {  	_ =	shalt  }
0x43: {  	_ =	shalt  }
0x44: {  	_ =	shalt  }
0x45: {  	_ =	shalt  }
0x46: {  	_ =	shalt  }
0x47: {  	_ =	shalt  }
0x48: {  	_ =	shalt  }
0x49: {  	_ =	shalt  }
0x4a: {  	_ =	shalt  }
0x4b: {  	_ =	shalt  }
0x4c: {  	_ =	shalt  }
0x4d: {  	_ =	shalt  }
0x4e: {  	_ =	shalt  }
0x4f: {  	_ =	shalt  }
0x50: {  	_ =	shalt  }
0x51: {  	_ =	shalt  }
0x52: {  	_ =	shalt  }
0x53: {  	_ =	shalt  }
0x54: {  	_ =	shalt  }
0x55: {  	_ =	shalt  }
0x56: {  	_ =	shalt  }
0x57: {  	_ =	shalt  }
0x58: {  	_ =	shalt  }
0x59: {  	_ =	shalt  }
0x5a: {  	_ =	shalt  }
0x5b: {  	_ =	shalt  }
0x5c: {  	_ =	shalt  }
0x5d: {  	_ =	shalt  }
0x5e: {  	_ =	shalt  }
0x5f: {  	_ =	shalt  }
0x60: {  	_ =	shalt  }
0x61: {  	_ =	shalt  }
0x62: {  	_ =	shalt  }
0x63: {  	_ =	shalt  }
0x64: {  	_ =	shalt  }
0x65: {  	_ =	shalt  }
0x66: {  	_ =	shalt  }
0x67: {  	_ =	shalt  }
0x68: {  	_ =	shalt  }
0x69: {  	_ =	shalt  }
0x6a: {  	_ =	shalt  }
0x6b: {  	_ =	shalt  }
0x6c: {  	_ =	shalt  }
0x6d: {  	_ =	shalt  }
0x6e: {  	_ =	shalt  }
0x6f: {  	_ =	shalt  }
0x70: {  	_ =	shalt  }
0x71: {  	_ =	shalt  }
0x72: {  	_ =	shalt  }
0x73: {  	_ =	shalt  }
0x74: {  	_ =	shalt  }
0x75: {  	_ =	shalt  }
0x76: {  	_ =	shalt  }
0x77: {  	_ =	shalt  }
0x78: {  	_ =	shalt  }
0x79: {  	_ =	shalt  }
0x7a: {  	_ =	shalt  }
0x7b: {  	_ =	shalt  }
0x7c: {  	_ =	shalt  }
0x7d: {  	_ =	shalt  }
0x7e: {  	_ =	shalt  }
0x7f: {  	_ =	shalt  }
0x80: {  	_ =	shalt  }
0x81: {  	_ =	shalt  }
0x82: {  	_ =	shalt  }
0x83: {  	_ =	shalt  }
0x84: {  	_ =	shalt  }
0x85: {  	_ =	shalt  }
0x86: {  	_ =	shalt  }
0x87: {  	_ =	shalt  }
.Lfunc_end0:
.L_simem_size_0:
called_computation.1_lowered:
.L_overlay_start_0:
0x88: {  	s2 =	sld [smem:$0x3FD9]  }
0x89: {  	s3 =	sld [smem:$0x3FFE];
	_ =	sdelay $0x1  }
0x8a: {  	s1 =	srdreg.scid  }
0x8b: {  	s0 =	sand.u32 $0x1, s1  }
0x8c: {  	s17 =	sshll.u32 s0, $0xA;
	s2 =	sadd.s32 s3, s2  }
0x8d: {  	s2 =	sadd.s32 s2, s17  }
0x8e: {  	[smem:$0x3FC4] =	sst s2  }
0x8f: {  	_ = 	snop  }
0x90: {  	s2 =	sld [smem:$0x3FD0];
	(tm) =	ssettm $0x1  }
0x91: {  	s18 =	sld [smem:$0x3FFB];
	_ =	sdelay $0x3  }
0x92: {  	_ =	strace s18  }
0x93: {  	s3 =	sld [smem:$0x3FFC];
	_ =	sdelay $0x3  }
0x94: {  	_ =	strace s3  }
0x95: {  	s3 =	sld [smem:$0x3FFD];
	_ =	sdelay $0x3  }
0x96: {  	_ =	strace s3  }
0x97: {  	_ =	strace $0x8FFFFFFF  }
0x98: {  	s19 =	sld [smem:$0x3FDB];
	_ =	sdelay $0x1  }
0x99: {  	s4 =	simm.s32 $_scs_section_size  }
0x9a: {  	s5 =	simm.s32 $_size__tile_overlayer_lowered;
	s6 =	simm.s32 $_tile_overlayer_lowered  }
0x9b: {  	s22 =	simm.s32 $0x1BFF;
	s21 =	sshll.u32 s6, $0x1;
	s3 =	sadd.s32 s4, s19  }
0x9c: {  	s7 =	simm.s32 $0x0;
	s20 =	sshll.u32 s5, $0x1;
	s5 =	sadd.s32 s21, s3  }
0x9d: {  	[timem:s7], [sflag:s22] =	dma.local [hbm:s5], s20  }
0x9e: {  	_ =	swait.ge [sflag:s22], s20  }
0x9f: {  	s4 =	ssub.s32 $0x0, s20;
	[sflag:s22] =	ssyncset.done $0x0  }
0xa0: {  	[sflag:s22] =	ssyncadd.s32 s4;
	_ =	sdelay $0x1  }
0xa1: {  	s23 =	simm.s32 $0x1B8B  }
0xa2: {  	_ =	swait.ge [sflag:s23], $0x1  }
0xa3: {  	[sflag:s23] =	ssyncset.done $0x0  }
0xa4: {  	s25 =	simm.s32 $0x1B8E;
	s24 =	sld [smem:$0x3FFE];
	[sflag:s23] =	ssyncadd.s32 $0xFFFFFFFF  }
0xa5: {  	s26 =	simm.s32 $execute0_lowered;
	[smem:$0x3FD2] =	sst s25  }
0xa6: {  	s5 =	sshll.u32 s26, $0x1;
	_ =	strace $0x80000049;
	[dreg:$0x1] =	wrdreg $0xFFFFFFFF  }
0xa7: {  	s28 =	simm.s32 $_size_execute0_lowered;
	s3 =	sadd.s32 s3, s5;
	[dreg:$0x0] =	wrdreg $0x0  }
0xa8: {  	s5 =	sshll.u32 s28, $0x1;
	[dreg:$0x2] =	wrdreg s3  }
0xa9: {  	[dreg:$0x3] =	wrdreg s5  }
0xaa: {  	[dreg:$0x4] =	wrdreg $0xC0  }
0xab: {  	_ =	task [dreg:s7], $0x5FFFF  }
0xac: {  	[dreg:$0x1] =	wrdreg $0xFFFFFFFF  }
0xad: {  	[dreg:$0x0] =	wrdreg $0x60  }
0xae: {  	[dreg:$0x2] =	wrdreg s24  }
0xaf: {  	[dreg:$0x3] =	wrdreg s2  }
0xb0: {  	[dreg:$0x4] =	wrdreg $0xC0000  }
0xb1: {  	[dreg:$0x5] =	wrdreg $0x9  }
0xb2: {  	_ =	task.clear_ibuf [dreg:s7], $0x6FFFF;
	_ =	strace $0x90000049  }
0xb3: {  	s29 =	simm.s32 $0x9;
	_ =	strace $0x8000004B  }
0xb4: {  	_ =	swait.ge [sflag:s29], $0x1  }
0xb5: {  	[sflag:s29] =	ssyncadd.s32 $0xFFFFFFFF  }
0xb6: {  	_ =	strace $0x9000004B  }
0xb7: {  	_ =	sfence  }
0xb8: {  	s30 =	sld [smem:$0x0];
	_ =	sdelay $0x2  }
0xb9: {  	s31 =	sshll.u32 s1, $0xD;
	s1 =	sshrl.u32 s1, $0x2  }
0xba: {  	s3 =	sand.u32 $0x4000, s31;
	s1 =	sadd.s32 s1, s30  }
0xbb: {  	s0 =	sor.u32 s3, s0;
	s1 =	sshll.u32 s1, $0x11  }
0xbc: {  	s0 =	sor.u32 s1, s0  }
0xbd: {  	s0 =	sadd.s32 $0x8F2B, s0  }
0xbe: {  	[sflag:s0] =	ssyncadd.remote.s32 $0x1  }
0xbf: {  	_ =	sfence.sel $0xFFFF  }
0xc0: {  	[dreg:$0x0] =	wrdreg $0xFFFFFFFF;
	(pc) =	sbr.abs _section_cstart, $3  }
0xc1: {  	[dreg:$0x1] =	wrdreg $0xFFFFFFFF  }
0xc2: {  	_ =	task.clear_ibuf [dreg:s7], $0x2FFFF;
	_ =	strace $0x9FFFFFFF  }
0xc3: {  	(tm) =	ssettm $0x7FFFFFFF  }
tec
execute0_lowered:
.L_overlay_start_1:
0x0: {  	(tag) =	ssettag $0x1  }
0x1: {  	s0 =	srdreg.scid;
	s8 =	stileid.u32  }
0x2: {  	s0 =	sand.u32 $0x1, s0;
	s3 =	smul.u32 $0xA000, s8  }
0x3: {  	s1 =	rddreg [dreg:$0x0];
	s4 =	smul.u32 $0x5000, s0  }
0x4: {  	s5 =	rddreg [dreg:$0x1]  }
0x5: {  	s2 =	rddreg [dreg:$0x2];
	s4 =	sadd.s32 s4, s3;
	s3 =	simm.s32 $0x0  }
0x6: {  	s19 =	simm.s32 $0x80;
	[smem:$0x7FF] =	sst s3  }
0x7: {  	s20 =	simm.s32 $0x100;
	_ =	strace $0x8000004A;
	[dreg:$0x6] =	wrdreg s19  }
0x8: {  	s21 =	simm.s32 $0x180;
	[dreg:$0x7] =	wrdreg s20  }
0x9: {  	s22 =	simm.s32 $0x200;
	[dreg:$0x8] =	wrdreg s21  }
0xa: {  	s23 =	simm.s32 $0x1080;
	[dreg:$0x9] =	wrdreg s22  }
0xb: {  	s24 =	simm.s32 $0x280;
	[dreg:$0xa] =	wrdreg s23  }
0xc: {  	s25 =	simm.s32 $0x1100;
	[dreg:$0xb] =	wrdreg s24  }
0xd: {  	s26 =	simm.s32 $0x300;
	[dreg:$0xc] =	wrdreg s25  }
0xe: {  	s7 =	simm.s32 $0x1200;
	[dreg:$0xd] =	wrdreg s26  }
0xf: {  	s9 =	simm.s32 $0x400;
	[dreg:$0x10] =	wrdreg s7  }
0x10: {  	s10 =	simm.s32 $0x1280;
	[dreg:$0x11] =	wrdreg s9  }
0x11: {  	s11 =	simm.s32 $0x480;
	[dreg:$0x12] =	wrdreg s10  }
0x12: {  	s12 =	simm.s32 $0x1300;
	[dreg:$0x13] =	wrdreg s11  }
0x13: {  	s13 =	simm.s32 $0x500;
	[dreg:$0x14] =	wrdreg s12  }
0x14: {  	s14 =	simm.s32 $0x1380;
	[dreg:$0x15] =	wrdreg s13  }
0x15: {  	s15 =	simm.s32 $0x580;
	[dreg:$0x16] =	wrdreg s14  }
0x16: {  	s16 =	simm.s32 $0x1400;
	[dreg:$0x17] =	wrdreg s15  }
0x17: {  	s17 =	simm.s32 $0x600;
	[dreg:$0x18] =	wrdreg s16  }
0x18: {  	s18 =	simm.s32 $0x1480;
	s4 =	sshrl.u32 s4, $0x3;
	[dreg:$0x19] =	wrdreg s17  }
0x19: {  	s6 =	sadd.s32 s4, s1;
	s4 =	sadd.s32 s4, s5;
	[dreg:$0x1a] =	wrdreg s18  }
0x1a: {  	s5 =	simm.s32 $0x1180;
	[dreg:$0x5] =	wrdreg s4  }
0x1b: {  	s19 =	simm.s32 $0x680;
	[dreg:$0xe] =	wrdreg s5  }
0x1c: {  	s20 =	simm.s32 $0x1500;
	[dreg:$0x1b] =	wrdreg s19  }
0x1d: {  	s21 =	simm.s32 $0x700;
	[dreg:$0x1c] =	wrdreg s20  }
0x1e: {  	s22 =	simm.s32 $0x1580;
	[dreg:$0x1d] =	wrdreg s21  }
0x1f: {  	s24 =	simm.s32 $0x780;
	[dreg:$0x1e] =	wrdreg s22  }
0x20: {  	s7 =	simm.s32 $0x1600;
	[dreg:$0x1f] =	wrdreg s24  }
0x21: {  	s26 =	simm.s32 $0x800;
	[smem:$0x7D4] =	sst s7  }
0x22: {  	s9 =	simm.s32 $0x880;
	[smem:$0x7D5] =	sst s26  }
0x23: {  	s10 =	simm.s32 $0x1700;
	[smem:$0x7D7] =	sst s9  }
0x24: {  	s11 =	simm.s32 $0x900;
	[smem:$0x7D8] =	sst s10  }
0x25: {  	s13 =	simm.s32 $0x1780;
	[smem:$0x7D9] =	sst s11  }
0x26: {  	s15 =	simm.s32 $0x980;
	[smem:$0x7DA] =	sst s13  }
0x27: {  	s16 =	simm.s32 $0x1800;
	[smem:$0x7DB] =	sst s15  }
0x28: {  	s25 =	smul.u32 $0x14000, s8;
	s18 =	simm.s32 $0xA00;
	[smem:$0x7DC] =	sst s16  }
0x29: {  	s14 =	smul.u32 $0x50000, s8;
	s8 =	simm.s32 $0x1A00;
	[smem:$0x7DD] =	sst s18  }
0x2a: {  	s6 =	sadd.s32 $0x12800, s6;
	[smem:$0x7EB] =	sst s8  }
0x2b: {  	s7 =	simm.s32 $0x1680;
	[dreg:$0x4] =	wrdreg s6  }
0x2c: {  	s19 =	simm.s32 $0x1880;
	[smem:$0x7D6] =	sst s7  }
0x2d: {  	s20 =	simm.s32 $0xA80;
	[smem:$0x7DF] =	sst s19  }
0x2e: {  	s21 =	simm.s32 $0x1900;
	[smem:$0x7E1] =	sst s20  }
0x2f: {  	s28 =	simm.s32 $0x6;
	s10 =	simm.s32 $0xC00;
	[smem:$0x7E3] =	sst s21  }
0x30: {  	s29 =	simm.s32 $0x3;
	s16 =	simm.s32 $0x1B00;
	[smem:$0x7ED] =	sst s10  }
0x31: {  	s23 =	smul.u32 $0x140000, s0;
	s18 =	simm.s32 $0xD00;
	[smem:$0x7F4] =	sst s16  }
0x32: {  	s0 =	ssub.s32 $0x2, s0;
	s6 =	simm.s32 $0x380;
	[smem:$0x7F5] =	sst s18  }
0x33: {  	s5 =	sadd.s32 s25, s23;
	s23 =	simm.s32 $0xB00;
	[dreg:$0xf] =	wrdreg s6  }
0x34: {  	s12 =	sshrl.u32 s0, $0x1;
	s25 =	simm.s32 $0x1980;
	[smem:$0x7E5] =	sst s23  }
0x35: {  	s0 =	ssub.s32 s0, s12;
	s12 =	simm.s32 $0x1A80;
	[smem:$0x7E7] =	sst s25  }
0x36: {  	s17 =	sshrl.u32 s14, $0x2;
	s14 =	simm.s32 $0xC80;
	[smem:$0x7EF] =	sst s12  }
0x37: {  	s30 =	simm.s32 $0x7;
	s19 =	simm.s32 $0x1B80;
	[smem:$0x7F1] =	sst s14  }
0x38: {  	s31 =	simm.s32 $0x4;
	s20 =	simm.s32 $0xD80;
	[smem:$0x7F6] =	sst s19  }
0x39: {  	s4 =	sadd.s32 $0x26800, s1;
	s21 =	simm.s32 $0x1C00;
	[smem:$0x7F7] =	sst s20  }
0x3a: {  	s8 =	simm.s32 $0x1D80;
	s0 =	smax.u32 s0, $0x1;
	[smem:$0x7F8] =	sst s21  }
0x3b: {  	s18 =	simm.s32 $0xB;
	s6 =	sadd.s32 s17, s2;
	[smem:$0x7E0] =	sst s0  }
0x3c: {  	s10 =	simm.s32 $0x1E00;
	s23 =	simm.s32 $0x1C80;
	[smem:$0x7F2] =	sst s6  }
0x3d: {  	s5 =	sshrl.u32 s5, $0x3;
	s25 =	simm.s32 $0x1D00;
	[smem:$0x7FA] =	sst s23  }
0x3e: {  	s19 =	simm.s32 $0x1000;
	s22 =	sadd.s32 $0x2000, s6;
	[smem:$0x7FC] =	sst s25  }
0x3f: {  	s20 =	simm.s32 $0x40;
	s24 =	sadd.s32 $0x4000, s6;
	[smem:$0x7E2] =	sst s22  }
0x40: {  	s21 =	simm.s32 $0x4000;
	s26 =	sadd.s32 $0x6000, s6;
	[smem:$0x7E4] =	sst s24  }
0x41: {  	s12 =	simm.s32 $0x1F00;
	s7 =	sadd.s32 $0x8000, s6;
	[smem:$0x7E6] =	sst s26  }
0x42: {  	s1 =	sadd.s32 s5, s1;
	s5 =	simm.s32 $0xB80;
	[smem:$0x7E8] =	sst s7  }
0x43: {  	s14 =	simm.s32 $0x0;
	s9 =	sadd.s32 $0xA000, s6;
	[smem:$0x7E9] =	sst s5  }
0x44: {  	s11 =	sadd.s32 $0xC000, s6;
	s13 =	sadd.s32 $0xE000, s6;
	[smem:$0x7EA] =	sst s9  }
0x45: {  	s15 =	sadd.s32 $0x10000, s6;
	s17 =	sadd.s32 $0x12000, s6;
	[smem:$0x7EC] =	sst s11  }
0x46: {  	s23 =	simm.s32 $0x8000;
	s25 =	simm.s32 $0xA000;
	[smem:$0x7EE] =	sst s13  }
0x47: {  	s0 =	simm.s32 $0x5;
	s6 =	simm.s32 $0x9;
	[smem:$0x7F0] =	sst s15  }
0x48: {  	s1 =	sadd.s32 $0x4E800, s1;
	[smem:$0x7F3] =	sst s17;
	s17 =	simm.s32 $0x2000  }
0x49: {  	s22 =	simm.s32 $0xE00;
	s24 =	simm.s32 $0xE80;
	s26 =	simm.s32 $0xF00  }
0x4a: {  	s7 =	simm.s32 $0xA;
	s9 =	simm.s32 $0xF80;
	[smem:$0x7DE] =	sst s1  }
0x4b: {  	s11 =	simm.s32 $0x1E80;
	s13 =	simm.s32 $0x1F80;
	[smem:$0x7F9] =	sst s22  }
0x4c: {  	s22 =	simm.s32 $0x6000;
	[smem:$0x7FB] =	sst s24;
	s24 =	simm.s32 $0x1  }
0x4d: {  	v0 =	vimm.f32 $0.0e+00;
	[smem:$0x7FD] =	sst s26;
	s26 =	simm.s32 $0x2;
	s1 =	simm.s32 $0x8  }
.LBB2_1:
0x4e: {  	s5 =	sand.u32 $0x7E00, s3  }
0x4f: {  	[smem:$0x7D3] =	sst s14;
	s16 =	sand.u32 $0x70, s3;
	s5 =	sshrl.u32 s5, $0x2  }
0x50: {  	s15 =	simm.s32 $0x40;
	s5 =	sor.u32 s16, s5;
	s16 =	simm.s32 $0x0  }
.LBB2_2:
0x51: {  	p0 =	sne.s32 s15, $0x7FC0  }
0x52: {  	[tilespmem:s5+$0x2000] =	vst v0;
	s16 =	sadd.s32 $0x10, s16;
	s5 =	smov.u32 s15;
	s15 =	sadd.s32 $0x40, s15  }
.Ltmp0:
0x53: {  	(pc) =	sbr.rel @p0 .LBB2_2-.Ltmp0, $4  }
0x54: {  	_ = 	snop  }
0x55: {  	s5 =	sand.u32 $0x7E00, s5  }
0x56: {  	s14 =	sand.u32 $0x70, s16;
	s5 =	sshrl.u32 s5, $0x2  }
0x57: {  	s5 =	sor.u32 s14, s5  }
0x58: {  	s15 =	sld [smem:$0x7F2];
	_ =	sdelay $0x1  }
0x59: {  	[tilespmem:s5+$0x2000] =	vst v0  }
0x5a: {  	[spmem:s15] =	stream.linear.scatter [tilespmem:s17], [sflag:$0xB], $0x2000, $0x38;
	v63 =	vld [tilespmem:$0x0]  }
0x5b: {  	_ =	swait.ge [sflag:s18], $0x2000  }
0x5c: {  	s16 =	sld [smem:$0x7E2]  }
0x5d: {  	[sflag:s18] =	ssyncset.done $0x0  }
0x5e: {  	[sflag:s18] =	ssyncadd.s32 $0xFFFFE000  }
0x5f: {  	[spmem:s16] =	stream.linear.scatter [tilespmem:s17], [sflag:$0xB], $0x2000, $0x38;
	v63 =	vld [tilespmem:$0x0]  }
0x60: {  	_ =	swait.ge [sflag:s18], $0x2000  }
0x61: {  	s14 =	sld [smem:$0x7E4]  }
0x62: {  	[sflag:s18] =	ssyncset.done $0x0  }
0x63: {  	[sflag:s18] =	ssyncadd.s32 $0xFFFFE000  }
0x64: {  	[spmem:s14] =	stream.linear.scatter [tilespmem:s17], [sflag:$0xB], $0x2000, $0x38;
	v63 =	vld [tilespmem:$0x0]  }
0x65: {  	_ =	swait.ge [sflag:s18], $0x2000  }
0x66: {  	s15 =	sld [smem:$0x7E6]  }
0x67: {  	[sflag:s18] =	ssyncset.done $0x0  }
0x68: {  	[sflag:s18] =	ssyncadd.s32 $0xFFFFE000  }
0x69: {  	[spmem:s15] =	stream.linear.scatter [tilespmem:s17], [sflag:$0xB], $0x2000, $0x38;
	v63 =	vld [tilespmem:$0x0]  }
0x6a: {  	_ =	swait.ge [sflag:s18], $0x2000  }
0x6b: {  	s16 =	sld [smem:$0x7E8]  }
0x6c: {  	[sflag:s18] =	ssyncset.done $0x0  }
0x6d: {  	[sflag:s18] =	ssyncadd.s32 $0xFFFFE000  }
0x6e: {  	[spmem:s16] =	stream.linear.scatter [tilespmem:s17], [sflag:$0xB], $0x2000, $0x38;
	v63 =	vld [tilespmem:$0x0]  }
0x6f: {  	_ =	swait.ge [sflag:s18], $0x2000  }
0x70: {  	s14 =	sld [smem:$0x7EA]  }
0x71: {  	[sflag:s18] =	ssyncset.done $0x0  }
0x72: {  	[sflag:s18] =	ssyncadd.s32 $0xFFFFE000  }
0x73: {  	[spmem:s14] =	stream.linear.scatter [tilespmem:s17], [sflag:$0xB], $0x2000, $0x38;
	v63 =	vld [tilespmem:$0x0]  }
0x74: {  	_ =	swait.ge [sflag:s18], $0x2000  }
0x75: {  	s15 =	sld [smem:$0x7EC]  }
0x76: {  	[sflag:s18] =	ssyncset.done $0x0  }
0x77: {  	[sflag:s18] =	ssyncadd.s32 $0xFFFFE000  }
0x78: {  	[spmem:s15] =	stream.linear.scatter [tilespmem:s17], [sflag:$0xB], $0x2000, $0x38;
	v63 =	vld [tilespmem:$0x0]  }
0x79: {  	_ =	swait.ge [sflag:s18], $0x2000  }
0x7a: {  	s16 =	sld [smem:$0x7EE]  }
0x7b: {  	[sflag:s18] =	ssyncset.done $0x0  }
0x7c: {  	[sflag:s18] =	ssyncadd.s32 $0xFFFFE000  }
0x7d: {  	[spmem:s16] =	stream.linear.scatter [tilespmem:s17], [sflag:$0xB], $0x2000, $0x38;
	v63 =	vld [tilespmem:$0x0]  }
0x7e: {  	_ =	swait.ge [sflag:s18], $0x2000  }
0x7f: {  	s14 =	sld [smem:$0x7F0]  }
0x80: {  	[sflag:s18] =	ssyncset.done $0x0  }
0x81: {  	[sflag:s18] =	ssyncadd.s32 $0xFFFFE000  }
0x82: {  	[spmem:s14] =	stream.linear.scatter [tilespmem:s17], [sflag:$0xB], $0x2000, $0x38;
	v63 =	vld [tilespmem:$0x0]  }
0x83: {  	_ =	swait.ge [sflag:s18], $0x2000  }
0x84: {  	s15 =	sld [smem:$0x7F3]  }
0x85: {  	[sflag:s18] =	ssyncset.done $0x0  }
0x86: {  	[sflag:s18] =	ssyncadd.s32 $0xFFFFE000  }
0x87: {  	[spmem:s15] =	stream.linear.scatter [tilespmem:s17], [sflag:$0xB], $0x2000, $0x38;
	v63 =	vld [tilespmem:$0x0]  }
0x88: {  	_ =	swait.ge [sflag:s18], $0x2000  }
0x89: {  	[sflag:s18] =	ssyncset.done $0x0  }
0x8a: {  	[sflag:s18] =	ssyncadd.s32 $0xFFFFE000  }
0x8b: {  	[bflag:$0x0] =	sbarrier.arrive $0xFFFF  }
0x8c: {  	s16 =	rddreg [dreg:$0x5]  }
0x8d: {  	s5 =	sadd.s32 $0x0, s16  }
0x8e: {  	[tilespmem:s3], [sflag:$0xB] =	stream.linear.gather [hbm4b:s5+s3], $0x1000, $0x38;
	v63 =	vld [tilespmem:$0x0]  }
0x8f: {  	_ =	swait.ge [sflag:s18], $0x1000  }
0x90: {  	s14 =	rddreg [dreg:$0x4];
	[sflag:s18] =	ssyncset.done $0x0  }
0x91: {  	[sflag:s18] =	ssyncadd.s32 $0xFFFFF000;
	s5 =	sadd.s32 $0x0, s14  }
0x92: {  	[tilespmem:s19], [sflag:$0xB] =	stream.linear.gather [hbm4b:s5+s3], $0x1000, $0x38;
	v63 =	vld [tilespmem:$0x0]  }
0x93: {  	_ =	swait.ge [sflag:s18], $0x1000  }
0x94: {  	[sflag:s18] =	ssyncset.done $0x0  }
0x95: {  	[sflag:s18] =	ssyncadd.s32 $0xFFFFF000  }
0x96: {  	[tilespmem:s17], [sflag:$0x1] =	stream.indirect.gather [hbm4b:s4+s20], $0x80, s3, s20, $0xb8;
	v63 =	vld [tilespmem:$0x0]  }
0x97: {  	s15 =	rddreg [dreg:$0x6]  }
0x98: {  	[tilespmem:s21], [sflag:$0x2] =	stream.indirect.gather [hbm4b:s4+s20], $0x80, s15, s20, $0xb8;
	v63 =	vld [tilespmem:$0x0]  }
0x99: {  	s14 =	rddreg [dreg:$0x7]  }
0x9a: {  	[tilespmem:s22], [sflag:$0x3] =	stream.indirect.gather [hbm4b:s4+s20], $0x80, s14, s20, $0xb8;
	v63 =	vld [tilespmem:$0x0]  }
0x9b: {  	s16 =	rddreg [dreg:$0x8]  }
0x9c: {  	[tilespmem:s23], [sflag:$0x4] =	stream.indirect.gather [hbm4b:s4+s20], $0x80, s16, s20, $0xb8;
	v63 =	vld [tilespmem:$0x0]  }
0x9d: {  	_ =	swait.ge [sflag:s24], $0x2000  }
0x9e: {  	[sflag:s24] =	ssyncset.done $0x0  }
0x9f: {  	[sflag:s24] =	ssyncadd.s32 $0xFFFFE000  }
0xa0: {  	[spmem:s2] =	stream.indirect.scatter.add.f32 [tilespmem:s17], [sflag:$0x6], $0x80, s19, s20, $0xb8;
	v63 =	vld [tilespmem:$0x0]  }
0xa1: {  	s15 =	rddreg [dreg:$0x9]  }
0xa2: {  	[tilespmem:s25], [sflag:$0x5] =	stream.indirect.gather [hbm4b:s4+s20], $0x80, s15, s20, $0xb8;
	v63 =	vld [tilespmem:$0x0]  }
0xa3: {  	_ =	swait.ge [sflag:s26], $0x2000  }
0xa4: {  	[sflag:s26] =	ssyncset.done $0x0  }
0xa5: {  	s16 =	rddreg [dreg:$0xa];
	[sflag:s26] =	ssyncadd.s32 $0xFFFFE000  }
0xa6: {  	[spmem:s2] =	stream.indirect.scatter.add.f32 [tilespmem:s21], [sflag:$0x7], $0x80, s16, s20, $0xb8;
	v63 =	vld [tilespmem:$0x0]  }
0xa7: {  	_ =	swait.ge [sflag:s28], $0x2000  }
0xa8: {  	[sflag:s28] =	ssyncset.done $0x0  }
0xa9: {  	s14 =	rddreg [dreg:$0xb];
	[sflag:s28] =	ssyncadd.s32 $0xFFFFE000  }
0xaa: {  	[tilespmem:s17], [sflag:$0x1] =	stream.indirect.gather [hbm4b:s4+s20], $0x80, s14, s20, $0xb8;
	v63 =	vld [tilespmem:$0x0]  }
0xab: {  	_ =	swait.ge [sflag:s29], $0x2000  }
0xac: {  	[sflag:s29] =	ssyncset.done $0x0  }
0xad: {  	s15 =	rddreg [dreg:$0xc];
	[sflag:s29] =	ssyncadd.s32 $0xFFFFE000  }
0xae: {  	[spmem:s2] =	stream.indirect.scatter.add.f32 [tilespmem:s22], [sflag:$0x8], $0x80, s15, s20, $0xb8;
	v63 =	vld [tilespmem:$0x0]  }
0xaf: {  	_ =	swait.ge [sflag:s30], $0x2000  }
0xb0: {  	[sflag:s30] =	ssyncset.done $0x0  }
0xb1: {  	s16 =	rddreg [dreg:$0xd];
	[sflag:s30] =	ssyncadd.s32 $0xFFFFE000  }
0xb2: {  	[tilespmem:s21], [sflag:$0x2] =	stream.indirect.gather [hbm4b:s4+s20], $0x80, s16, s20, $0xb8;
	v63 =	vld [tilespmem:$0x0]  }
0xb3: {  	_ =	swait.ge [sflag:s31], $0x2000  }
0xb4: {  	[sflag:s31] =	ssyncset.done $0x0  }
0xb5: {  	s14 =	rddreg [dreg:$0xe];
	[sflag:s31] =	ssyncadd.s32 $0xFFFFE000  }
0xb6: {  	[spmem:s2] =	stream.indirect.scatter.add.f32 [tilespmem:s23], [sflag:$0x9], $0x80, s14, s20, $0xb8;
	v63 =	vld [tilespmem:$0x0]  }
0xb7: {  	_ =	swait.ge [sflag:s1], $0x2000  }
0xb8: {  	[sflag:s1] =	ssyncset.done $0x0  }
0xb9: {  	s15 =	rddreg [dreg:$0xf];
	[sflag:s1] =	ssyncadd.s32 $0xFFFFE000  }
0xba: {  	[tilespmem:s22], [sflag:$0x3] =	stream.indirect.gather [hbm4b:s4+s20], $0x80, s15, s20, $0xb8;
	v63 =	vld [tilespmem:$0x0]  }
0xbb: {  	_ =	swait.ge [sflag:s0], $0x2000  }
0xbc: {  	[sflag:s0] =	ssyncset.done $0x0  }
0xbd: {  	s16 =	rddreg [dreg:$0x10];
	[sflag:s0] =	ssyncadd.s32 $0xFFFFE000  }
0xbe: {  	[spmem:s2] =	stream.indirect.scatter.add.f32 [tilespmem:s25], [sflag:$0xA], $0x80, s16, s20, $0xb8;
	v63 =	vld [tilespmem:$0x0]  }
0xbf: {  	_ =	swait.ge [sflag:s6], $0x2000  }
0xc0: {  	[sflag:s6] =	ssyncset.done $0x0  }
0xc1: {  	s14 =	rddreg [dreg:$0x11];
	[sflag:s6] =	ssyncadd.s32 $0xFFFFE000  }
0xc2: {  	[tilespmem:s23], [sflag:$0x4] =	stream.indirect.gather [hbm4b:s4+s20], $0x80, s14, s20, $0xb8;
	v63 =	vld [tilespmem:$0x0]  }
0xc3: {  	_ =	swait.ge [sflag:s24], $0x2000  }
0xc4: {  	[sflag:s24] =	ssyncset.done $0x0  }
0xc5: {  	s15 =	rddreg [dreg:$0x12];
	[sflag:s24] =	ssyncadd.s32 $0xFFFFE000  }
0xc6: {  	[spmem:s2] =	stream.indirect.scatter.add.f32 [tilespmem:s17], [sflag:$0x6], $0x80, s15, s20, $0xb8;
	v63 =	vld [tilespmem:$0x0]  }
0xc7: {  	_ =	swait.ge [sflag:s7], $0x2000  }
0xc8: {  	[sflag:s7] =	ssyncset.done $0x0  }
0xc9: {  	s16 =	rddreg [dreg:$0x13];
	[sflag:s7] =	ssyncadd.s32 $0xFFFFE000  }
0xca: {  	[tilespmem:s25], [sflag:$0x5] =	stream.indirect.gather [hbm4b:s4+s20], $0x80, s16, s20, $0xb8;
	v63 =	vld [tilespmem:$0x0]  }
0xcb: {  	_ =	swait.ge [sflag:s26], $0x2000  }
0xcc: {  	[sflag:s26] =	ssyncset.done $0x0  }
0xcd: {  	s14 =	rddreg [dreg:$0x14];
	[sflag:s26] =	ssyncadd.s32 $0xFFFFE000  }
0xce: {  	[spmem:s2] =	stream.indirect.scatter.add.f32 [tilespmem:s21], [sflag:$0x7], $0x80, s14, s20, $0xb8;
	v63 =	vld [tilespmem:$0x0]  }
0xcf: {  	_ =	swait.ge [sflag:s28], $0x2000  }
0xd0: {  	[sflag:s28] =	ssyncset.done $0x0  }
0xd1: {  	s15 =	rddreg [dreg:$0x15];
	[sflag:s28] =	ssyncadd.s32 $0xFFFFE000  }
0xd2: {  	[tilespmem:s17], [sflag:$0x1] =	stream.indirect.gather [hbm4b:s4+s20], $0x80, s15, s20, $0xb8;
	v63 =	vld [tilespmem:$0x0]  }
0xd3: {  	_ =	swait.ge [sflag:s29], $0x2000  }
0xd4: {  	[sflag:s29] =	ssyncset.done $0x0  }
0xd5: {  	s16 =	rddreg [dreg:$0x16];
	[sflag:s29] =	ssyncadd.s32 $0xFFFFE000  }
0xd6: {  	[spmem:s2] =	stream.indirect.scatter.add.f32 [tilespmem:s22], [sflag:$0x8], $0x80, s16, s20, $0xb8;
	v63 =	vld [tilespmem:$0x0]  }
0xd7: {  	_ =	swait.ge [sflag:s30], $0x2000  }
0xd8: {  	[sflag:s30] =	ssyncset.done $0x0  }
0xd9: {  	s14 =	rddreg [dreg:$0x17];
	[sflag:s30] =	ssyncadd.s32 $0xFFFFE000  }
0xda: {  	[tilespmem:s21], [sflag:$0x2] =	stream.indirect.gather [hbm4b:s4+s20], $0x80, s14, s20, $0xb8;
	v63 =	vld [tilespmem:$0x0]  }
0xdb: {  	_ =	swait.ge [sflag:s31], $0x2000  }
0xdc: {  	[sflag:s31] =	ssyncset.done $0x0  }
0xdd: {  	s15 =	rddreg [dreg:$0x18];
	[sflag:s31] =	ssyncadd.s32 $0xFFFFE000  }
0xde: {  	[spmem:s2] =	stream.indirect.scatter.add.f32 [tilespmem:s23], [sflag:$0x9], $0x80, s15, s20, $0xb8;
	v63 =	vld [tilespmem:$0x0]  }
0xdf: {  	_ =	swait.ge [sflag:s1], $0x2000  }
0xe0: {  	[sflag:s1] =	ssyncset.done $0x0  }
0xe1: {  	s16 =	rddreg [dreg:$0x19];
	[sflag:s1] =	ssyncadd.s32 $0xFFFFE000  }
0xe2: {  	[tilespmem:s22], [sflag:$0x3] =	stream.indirect.gather [hbm4b:s4+s20], $0x80, s16, s20, $0xb8;
	v63 =	vld [tilespmem:$0x0]  }
0xe3: {  	_ =	swait.ge [sflag:s0], $0x2000  }
0xe4: {  	[sflag:s0] =	ssyncset.done $0x0  }
0xe5: {  	s14 =	rddreg [dreg:$0x1a];
	[sflag:s0] =	ssyncadd.s32 $0xFFFFE000  }
0xe6: {  	[spmem:s2] =	stream.indirect.scatter.add.f32 [tilespmem:s25], [sflag:$0xA], $0x80, s14, s20, $0xb8;
	v63 =	vld [tilespmem:$0x0]  }
0xe7: {  	_ =	swait.ge [sflag:s6], $0x2000  }
0xe8: {  	[sflag:s6] =	ssyncset.done $0x0  }
0xe9: {  	s15 =	rddreg [dreg:$0x1b];
	[sflag:s6] =	ssyncadd.s32 $0xFFFFE000  }
0xea: {  	[tilespmem:s23], [sflag:$0x4] =	stream.indirect.gather [hbm4b:s4+s20], $0x80, s15, s20, $0xb8;
	v63 =	vld [tilespmem:$0x0]  }
0xeb: {  	_ =	swait.ge [sflag:s24], $0x2000  }
0xec: {  	[sflag:s24] =	ssyncset.done $0x0  }
0xed: {  	s16 =	rddreg [dreg:$0x1c];
	[sflag:s24] =	ssyncadd.s32 $0xFFFFE000  }
0xee: {  	[spmem:s2] =	stream.indirect.scatter.add.f32 [tilespmem:s17], [sflag:$0x6], $0x80, s16, s20, $0xb8;
	v63 =	vld [tilespmem:$0x0]  }
0xef: {  	_ =	swait.ge [sflag:s7], $0x2000  }
0xf0: {  	[sflag:s7] =	ssyncset.done $0x0  }
0xf1: {  	s14 =	rddreg [dreg:$0x1d];
	[sflag:s7] =	ssyncadd.s32 $0xFFFFE000  }
0xf2: {  	[tilespmem:s25], [sflag:$0x5] =	stream.indirect.gather [hbm4b:s4+s20], $0x80, s14, s20, $0xb8;
	v63 =	vld [tilespmem:$0x0]  }
0xf3: {  	_ =	swait.ge [sflag:s26], $0x2000  }
0xf4: {  	[sflag:s26] =	ssyncset.done $0x0  }
0xf5: {  	s15 =	rddreg [dreg:$0x1e];
	[sflag:s26] =	ssyncadd.s32 $0xFFFFE000  }
0xf6: {  	[spmem:s2] =	stream.indirect.scatter.add.f32 [tilespmem:s21], [sflag:$0x7], $0x80, s15, s20, $0xb8;
	v63 =	vld [tilespmem:$0x0]  }
0xf7: {  	_ =	swait.ge [sflag:s28], $0x2000  }
0xf8: {  	[sflag:s28] =	ssyncset.done $0x0  }
0xf9: {  	s16 =	rddreg [dreg:$0x1f];
	[sflag:s28] =	ssyncadd.s32 $0xFFFFE000  }
0xfa: {  	[tilespmem:s17], [sflag:$0x1] =	stream.indirect.gather [hbm4b:s4+s20], $0x80, s16, s20, $0xb8;
	v63 =	vld [tilespmem:$0x0]  }
0xfb: {  	_ =	swait.ge [sflag:s29], $0x2000  }
0xfc: {  	s14 =	sld [smem:$0x7D4]  }
0xfd: {  	[sflag:s29] =	ssyncset.done $0x0  }
0xfe: {  	[sflag:s29] =	ssyncadd.s32 $0xFFFFE000  }
0xff: {  	[spmem:s2] =	stream.indirect.scatter.add.f32 [tilespmem:s22], [sflag:$0x8], $0x80, s14, s20, $0xb8;
	v63 =	vld [tilespmem:$0x0]  }
0x100: {  	_ =	swait.ge [sflag:s30], $0x2000  }
0x101: {  	s15 =	sld [smem:$0x7D5]  }
0x102: {  	[sflag:s30] =	ssyncset.done $0x0  }
0x103: {  	[sflag:s30] =	ssyncadd.s32 $0xFFFFE000  }
0x104: {  	[tilespmem:s21], [sflag:$0x2] =	stream.indirect.gather [hbm4b:s4+s20], $0x80, s15, s20, $0xb8;
	v63 =	vld [tilespmem:$0x0]  }
0x105: {  	_ =	swait.ge [sflag:s31], $0x2000  }
0x106: {  	s16 =	sld [smem:$0x7D6]  }
0x107: {  	[sflag:s31] =	ssyncset.done $0x0  }
0x108: {  	[sflag:s31] =	ssyncadd.s32 $0xFFFFE000  }
0x109: {  	[spmem:s2] =	stream.indirect.scatter.add.f32 [tilespmem:s23], [sflag:$0x9], $0x80, s16, s20, $0xb8;
	v63 =	vld [tilespmem:$0x0]  }
0x10a: {  	_ =	swait.ge [sflag:s1], $0x2000  }
0x10b: {  	s14 =	sld [smem:$0x7D7]  }
0x10c: {  	[sflag:s1] =	ssyncset.done $0x0  }
0x10d: {  	[sflag:s1] =	ssyncadd.s32 $0xFFFFE000  }
0x10e: {  	[tilespmem:s22], [sflag:$0x3] =	stream.indirect.gather [hbm4b:s4+s20], $0x80, s14, s20, $0xb8;
	v63 =	vld [tilespmem:$0x0]  }
0x10f: {  	_ =	swait.ge [sflag:s0], $0x2000  }
0x110: {  	s15 =	sld [smem:$0x7D8]  }
0x111: {  	[sflag:s0] =	ssyncset.done $0x0  }
0x112: {  	[sflag:s0] =	ssyncadd.s32 $0xFFFFE000  }
0x113: {  	[spmem:s2] =	stream.indirect.scatter.add.f32 [tilespmem:s25], [sflag:$0xA], $0x80, s15, s20, $0xb8;
	v63 =	vld [tilespmem:$0x0]  }
0x114: {  	_ =	swait.ge [sflag:s6], $0x2000  }
0x115: {  	s16 =	sld [smem:$0x7D9]  }
0x116: {  	[sflag:s6] =	ssyncset.done $0x0  }
0x117: {  	[sflag:s6] =	ssyncadd.s32 $0xFFFFE000  }
0x118: {  	[tilespmem:s23], [sflag:$0x4] =	stream.indirect.gather [hbm4b:s4+s20], $0x80, s16, s20, $0xb8;
	v63 =	vld [tilespmem:$0x0]  }
0x119: {  	_ =	swait.ge [sflag:s24], $0x2000  }
0x11a: {  	s14 =	sld [smem:$0x7DA]  }
0x11b: {  	[sflag:s24] =	ssyncset.done $0x0  }
0x11c: {  	[sflag:s24] =	ssyncadd.s32 $0xFFFFE000  }
0x11d: {  	[spmem:s2] =	stream.indirect.scatter.add.f32 [tilespmem:s17], [sflag:$0x6], $0x80, s14, s20, $0xb8;
	v63 =	vld [tilespmem:$0x0]  }
0x11e: {  	_ =	swait.ge [sflag:s7], $0x2000  }
0x11f: {  	s15 =	sld [smem:$0x7DB]  }
0x120: {  	[sflag:s7] =	ssyncset.done $0x0  }
0x121: {  	[sflag:s7] =	ssyncadd.s32 $0xFFFFE000  }
0x122: {  	[tilespmem:s25], [sflag:$0x5] =	stream.indirect.gather [hbm4b:s4+s20], $0x80, s15, s20, $0xb8;
	v63 =	vld [tilespmem:$0x0]  }
0x123: {  	_ =	swait.ge [sflag:s26], $0x2000  }
0x124: {  	s16 =	sld [smem:$0x7DC]  }
0x125: {  	[sflag:s26] =	ssyncset.done $0x0  }
0x126: {  	[sflag:s26] =	ssyncadd.s32 $0xFFFFE000  }
0x127: {  	[spmem:s2] =	stream.indirect.scatter.add.f32 [tilespmem:s21], [sflag:$0x7], $0x80, s16, s20, $0xb8;
	v63 =	vld [tilespmem:$0x0]  }
0x128: {  	_ =	swait.ge [sflag:s28], $0x2000  }
0x129: {  	s14 =	sld [smem:$0x7DD]  }
0x12a: {  	[sflag:s28] =	ssyncset.done $0x0  }
0x12b: {  	[sflag:s28] =	ssyncadd.s32 $0xFFFFE000  }
0x12c: {  	[tilespmem:s17], [sflag:$0x1] =	stream.indirect.gather [hbm4b:s4+s20], $0x80, s14, s20, $0xb8;
	v63 =	vld [tilespmem:$0x0]  }
0x12d: {  	_ =	swait.ge [sflag:s29], $0x2000  }
0x12e: {  	s15 =	sld [smem:$0x7DF]  }
0x12f: {  	[sflag:s29] =	ssyncset.done $0x0  }
0x130: {  	[sflag:s29] =	ssyncadd.s32 $0xFFFFE000  }
0x131: {  	[spmem:s2] =	stream.indirect.scatter.add.f32 [tilespmem:s22], [sflag:$0x8], $0x80, s15, s20, $0xb8;
	v63 =	vld [tilespmem:$0x0]  }
0x132: {  	_ =	swait.ge [sflag:s30], $0x2000  }
0x133: {  	s16 =	sld [smem:$0x7E1]  }
0x134: {  	[sflag:s30] =	ssyncset.done $0x0  }
0x135: {  	[sflag:s30] =	ssyncadd.s32 $0xFFFFE000  }
0x136: {  	[tilespmem:s21], [sflag:$0x2] =	stream.indirect.gather [hbm4b:s4+s20], $0x80, s16, s20, $0xb8;
	v63 =	vld [tilespmem:$0x0]  }
0x137: {  	_ =	swait.ge [sflag:s31], $0x2000  }
0x138: {  	s14 =	sld [smem:$0x7E3]  }
0x139: {  	[sflag:s31] =	ssyncset.done $0x0  }
0x13a: {  	[sflag:s31] =	ssyncadd.s32 $0xFFFFE000  }
0x13b: {  	[spmem:s2] =	stream.indirect.scatter.add.f32 [tilespmem:s23], [sflag:$0x9], $0x80, s14, s20, $0xb8;
	v63 =	vld [tilespmem:$0x0]  }
0x13c: {  	_ =	swait.ge [sflag:s1], $0x2000  }
0x13d: {  	s15 =	sld [smem:$0x7E5]  }
0x13e: {  	[sflag:s1] =	ssyncset.done $0x0  }
0x13f: {  	[sflag:s1] =	ssyncadd.s32 $0xFFFFE000  }
0x140: {  	[tilespmem:s22], [sflag:$0x3] =	stream.indirect.gather [hbm4b:s4+s20], $0x80, s15, s20, $0xb8;
	v63 =	vld [tilespmem:$0x0]  }
0x141: {  	_ =	swait.ge [sflag:s0], $0x2000  }
0x142: {  	s16 =	sld [smem:$0x7E7]  }
0x143: {  	[sflag:s0] =	ssyncset.done $0x0  }
0x144: {  	[sflag:s0] =	ssyncadd.s32 $0xFFFFE000  }
0x145: {  	[spmem:s2] =	stream.indirect.scatter.add.f32 [tilespmem:s25], [sflag:$0xA], $0x80, s16, s20, $0xb8;
	v63 =	vld [tilespmem:$0x0]  }
0x146: {  	_ =	swait.ge [sflag:s6], $0x2000  }
0x147: {  	s14 =	sld [smem:$0x7E9]  }
0x148: {  	[sflag:s6] =	ssyncset.done $0x0  }
0x149: {  	[sflag:s6] =	ssyncadd.s32 $0xFFFFE000  }
0x14a: {  	[tilespmem:s23], [sflag:$0x4] =	stream.indirect.gather [hbm4b:s4+s20], $0x80, s14, s20, $0xb8;
	v63 =	vld [tilespmem:$0x0]  }
0x14b: {  	_ =	swait.ge [sflag:s24], $0x2000  }
0x14c: {  	s15 =	sld [smem:$0x7EB]  }
0x14d: {  	[sflag:s24] =	ssyncset.done $0x0  }
0x14e: {  	[sflag:s24] =	ssyncadd.s32 $0xFFFFE000  }
0x14f: {  	[spmem:s2] =	stream.indirect.scatter.add.f32 [tilespmem:s17], [sflag:$0x6], $0x80, s15, s20, $0xb8;
	v63 =	vld [tilespmem:$0x0]  }
0x150: {  	_ =	swait.ge [sflag:s7], $0x2000  }
0x151: {  	s16 =	sld [smem:$0x7ED]  }
0x152: {  	[sflag:s7] =	ssyncset.done $0x0  }
0x153: {  	[sflag:s7] =	ssyncadd.s32 $0xFFFFE000  }
0x154: {  	[tilespmem:s25], [sflag:$0x5] =	stream.indirect.gather [hbm4b:s4+s20], $0x80, s16, s20, $0xb8;
	v63 =	vld [tilespmem:$0x0]  }
0x155: {  	_ =	swait.ge [sflag:s26], $0x2000  }
0x156: {  	s14 =	sld [smem:$0x7EF]  }
0x157: {  	[sflag:s26] =	ssyncset.done $0x0  }
0x158: {  	[sflag:s26] =	ssyncadd.s32 $0xFFFFE000  }
0x159: {  	[spmem:s2] =	stream.indirect.scatter.add.f32 [tilespmem:s21], [sflag:$0x7], $0x80, s14, s20, $0xb8;
	v63 =	vld [tilespmem:$0x0]  }
0x15a: {  	_ =	swait.ge [sflag:s28], $0x2000  }
0x15b: {  	s15 =	sld [smem:$0x7F1]  }
0x15c: {  	[sflag:s28] =	ssyncset.done $0x0  }
0x15d: {  	[sflag:s28] =	ssyncadd.s32 $0xFFFFE000  }
0x15e: {  	[tilespmem:s17], [sflag:$0x1] =	stream.indirect.gather [hbm4b:s4+s20], $0x80, s15, s20, $0xb8;
	v63 =	vld [tilespmem:$0x0]  }
0x15f: {  	_ =	swait.ge [sflag:s29], $0x2000  }
0x160: {  	s16 =	sld [smem:$0x7F4]  }
0x161: {  	[sflag:s29] =	ssyncset.done $0x0  }
0x162: {  	[sflag:s29] =	ssyncadd.s32 $0xFFFFE000  }
0x163: {  	[spmem:s2] =	stream.indirect.scatter.add.f32 [tilespmem:s22], [sflag:$0x8], $0x80, s16, s20, $0xb8;
	v63 =	vld [tilespmem:$0x0]  }
0x164: {  	_ =	swait.ge [sflag:s30], $0x2000  }
0x165: {  	s14 =	sld [smem:$0x7F5]  }
0x166: {  	[sflag:s30] =	ssyncset.done $0x0  }
0x167: {  	[sflag:s30] =	ssyncadd.s32 $0xFFFFE000  }
0x168: {  	[tilespmem:s21], [sflag:$0x2] =	stream.indirect.gather [hbm4b:s4+s20], $0x80, s14, s20, $0xb8;
	v63 =	vld [tilespmem:$0x0]  }
0x169: {  	_ =	swait.ge [sflag:s31], $0x2000  }
0x16a: {  	s15 =	sld [smem:$0x7F6]  }
0x16b: {  	[sflag:s31] =	ssyncset.done $0x0  }
0x16c: {  	[sflag:s31] =	ssyncadd.s32 $0xFFFFE000  }
0x16d: {  	[spmem:s2] =	stream.indirect.scatter.add.f32 [tilespmem:s23], [sflag:$0x9], $0x80, s15, s20, $0xb8;
	v63 =	vld [tilespmem:$0x0]  }
0x16e: {  	_ =	swait.ge [sflag:s1], $0x2000  }
0x16f: {  	s16 =	sld [smem:$0x7F7]  }
0x170: {  	[sflag:s1] =	ssyncset.done $0x0  }
0x171: {  	[sflag:s1] =	ssyncadd.s32 $0xFFFFE000  }
0x172: {  	[tilespmem:s22], [sflag:$0x3] =	stream.indirect.gather [hbm4b:s4+s20], $0x80, s16, s20, $0xb8;
	v63 =	vld [tilespmem:$0x0]  }
0x173: {  	_ =	swait.ge [sflag:s0], $0x2000  }
0x174: {  	s14 =	sld [smem:$0x7F8]  }
0x175: {  	[sflag:s0] =	ssyncset.done $0x0  }
0x176: {  	[sflag:s0] =	ssyncadd.s32 $0xFFFFE000  }
0x177: {  	[spmem:s2] =	stream.indirect.scatter.add.f32 [tilespmem:s25], [sflag:$0xA], $0x80, s14, s20, $0xb8;
	v63 =	vld [tilespmem:$0x0]  }
0x178: {  	_ =	swait.ge [sflag:s6], $0x2000  }
0x179: {  	s15 =	sld [smem:$0x7F9]  }
0x17a: {  	[sflag:s6] =	ssyncset.done $0x0  }
0x17b: {  	[sflag:s6] =	ssyncadd.s32 $0xFFFFE000  }
0x17c: {  	[tilespmem:s23], [sflag:$0x4] =	stream.indirect.gather [hbm4b:s4+s20], $0x80, s15, s20, $0xb8;
	v63 =	vld [tilespmem:$0x0]  }
0x17d: {  	_ =	swait.ge [sflag:s24], $0x2000  }
0x17e: {  	s16 =	sld [smem:$0x7FA]  }
0x17f: {  	[sflag:s24] =	ssyncset.done $0x0  }
0x180: {  	[sflag:s24] =	ssyncadd.s32 $0xFFFFE000  }
0x181: {  	[spmem:s2] =	stream.indirect.scatter.add.f32 [tilespmem:s17], [sflag:$0x6], $0x80, s16, s20, $0xb8;
	v63 =	vld [tilespmem:$0x0]  }
0x182: {  	_ =	swait.ge [sflag:s7], $0x2000  }
0x183: {  	s14 =	sld [smem:$0x7FB]  }
0x184: {  	[sflag:s7] =	ssyncset.done $0x0  }
0x185: {  	[sflag:s7] =	ssyncadd.s32 $0xFFFFE000  }
0x186: {  	[tilespmem:s25], [sflag:$0x5] =	stream.indirect.gather [hbm4b:s4+s20], $0x80, s14, s20, $0xb8;
	v63 =	vld [tilespmem:$0x0]  }
0x187: {  	_ =	swait.ge [sflag:s26], $0x2000  }
0x188: {  	s15 =	sld [smem:$0x7FC]  }
0x189: {  	[sflag:s26] =	ssyncset.done $0x0  }
0x18a: {  	[sflag:s26] =	ssyncadd.s32 $0xFFFFE000  }
0x18b: {  	[spmem:s2] =	stream.indirect.scatter.add.f32 [tilespmem:s21], [sflag:$0x7], $0x80, s15, s20, $0xb8;
	v63 =	vld [tilespmem:$0x0]  }
0x18c: {  	_ =	swait.ge [sflag:s28], $0x2000  }
0x18d: {  	s16 =	sld [smem:$0x7FD]  }
0x18e: {  	[sflag:s28] =	ssyncset.done $0x0  }
0x18f: {  	[sflag:s28] =	ssyncadd.s32 $0xFFFFE000  }
0x190: {  	[tilespmem:s17], [sflag:$0x1] =	stream.indirect.gather [hbm4b:s4+s20], $0x80, s16, s20, $0xb8;
	v63 =	vld [tilespmem:$0x0]  }
0x191: {  	_ =	swait.ge [sflag:s29], $0x2000  }
0x192: {  	[sflag:s29] =	ssyncset.done $0x0  }
0x193: {  	[sflag:s29] =	ssyncadd.s32 $0xFFFFE000  }
0x194: {  	[spmem:s2] =	stream.indirect.scatter.add.f32 [tilespmem:s22], [sflag:$0x8], $0x80, s8, s20, $0xb8;
	v63 =	vld [tilespmem:$0x0]  }
0x195: {  	_ =	swait.ge [sflag:s30], $0x2000  }
0x196: {  	[sflag:s30] =	ssyncset.done $0x0  }
0x197: {  	[sflag:s30] =	ssyncadd.s32 $0xFFFFE000  }
0x198: {  	[tilespmem:s21], [sflag:$0x2] =	stream.indirect.gather [hbm4b:s4+s20], $0x80, s9, s20, $0xb8;
	v63 =	vld [tilespmem:$0x0]  }
0x199: {  	_ =	swait.ge [sflag:s31], $0x2000  }
0x19a: {  	[sflag:s31] =	ssyncset.done $0x0  }
0x19b: {  	[sflag:s31] =	ssyncadd.s32 $0xFFFFE000  }
0x19c: {  	[spmem:s2] =	stream.indirect.scatter.add.f32 [tilespmem:s23], [sflag:$0x9], $0x80, s10, s20, $0xb8;
	v63 =	vld [tilespmem:$0x0]  }
0x19d: {  	_ =	swait.ge [sflag:s0], $0x2000  }
0x19e: {  	[sflag:s0] =	ssyncset.done $0x0  }
0x19f: {  	[sflag:s0] =	ssyncadd.s32 $0xFFFFE000  }
0x1a0: {  	[spmem:s2] =	stream.indirect.scatter.add.f32 [tilespmem:s25], [sflag:$0xA], $0x80, s11, s20, $0xb8;
	v63 =	vld [tilespmem:$0x0]  }
0x1a1: {  	_ =	swait.ge [sflag:s24], $0x2000  }
0x1a2: {  	[sflag:s24] =	ssyncset.done $0x0  }
0x1a3: {  	[sflag:s24] =	ssyncadd.s32 $0xFFFFE000  }
0x1a4: {  	[spmem:s2] =	stream.indirect.scatter.add.f32 [tilespmem:s17], [sflag:$0x6], $0x80, s12, s20, $0xb8;
	v63 =	vld [tilespmem:$0x0]  }
0x1a5: {  	_ =	swait.ge [sflag:s26], $0x2000  }
0x1a6: {  	[sflag:s26] =	ssyncset.done $0x0  }
0x1a7: {  	[sflag:s26] =	ssyncadd.s32 $0xFFFFE000  }
0x1a8: {  	[spmem:s2] =	stream.indirect.scatter.add.f32 [tilespmem:s21], [sflag:$0x7], $0x80, s13, s20, $0xb8;
	v63 =	vld [tilespmem:$0x0]  }
0x1a9: {  	_ =	swait.ge [sflag:s1], $0x2000  }
0x1aa: {  	[sflag:s1] =	ssyncset.done $0x0  }
0x1ab: {  	[sflag:s1] =	ssyncadd.s32 $0xFFFFE000  }
0x1ac: {  	_ =	swait.ge [sflag:s6], $0x2000  }
0x1ad: {  	[sflag:s6] =	ssyncset.done $0x0  }
0x1ae: {  	[sflag:s6] =	ssyncadd.s32 $0xFFFFE000  }
0x1af: {  	_ =	swait.ge [sflag:s7], $0x2000  }
0x1b0: {  	[sflag:s7] =	ssyncset.done $0x0  }
0x1b1: {  	[sflag:s7] =	ssyncadd.s32 $0xFFFFE000  }
0x1b2: {  	_ =	swait.ge [sflag:s28], $0x2000  }
0x1b3: {  	[sflag:s28] =	ssyncset.done $0x0  }
0x1b4: {  	[sflag:s28] =	ssyncadd.s32 $0xFFFFE000  }
0x1b5: {  	s15 =	simm.s32 $0x200;
	_ =	swait.ge [sflag:s30], $0x2000  }
0x1b6: {  	s16 =	simm.s32 $0x400;
	s5 =	rddreg [dreg:$0x5];
	[sflag:s30] =	ssyncset.done $0x0  }
.LBB2_4:
0x1b7: {  	[sflag:s30] =	ssyncadd.s32 $0xFFFFE000;
	s5 =	sadd.s32 s15, s5  }
0x1b8: {  	[tilespmem:s3], [sflag:$0xB] =	stream.linear.gather [hbm4b:s5+s3], $0x1000, $0x38;
	v63 =	vld [tilespmem:$0x0]  }
0x1b9: {  	_ =	swait.ge [sflag:s18], $0x1000  }
0x1ba: {  	s5 =	rddreg [dreg:$0x4];
	[sflag:s18] =	ssyncset.done $0x0  }
0x1bb: {  	[sflag:s18] =	ssyncadd.s32 $0xFFFFF000;
	s5 =	sadd.s32 s15, s5  }
0x1bc: {  	[tilespmem:s19], [sflag:$0xB] =	stream.linear.gather [hbm4b:s5+s3], $0x1000, $0x38;
	v63 =	vld [tilespmem:$0x0]  }
0x1bd: {  	_ =	swait.ge [sflag:s18], $0x1000  }
0x1be: {  	[sflag:s18] =	ssyncset.done $0x0  }
0x1bf: {  	[sflag:s18] =	ssyncadd.s32 $0xFFFFF000  }
0x1c0: {  	[tilespmem:s17], [sflag:$0x1] =	stream.indirect.gather [hbm4b:s4+s20], $0x80, s3, s20, $0xb8;
	v63 =	vld [tilespmem:$0x0]  }
0x1c1: {  	s14 =	smov.u32 s16;
	s5 =	rddreg [dreg:$0x6]  }
0x1c2: {  	[tilespmem:s21], [sflag:$0x2] =	stream.indirect.gather [hbm4b:s4+s20], $0x80, s5, s20, $0xb8;
	v63 =	vld [tilespmem:$0x0]  }
0x1c3: {  	s15 =	smov.u32 s14;
	s14 =	rddreg [dreg:$0x7]  }
0x1c4: {  	[tilespmem:s22], [sflag:$0x3] =	stream.indirect.gather [hbm4b:s4+s20], $0x80, s14, s20, $0xb8;
	v63 =	vld [tilespmem:$0x0]  }
0x1c5: {  	s5 =	rddreg [dreg:$0x8]  }
0x1c6: {  	[tilespmem:s23], [sflag:$0x4] =	stream.indirect.gather [hbm4b:s4+s20], $0x80, s5, s20, $0xb8;
	v63 =	vld [tilespmem:$0x0]  }
0x1c7: {  	_ =	swait.ge [sflag:s24], $0x2000  }
0x1c8: {  	[sflag:s24] =	ssyncset.done $0x0  }
0x1c9: {  	[sflag:s24] =	ssyncadd.s32 $0xFFFFE000  }
0x1ca: {  	[spmem:s2] =	stream.indirect.scatter.add.f32 [tilespmem:s17], [sflag:$0x6], $0x80, s19, s20, $0xb8;
	v63 =	vld [tilespmem:$0x0]  }
0x1cb: {  	s14 =	rddreg [dreg:$0x9]  }
0x1cc: {  	[tilespmem:s25], [sflag:$0x5] =	stream.indirect.gather [hbm4b:s4+s20], $0x80, s14, s20, $0xb8;
	v63 =	vld [tilespmem:$0x0]  }
0x1cd: {  	_ =	swait.ge [sflag:s26], $0x2000  }
0x1ce: {  	[sflag:s26] =	ssyncset.done $0x0  }
0x1cf: {  	s14 =	rddreg [dreg:$0xa];
	[sflag:s26] =	ssyncadd.s32 $0xFFFFE000  }
0x1d0: {  	[spmem:s2] =	stream.indirect.scatter.add.f32 [tilespmem:s21], [sflag:$0x7], $0x80, s14, s20, $0xb8;
	v63 =	vld [tilespmem:$0x0]  }
0x1d1: {  	_ =	swait.ge [sflag:s28], $0x2000  }
0x1d2: {  	[sflag:s28] =	ssyncset.done $0x0  }
0x1d3: {  	s14 =	rddreg [dreg:$0xb];
	[sflag:s28] =	ssyncadd.s32 $0xFFFFE000  }
0x1d4: {  	[tilespmem:s17], [sflag:$0x1] =	stream.indirect.gather [hbm4b:s4+s20], $0x80, s14, s20, $0xb8;
	v63 =	vld [tilespmem:$0x0]  }
0x1d5: {  	_ =	swait.ge [sflag:s29], $0x2000  }
0x1d6: {  	[sflag:s29] =	ssyncset.done $0x0  }
0x1d7: {  	s14 =	rddreg [dreg:$0xc];
	[sflag:s29] =	ssyncadd.s32 $0xFFFFE000  }
0x1d8: {  	[spmem:s2] =	stream.indirect.scatter.add.f32 [tilespmem:s22], [sflag:$0x8], $0x80, s14, s20, $0xb8;
	v63 =	vld [tilespmem:$0x0]  }
0x1d9: {  	_ =	swait.ge [sflag:s30], $0x2000  }
0x1da: {  	[sflag:s30] =	ssyncset.done $0x0  }
0x1db: {  	s14 =	rddreg [dreg:$0xd];
	[sflag:s30] =	ssyncadd.s32 $0xFFFFE000  }
0x1dc: {  	[tilespmem:s21], [sflag:$0x2] =	stream.indirect.gather [hbm4b:s4+s20], $0x80, s14, s20, $0xb8;
	v63 =	vld [tilespmem:$0x0]  }
0x1dd: {  	_ =	swait.ge [sflag:s31], $0x2000  }
0x1de: {  	[sflag:s31] =	ssyncset.done $0x0  }
0x1df: {  	s14 =	rddreg [dreg:$0xe];
	[sflag:s31] =	ssyncadd.s32 $0xFFFFE000  }
0x1e0: {  	[spmem:s2] =	stream.indirect.scatter.add.f32 [tilespmem:s23], [sflag:$0x9], $0x80, s14, s20, $0xb8;
	v63 =	vld [tilespmem:$0x0]  }
0x1e1: {  	_ =	swait.ge [sflag:s1], $0x2000  }
0x1e2: {  	[sflag:s1] =	ssyncset.done $0x0  }
0x1e3: {  	s14 =	rddreg [dreg:$0xf];
	[sflag:s1] =	ssyncadd.s32 $0xFFFFE000  }
0x1e4: {  	[tilespmem:s22], [sflag:$0x3] =	stream.indirect.gather [hbm4b:s4+s20], $0x80, s14, s20, $0xb8;
	v63 =	vld [tilespmem:$0x0]  }
0x1e5: {  	_ =	swait.ge [sflag:s0], $0x2000  }
0x1e6: {  	[sflag:s0] =	ssyncset.done $0x0  }
0x1e7: {  	s14 =	rddreg [dreg:$0x10];
	[sflag:s0] =	ssyncadd.s32 $0xFFFFE000  }
0x1e8: {  	[spmem:s2] =	stream.indirect.scatter.add.f32 [tilespmem:s25], [sflag:$0xA], $0x80, s14, s20, $0xb8;
	v63 =	vld [tilespmem:$0x0]  }
0x1e9: {  	_ =	swait.ge [sflag:s6], $0x2000  }
0x1ea: {  	[sflag:s6] =	ssyncset.done $0x0  }
0x1eb: {  	s14 =	rddreg [dreg:$0x11];
	[sflag:s6] =	ssyncadd.s32 $0xFFFFE000  }
0x1ec: {  	[tilespmem:s23], [sflag:$0x4] =	stream.indirect.gather [hbm4b:s4+s20], $0x80, s14, s20, $0xb8;
	v63 =	vld [tilespmem:$0x0]  }
0x1ed: {  	_ =	swait.ge [sflag:s24], $0x2000  }
0x1ee: {  	[sflag:s24] =	ssyncset.done $0x0  }
0x1ef: {  	s14 =	rddreg [dreg:$0x12];
	[sflag:s24] =	ssyncadd.s32 $0xFFFFE000  }
0x1f0: {  	[spmem:s2] =	stream.indirect.scatter.add.f32 [tilespmem:s17], [sflag:$0x6], $0x80, s14, s20, $0xb8;
	v63 =	vld [tilespmem:$0x0]  }
0x1f1: {  	_ =	swait.ge [sflag:s7], $0x2000  }
0x1f2: {  	[sflag:s7] =	ssyncset.done $0x0  }
0x1f3: {  	s14 =	rddreg [dreg:$0x13];
	[sflag:s7] =	ssyncadd.s32 $0xFFFFE000  }
0x1f4: {  	[tilespmem:s25], [sflag:$0x5] =	stream.indirect.gather [hbm4b:s4+s20], $0x80, s14, s20, $0xb8;
	v63 =	vld [tilespmem:$0x0]  }
0x1f5: {  	_ =	swait.ge [sflag:s26], $0x2000  }
0x1f6: {  	[sflag:s26] =	ssyncset.done $0x0  }
0x1f7: {  	s14 =	rddreg [dreg:$0x14];
	[sflag:s26] =	ssyncadd.s32 $0xFFFFE000  }
0x1f8: {  	[spmem:s2] =	stream.indirect.scatter.add.f32 [tilespmem:s21], [sflag:$0x7], $0x80, s14, s20, $0xb8;
	v63 =	vld [tilespmem:$0x0]  }
0x1f9: {  	_ =	swait.ge [sflag:s28], $0x2000  }
0x1fa: {  	[sflag:s28] =	ssyncset.done $0x0  }
0x1fb: {  	s14 =	rddreg [dreg:$0x15];
	[sflag:s28] =	ssyncadd.s32 $0xFFFFE000  }
0x1fc: {  	[tilespmem:s17], [sflag:$0x1] =	stream.indirect.gather [hbm4b:s4+s20], $0x80, s14, s20, $0xb8;
	v63 =	vld [tilespmem:$0x0]  }
0x1fd: {  	_ =	swait.ge [sflag:s29], $0x2000  }
0x1fe: {  	[sflag:s29] =	ssyncset.done $0x0  }
0x1ff: {  	s14 =	rddreg [dreg:$0x16];
	[sflag:s29] =	ssyncadd.s32 $0xFFFFE000  }
0x200: {  	[spmem:s2] =	stream.indirect.scatter.add.f32 [tilespmem:s22], [sflag:$0x8], $0x80, s14, s20, $0xb8;
	v63 =	vld [tilespmem:$0x0]  }
0x201: {  	_ =	swait.ge [sflag:s30], $0x2000  }
0x202: {  	[sflag:s30] =	ssyncset.done $0x0  }
0x203: {  	s14 =	rddreg [dreg:$0x17];
	[sflag:s30] =	ssyncadd.s32 $0xFFFFE000  }
0x204: {  	[tilespmem:s21], [sflag:$0x2] =	stream.indirect.gather [hbm4b:s4+s20], $0x80, s14, s20, $0xb8;
	v63 =	vld [tilespmem:$0x0]  }
0x205: {  	_ =	swait.ge [sflag:s31], $0x2000  }
0x206: {  	[sflag:s31] =	ssyncset.done $0x0  }
0x207: {  	s14 =	rddreg [dreg:$0x18];
	[sflag:s31] =	ssyncadd.s32 $0xFFFFE000  }
0x208: {  	[spmem:s2] =	stream.indirect.scatter.add.f32 [tilespmem:s23], [sflag:$0x9], $0x80, s14, s20, $0xb8;
	v63 =	vld [tilespmem:$0x0]  }
0x209: {  	_ =	swait.ge [sflag:s1], $0x2000  }
0x20a: {  	[sflag:s1] =	ssyncset.done $0x0  }
0x20b: {  	s14 =	rddreg [dreg:$0x19];
	[sflag:s1] =	ssyncadd.s32 $0xFFFFE000  }
0x20c: {  	[tilespmem:s22], [sflag:$0x3] =	stream.indirect.gather [hbm4b:s4+s20], $0x80, s14, s20, $0xb8;
	v63 =	vld [tilespmem:$0x0]  }
0x20d: {  	_ =	swait.ge [sflag:s0], $0x2000  }
0x20e: {  	[sflag:s0] =	ssyncset.done $0x0  }
0x20f: {  	s14 =	rddreg [dreg:$0x1a];
	[sflag:s0] =	ssyncadd.s32 $0xFFFFE000  }
0x210: {  	[spmem:s2] =	stream.indirect.scatter.add.f32 [tilespmem:s25], [sflag:$0xA], $0x80, s14, s20, $0xb8;
	v63 =	vld [tilespmem:$0x0]  }
0x211: {  	_ =	swait.ge [sflag:s6], $0x2000  }
0x212: {  	[sflag:s6] =	ssyncset.done $0x0  }
0x213: {  	s14 =	rddreg [dreg:$0x1b];
	[sflag:s6] =	ssyncadd.s32 $0xFFFFE000  }
0x214: {  	[tilespmem:s23], [sflag:$0x4] =	stream.indirect.gather [hbm4b:s4+s20], $0x80, s14, s20, $0xb8;
	v63 =	vld [tilespmem:$0x0]  }
0x215: {  	_ =	swait.ge [sflag:s24], $0x2000  }
0x216: {  	[sflag:s24] =	ssyncset.done $0x0  }
0x217: {  	s14 =	rddreg [dreg:$0x1c];
	[sflag:s24] =	ssyncadd.s32 $0xFFFFE000  }
0x218: {  	[spmem:s2] =	stream.indirect.scatter.add.f32 [tilespmem:s17], [sflag:$0x6], $0x80, s14, s20, $0xb8;
	v63 =	vld [tilespmem:$0x0]  }
0x219: {  	_ =	swait.ge [sflag:s7], $0x2000  }
0x21a: {  	[sflag:s7] =	ssyncset.done $0x0  }
0x21b: {  	s14 =	rddreg [dreg:$0x1d];
	[sflag:s7] =	ssyncadd.s32 $0xFFFFE000  }
0x21c: {  	[tilespmem:s25], [sflag:$0x5] =	stream.indirect.gather [hbm4b:s4+s20], $0x80, s14, s20, $0xb8;
	v63 =	vld [tilespmem:$0x0]  }
0x21d: {  	_ =	swait.ge [sflag:s26], $0x2000  }
0x21e: {  	[sflag:s26] =	ssyncset.done $0x0  }
0x21f: {  	s14 =	rddreg [dreg:$0x1e];
	[sflag:s26] =	ssyncadd.s32 $0xFFFFE000  }
0x220: {  	[spmem:s2] =	stream.indirect.scatter.add.f32 [tilespmem:s21], [sflag:$0x7], $0x80, s14, s20, $0xb8;
	v63 =	vld [tilespmem:$0x0]  }
0x221: {  	_ =	swait.ge [sflag:s28], $0x2000  }
0x222: {  	[sflag:s28] =	ssyncset.done $0x0  }
0x223: {  	s14 =	rddreg [dreg:$0x1f];
	[sflag:s28] =	ssyncadd.s32 $0xFFFFE000  }
0x224: {  	[tilespmem:s17], [sflag:$0x1] =	stream.indirect.gather [hbm4b:s4+s20], $0x80, s14, s20, $0xb8;
	v63 =	vld [tilespmem:$0x0]  }
0x225: {  	_ =	swait.ge [sflag:s29], $0x2000  }
0x226: {  	s14 =	sld [smem:$0x7D4]  }
0x227: {  	[sflag:s29] =	ssyncset.done $0x0  }
0x228: {  	[sflag:s29] =	ssyncadd.s32 $0xFFFFE000  }
0x229: {  	[spmem:s2] =	stream.indirect.scatter.add.f32 [tilespmem:s22], [sflag:$0x8], $0x80, s14, s20, $0xb8;
	v63 =	vld [tilespmem:$0x0]  }
0x22a: {  	_ =	swait.ge [sflag:s30], $0x2000  }
0x22b: {  	s14 =	sld [smem:$0x7D5]  }
0x22c: {  	[sflag:s30] =	ssyncset.done $0x0  }
0x22d: {  	[sflag:s30] =	ssyncadd.s32 $0xFFFFE000  }
0x22e: {  	[tilespmem:s21], [sflag:$0x2] =	stream.indirect.gather [hbm4b:s4+s20], $0x80, s14, s20, $0xb8;
	v63 =	vld [tilespmem:$0x0]  }
0x22f: {  	_ =	swait.ge [sflag:s31], $0x2000  }
0x230: {  	s14 =	sld [smem:$0x7D6]  }
0x231: {  	[sflag:s31] =	ssyncset.done $0x0  }
0x232: {  	[sflag:s31] =	ssyncadd.s32 $0xFFFFE000  }
0x233: {  	[spmem:s2] =	stream.indirect.scatter.add.f32 [tilespmem:s23], [sflag:$0x9], $0x80, s14, s20, $0xb8;
	v63 =	vld [tilespmem:$0x0]  }
0x234: {  	_ =	swait.ge [sflag:s1], $0x2000  }
0x235: {  	s14 =	sld [smem:$0x7D7]  }
0x236: {  	[sflag:s1] =	ssyncset.done $0x0  }
0x237: {  	[sflag:s1] =	ssyncadd.s32 $0xFFFFE000  }
0x238: {  	[tilespmem:s22], [sflag:$0x3] =	stream.indirect.gather [hbm4b:s4+s20], $0x80, s14, s20, $0xb8;
	v63 =	vld [tilespmem:$0x0]  }
0x239: {  	_ =	swait.ge [sflag:s0], $0x2000  }
0x23a: {  	s14 =	sld [smem:$0x7D8]  }
0x23b: {  	[sflag:s0] =	ssyncset.done $0x0  }
0x23c: {  	[sflag:s0] =	ssyncadd.s32 $0xFFFFE000  }
0x23d: {  	[spmem:s2] =	stream.indirect.scatter.add.f32 [tilespmem:s25], [sflag:$0xA], $0x80, s14, s20, $0xb8;
	v63 =	vld [tilespmem:$0x0]  }
0x23e: {  	_ =	swait.ge [sflag:s6], $0x2000  }
0x23f: {  	s14 =	sld [smem:$0x7D9]  }
0x240: {  	[sflag:s6] =	ssyncset.done $0x0  }
0x241: {  	[sflag:s6] =	ssyncadd.s32 $0xFFFFE000  }
0x242: {  	[tilespmem:s23], [sflag:$0x4] =	stream.indirect.gather [hbm4b:s4+s20], $0x80, s14, s20, $0xb8;
	v63 =	vld [tilespmem:$0x0]  }
0x243: {  	_ =	swait.ge [sflag:s24], $0x2000  }
0x244: {  	s14 =	sld [smem:$0x7DA]  }
0x245: {  	[sflag:s24] =	ssyncset.done $0x0  }
0x246: {  	[sflag:s24] =	ssyncadd.s32 $0xFFFFE000  }
0x247: {  	[spmem:s2] =	stream.indirect.scatter.add.f32 [tilespmem:s17], [sflag:$0x6], $0x80, s14, s20, $0xb8;
	v63 =	vld [tilespmem:$0x0]  }
0x248: {  	_ =	swait.ge [sflag:s7], $0x2000  }
0x249: {  	s14 =	sld [smem:$0x7DB]  }
0x24a: {  	[sflag:s7] =	ssyncset.done $0x0  }
0x24b: {  	[sflag:s7] =	ssyncadd.s32 $0xFFFFE000  }
0x24c: {  	[tilespmem:s25], [sflag:$0x5] =	stream.indirect.gather [hbm4b:s4+s20], $0x80, s14, s20, $0xb8;
	v63 =	vld [tilespmem:$0x0]  }
0x24d: {  	_ =	swait.ge [sflag:s26], $0x2000  }
0x24e: {  	s14 =	sld [smem:$0x7DC]  }
0x24f: {  	[sflag:s26] =	ssyncset.done $0x0  }
0x250: {  	[sflag:s26] =	ssyncadd.s32 $0xFFFFE000  }
0x251: {  	[spmem:s2] =	stream.indirect.scatter.add.f32 [tilespmem:s21], [sflag:$0x7], $0x80, s14, s20, $0xb8;
	v63 =	vld [tilespmem:$0x0]  }
0x252: {  	_ =	swait.ge [sflag:s28], $0x2000  }
0x253: {  	s14 =	sld [smem:$0x7DD]  }
0x254: {  	[sflag:s28] =	ssyncset.done $0x0  }
0x255: {  	[sflag:s28] =	ssyncadd.s32 $0xFFFFE000  }
0x256: {  	[tilespmem:s17], [sflag:$0x1] =	stream.indirect.gather [hbm4b:s4+s20], $0x80, s14, s20, $0xb8;
	v63 =	vld [tilespmem:$0x0]  }
0x257: {  	_ =	swait.ge [sflag:s29], $0x2000  }
0x258: {  	s14 =	sld [smem:$0x7DF]  }
0x259: {  	[sflag:s29] =	ssyncset.done $0x0  }
0x25a: {  	[sflag:s29] =	ssyncadd.s32 $0xFFFFE000  }
0x25b: {  	[spmem:s2] =	stream.indirect.scatter.add.f32 [tilespmem:s22], [sflag:$0x8], $0x80, s14, s20, $0xb8;
	v63 =	vld [tilespmem:$0x0]  }
0x25c: {  	_ =	swait.ge [sflag:s30], $0x2000  }
0x25d: {  	s14 =	sld [smem:$0x7E1]  }
0x25e: {  	[sflag:s30] =	ssyncset.done $0x0  }
0x25f: {  	[sflag:s30] =	ssyncadd.s32 $0xFFFFE000  }
0x260: {  	[tilespmem:s21], [sflag:$0x2] =	stream.indirect.gather [hbm4b:s4+s20], $0x80, s14, s20, $0xb8;
	v63 =	vld [tilespmem:$0x0]  }
0x261: {  	_ =	swait.ge [sflag:s31], $0x2000  }
0x262: {  	s14 =	sld [smem:$0x7E3]  }
0x263: {  	[sflag:s31] =	ssyncset.done $0x0  }
0x264: {  	[sflag:s31] =	ssyncadd.s32 $0xFFFFE000  }
0x265: {  	[spmem:s2] =	stream.indirect.scatter.add.f32 [tilespmem:s23], [sflag:$0x9], $0x80, s14, s20, $0xb8;
	v63 =	vld [tilespmem:$0x0]  }
0x266: {  	_ =	swait.ge [sflag:s1], $0x2000  }
0x267: {  	s14 =	sld [smem:$0x7E5]  }
0x268: {  	[sflag:s1] =	ssyncset.done $0x0  }
0x269: {  	[sflag:s1] =	ssyncadd.s32 $0xFFFFE000  }
0x26a: {  	[tilespmem:s22], [sflag:$0x3] =	stream.indirect.gather [hbm4b:s4+s20], $0x80, s14, s20, $0xb8;
	v63 =	vld [tilespmem:$0x0]  }
0x26b: {  	_ =	swait.ge [sflag:s0], $0x2000  }
0x26c: {  	s14 =	sld [smem:$0x7E7]  }
0x26d: {  	[sflag:s0] =	ssyncset.done $0x0  }
0x26e: {  	[sflag:s0] =	ssyncadd.s32 $0xFFFFE000  }
0x26f: {  	[spmem:s2] =	stream.indirect.scatter.add.f32 [tilespmem:s25], [sflag:$0xA], $0x80, s14, s20, $0xb8;
	v63 =	vld [tilespmem:$0x0]  }
0x270: {  	_ =	swait.ge [sflag:s6], $0x2000  }
0x271: {  	s14 =	sld [smem:$0x7E9]  }
0x272: {  	[sflag:s6] =	ssyncset.done $0x0  }
0x273: {  	[sflag:s6] =	ssyncadd.s32 $0xFFFFE000  }
0x274: {  	[tilespmem:s23], [sflag:$0x4] =	stream.indirect.gather [hbm4b:s4+s20], $0x80, s14, s20, $0xb8;
	v63 =	vld [tilespmem:$0x0]  }
0x275: {  	_ =	swait.ge [sflag:s24], $0x2000  }
0x276: {  	s14 =	sld [smem:$0x7EB]  }
0x277: {  	[sflag:s24] =	ssyncset.done $0x0  }
0x278: {  	[sflag:s24] =	ssyncadd.s32 $0xFFFFE000  }
0x279: {  	[spmem:s2] =	stream.indirect.scatter.add.f32 [tilespmem:s17], [sflag:$0x6], $0x80, s14, s20, $0xb8;
	v63 =	vld [tilespmem:$0x0]  }
0x27a: {  	_ =	swait.ge [sflag:s7], $0x2000  }
0x27b: {  	s14 =	sld [smem:$0x7ED]  }
0x27c: {  	[sflag:s7] =	ssyncset.done $0x0  }
0x27d: {  	[sflag:s7] =	ssyncadd.s32 $0xFFFFE000  }
0x27e: {  	[tilespmem:s25], [sflag:$0x5] =	stream.indirect.gather [hbm4b:s4+s20], $0x80, s14, s20, $0xb8;
	v63 =	vld [tilespmem:$0x0]  }
0x27f: {  	_ =	swait.ge [sflag:s26], $0x2000  }
0x280: {  	s14 =	sld [smem:$0x7EF]  }
0x281: {  	[sflag:s26] =	ssyncset.done $0x0  }
0x282: {  	[sflag:s26] =	ssyncadd.s32 $0xFFFFE000  }
0x283: {  	[spmem:s2] =	stream.indirect.scatter.add.f32 [tilespmem:s21], [sflag:$0x7], $0x80, s14, s20, $0xb8;
	v63 =	vld [tilespmem:$0x0]  }
0x284: {  	_ =	swait.ge [sflag:s28], $0x2000  }
0x285: {  	s14 =	sld [smem:$0x7F1]  }
0x286: {  	[sflag:s28] =	ssyncset.done $0x0  }
0x287: {  	[sflag:s28] =	ssyncadd.s32 $0xFFFFE000  }
0x288: {  	[tilespmem:s17], [sflag:$0x1] =	stream.indirect.gather [hbm4b:s4+s20], $0x80, s14, s20, $0xb8;
	v63 =	vld [tilespmem:$0x0]  }
0x289: {  	_ =	swait.ge [sflag:s29], $0x2000  }
0x28a: {  	s14 =	sld [smem:$0x7F4]  }
0x28b: {  	[sflag:s29] =	ssyncset.done $0x0  }
0x28c: {  	[sflag:s29] =	ssyncadd.s32 $0xFFFFE000  }
0x28d: {  	[spmem:s2] =	stream.indirect.scatter.add.f32 [tilespmem:s22], [sflag:$0x8], $0x80, s14, s20, $0xb8;
	v63 =	vld [tilespmem:$0x0]  }
0x28e: {  	_ =	swait.ge [sflag:s30], $0x2000  }
0x28f: {  	s14 =	sld [smem:$0x7F5]  }
0x290: {  	[sflag:s30] =	ssyncset.done $0x0  }
0x291: {  	[sflag:s30] =	ssyncadd.s32 $0xFFFFE000  }
0x292: {  	[tilespmem:s21], [sflag:$0x2] =	stream.indirect.gather [hbm4b:s4+s20], $0x80, s14, s20, $0xb8;
	v63 =	vld [tilespmem:$0x0]  }
0x293: {  	_ =	swait.ge [sflag:s31], $0x2000  }
0x294: {  	s14 =	sld [smem:$0x7F6]  }
0x295: {  	[sflag:s31] =	ssyncset.done $0x0  }
0x296: {  	[sflag:s31] =	ssyncadd.s32 $0xFFFFE000  }
0x297: {  	[spmem:s2] =	stream.indirect.scatter.add.f32 [tilespmem:s23], [sflag:$0x9], $0x80, s14, s20, $0xb8;
	v63 =	vld [tilespmem:$0x0]  }
0x298: {  	_ =	swait.ge [sflag:s1], $0x2000  }
0x299: {  	s14 =	sld [smem:$0x7F7]  }
0x29a: {  	[sflag:s1] =	ssyncset.done $0x0  }
0x29b: {  	[sflag:s1] =	ssyncadd.s32 $0xFFFFE000  }
0x29c: {  	[tilespmem:s22], [sflag:$0x3] =	stream.indirect.gather [hbm4b:s4+s20], $0x80, s14, s20, $0xb8;
	v63 =	vld [tilespmem:$0x0]  }
0x29d: {  	_ =	swait.ge [sflag:s0], $0x2000  }
0x29e: {  	s14 =	sld [smem:$0x7F8]  }
0x29f: {  	[sflag:s0] =	ssyncset.done $0x0  }
0x2a0: {  	[sflag:s0] =	ssyncadd.s32 $0xFFFFE000  }
0x2a1: {  	[spmem:s2] =	stream.indirect.scatter.add.f32 [tilespmem:s25], [sflag:$0xA], $0x80, s14, s20, $0xb8;
	v63 =	vld [tilespmem:$0x0]  }
0x2a2: {  	_ =	swait.ge [sflag:s6], $0x2000  }
0x2a3: {  	s14 =	sld [smem:$0x7F9]  }
0x2a4: {  	[sflag:s6] =	ssyncset.done $0x0  }
0x2a5: {  	[sflag:s6] =	ssyncadd.s32 $0xFFFFE000  }
0x2a6: {  	[tilespmem:s23], [sflag:$0x4] =	stream.indirect.gather [hbm4b:s4+s20], $0x80, s14, s20, $0xb8;
	v63 =	vld [tilespmem:$0x0]  }
0x2a7: {  	_ =	swait.ge [sflag:s24], $0x2000  }
0x2a8: {  	s14 =	sld [smem:$0x7FA]  }
0x2a9: {  	[sflag:s24] =	ssyncset.done $0x0  }
0x2aa: {  	[sflag:s24] =	ssyncadd.s32 $0xFFFFE000  }
0x2ab: {  	[spmem:s2] =	stream.indirect.scatter.add.f32 [tilespmem:s17], [sflag:$0x6], $0x80, s14, s20, $0xb8;
	v63 =	vld [tilespmem:$0x0]  }
0x2ac: {  	_ =	swait.ge [sflag:s7], $0x2000  }
0x2ad: {  	s14 =	sld [smem:$0x7FB]  }
0x2ae: {  	[sflag:s7] =	ssyncset.done $0x0  }
0x2af: {  	[sflag:s7] =	ssyncadd.s32 $0xFFFFE000  }
0x2b0: {  	[tilespmem:s25], [sflag:$0x5] =	stream.indirect.gather [hbm4b:s4+s20], $0x80, s14, s20, $0xb8;
	v63 =	vld [tilespmem:$0x0]  }
0x2b1: {  	_ =	swait.ge [sflag:s26], $0x2000  }
0x2b2: {  	s14 =	sld [smem:$0x7FC]  }
0x2b3: {  	[sflag:s26] =	ssyncset.done $0x0  }
0x2b4: {  	[sflag:s26] =	ssyncadd.s32 $0xFFFFE000  }
0x2b5: {  	[spmem:s2] =	stream.indirect.scatter.add.f32 [tilespmem:s21], [sflag:$0x7], $0x80, s14, s20, $0xb8;
	v63 =	vld [tilespmem:$0x0]  }
0x2b6: {  	_ =	swait.ge [sflag:s28], $0x2000  }
0x2b7: {  	s14 =	sld [smem:$0x7FD]  }
0x2b8: {  	[sflag:s28] =	ssyncset.done $0x0  }
0x2b9: {  	[sflag:s28] =	ssyncadd.s32 $0xFFFFE000  }
0x2ba: {  	[tilespmem:s17], [sflag:$0x1] =	stream.indirect.gather [hbm4b:s4+s20], $0x80, s14, s20, $0xb8;
	v63 =	vld [tilespmem:$0x0]  }
0x2bb: {  	_ =	swait.ge [sflag:s29], $0x2000  }
0x2bc: {  	[sflag:s29] =	ssyncset.done $0x0  }
0x2bd: {  	[sflag:s29] =	ssyncadd.s32 $0xFFFFE000  }
0x2be: {  	[spmem:s2] =	stream.indirect.scatter.add.f32 [tilespmem:s22], [sflag:$0x8], $0x80, s8, s20, $0xb8;
	v63 =	vld [tilespmem:$0x0]  }
0x2bf: {  	_ =	swait.ge [sflag:s30], $0x2000  }
0x2c0: {  	[sflag:s30] =	ssyncset.done $0x0  }
0x2c1: {  	[sflag:s30] =	ssyncadd.s32 $0xFFFFE000  }
0x2c2: {  	[tilespmem:s21], [sflag:$0x2] =	stream.indirect.gather [hbm4b:s4+s20], $0x80, s9, s20, $0xb8;
	v63 =	vld [tilespmem:$0x0]  }
0x2c3: {  	_ =	swait.ge [sflag:s31], $0x2000  }
0x2c4: {  	[sflag:s31] =	ssyncset.done $0x0  }
0x2c5: {  	[sflag:s31] =	ssyncadd.s32 $0xFFFFE000  }
0x2c6: {  	[spmem:s2] =	stream.indirect.scatter.add.f32 [tilespmem:s23], [sflag:$0x9], $0x80, s10, s20, $0xb8;
	v63 =	vld [tilespmem:$0x0]  }
0x2c7: {  	_ =	swait.ge [sflag:s0], $0x2000  }
0x2c8: {  	[sflag:s0] =	ssyncset.done $0x0  }
0x2c9: {  	[sflag:s0] =	ssyncadd.s32 $0xFFFFE000  }
0x2ca: {  	[spmem:s2] =	stream.indirect.scatter.add.f32 [tilespmem:s25], [sflag:$0xA], $0x80, s11, s20, $0xb8;
	v63 =	vld [tilespmem:$0x0]  }
0x2cb: {  	_ =	swait.ge [sflag:s24], $0x2000  }
0x2cc: {  	[sflag:s24] =	ssyncset.done $0x0  }
0x2cd: {  	[sflag:s24] =	ssyncadd.s32 $0xFFFFE000  }
0x2ce: {  	[spmem:s2] =	stream.indirect.scatter.add.f32 [tilespmem:s17], [sflag:$0x6], $0x80, s12, s20, $0xb8;
	v63 =	vld [tilespmem:$0x0]  }
0x2cf: {  	_ =	swait.ge [sflag:s26], $0x2000  }
0x2d0: {  	[sflag:s26] =	ssyncset.done $0x0  }
0x2d1: {  	[sflag:s26] =	ssyncadd.s32 $0xFFFFE000  }
0x2d2: {  	[spmem:s2] =	stream.indirect.scatter.add.f32 [tilespmem:s21], [sflag:$0x7], $0x80, s13, s20, $0xb8;
	v63 =	vld [tilespmem:$0x0]  }
0x2d3: {  	_ =	swait.ge [sflag:s1], $0x2000  }
0x2d4: {  	[sflag:s1] =	ssyncset.done $0x0  }
0x2d5: {  	[sflag:s1] =	ssyncadd.s32 $0xFFFFE000  }
0x2d6: {  	_ =	swait.ge [sflag:s6], $0x2000  }
0x2d7: {  	[sflag:s6] =	ssyncset.done $0x0  }
0x2d8: {  	[sflag:s6] =	ssyncadd.s32 $0xFFFFE000  }
0x2d9: {  	_ =	swait.ge [sflag:s7], $0x2000  }
0x2da: {  	[sflag:s7] =	ssyncset.done $0x0  }
0x2db: {  	p0 =	sne.s32 s16, $0x800;
	[sflag:s7] =	ssyncadd.s32 $0xFFFFE000  }
.Ltmp1:
0x2dc: {  	_ =	swait.ge [sflag:s28], $0x2000;
	(pc) =	sbr.rel @p0 .LBB2_4-.Ltmp1, $4  }
0x2dd: {  	[sflag:s28] =	ssyncset.done $0x0  }
0x2de: {  	[sflag:s28] =	ssyncadd.s32 $0xFFFFE000  }
0x2df: {  	_ =	swait.ge [sflag:s30], $0x2000  }
0x2e0: {  	s16 =	sadd.s32 $0x200, s16;
	s5 =	rddreg [dreg:$0x5];
	[sflag:s30] =	ssyncset.done $0x0  }
0x2e1: {  	[sflag:s30] =	ssyncadd.s32 $0xFFFFE000;
	s5 =	sadd.s32 s15, s5  }
0x2e2: {  	[tilespmem:s3], [sflag:$0xB] =	stream.linear.gather [hbm4b:s5+s3], $0x1000, $0x38;
	v63 =	vld [tilespmem:$0x0]  }
0x2e3: {  	_ =	swait.ge [sflag:s18], $0x1000  }
0x2e4: {  	s14 =	rddreg [dreg:$0x4];
	[sflag:s18] =	ssyncset.done $0x0  }
0x2e5: {  	[sflag:s18] =	ssyncadd.s32 $0xFFFFF000;
	s5 =	sadd.s32 s15, s14  }
0x2e6: {  	[tilespmem:s19], [sflag:$0xB] =	stream.linear.gather [hbm4b:s5+s3], $0x1000, $0x38;
	v63 =	vld [tilespmem:$0x0]  }
0x2e7: {  	_ =	swait.ge [sflag:s18], $0x1000  }
0x2e8: {  	[sflag:s18] =	ssyncset.done $0x0  }
0x2e9: {  	[sflag:s18] =	ssyncadd.s32 $0xFFFFF000  }
0x2ea: {  	[tilespmem:s17], [sflag:$0x1] =	stream.indirect.gather [hbm4b:s4+s20], $0x80, s3, s20, $0xb8;
	v63 =	vld [tilespmem:$0x0]  }
0x2eb: {  	s15 =	rddreg [dreg:$0x6]  }
0x2ec: {  	[tilespmem:s21], [sflag:$0x2] =	stream.indirect.gather [hbm4b:s4+s20], $0x80, s15, s20, $0xb8;
	v63 =	vld [tilespmem:$0x0]  }
0x2ed: {  	s14 =	rddreg [dreg:$0x7]  }
0x2ee: {  	[tilespmem:s22], [sflag:$0x3] =	stream.indirect.gather [hbm4b:s4+s20], $0x80, s14, s20, $0xb8;
	v63 =	vld [tilespmem:$0x0]  }
0x2ef: {  	s16 =	rddreg [dreg:$0x8]  }
0x2f0: {  	[tilespmem:s23], [sflag:$0x4] =	stream.indirect.gather [hbm4b:s4+s20], $0x80, s16, s20, $0xb8;
	v63 =	vld [tilespmem:$0x0]  }
0x2f1: {  	_ =	swait.ge [sflag:s24], $0x2000  }
0x2f2: {  	[sflag:s24] =	ssyncset.done $0x0  }
0x2f3: {  	[sflag:s24] =	ssyncadd.s32 $0xFFFFE000  }
0x2f4: {  	[spmem:s2] =	stream.indirect.scatter.add.f32 [tilespmem:s17], [sflag:$0x6], $0x80, s19, s20, $0xb8;
	v63 =	vld [tilespmem:$0x0]  }
0x2f5: {  	s15 =	rddreg [dreg:$0x9]  }
0x2f6: {  	[tilespmem:s25], [sflag:$0x5] =	stream.indirect.gather [hbm4b:s4+s20], $0x80, s15, s20, $0xb8;
	v63 =	vld [tilespmem:$0x0]  }
0x2f7: {  	_ =	swait.ge [sflag:s26], $0x2000  }
0x2f8: {  	[sflag:s26] =	ssyncset.done $0x0  }
0x2f9: {  	s16 =	rddreg [dreg:$0xa];
	[sflag:s26] =	ssyncadd.s32 $0xFFFFE000  }
0x2fa: {  	[spmem:s2] =	stream.indirect.scatter.add.f32 [tilespmem:s21], [sflag:$0x7], $0x80, s16, s20, $0xb8;
	v63 =	vld [tilespmem:$0x0]  }
0x2fb: {  	_ =	swait.ge [sflag:s28], $0x2000  }
0x2fc: {  	[sflag:s28] =	ssyncset.done $0x0  }
0x2fd: {  	s14 =	rddreg [dreg:$0xb];
	[sflag:s28] =	ssyncadd.s32 $0xFFFFE000  }
0x2fe: {  	[tilespmem:s17], [sflag:$0x1] =	stream.indirect.gather [hbm4b:s4+s20], $0x80, s14, s20, $0xb8;
	v63 =	vld [tilespmem:$0x0]  }
0x2ff: {  	_ =	swait.ge [sflag:s29], $0x2000  }
0x300: {  	[sflag:s29] =	ssyncset.done $0x0  }
0x301: {  	s15 =	rddreg [dreg:$0xc];
	[sflag:s29] =	ssyncadd.s32 $0xFFFFE000  }
0x302: {  	[spmem:s2] =	stream.indirect.scatter.add.f32 [tilespmem:s22], [sflag:$0x8], $0x80, s15, s20, $0xb8;
	v63 =	vld [tilespmem:$0x0]  }
0x303: {  	_ =	swait.ge [sflag:s30], $0x2000  }
0x304: {  	[sflag:s30] =	ssyncset.done $0x0  }
0x305: {  	s16 =	rddreg [dreg:$0xd];
	[sflag:s30] =	ssyncadd.s32 $0xFFFFE000  }
0x306: {  	[tilespmem:s21], [sflag:$0x2] =	stream.indirect.gather [hbm4b:s4+s20], $0x80, s16, s20, $0xb8;
	v63 =	vld [tilespmem:$0x0]  }
0x307: {  	_ =	swait.ge [sflag:s31], $0x2000  }
0x308: {  	[sflag:s31] =	ssyncset.done $0x0  }
0x309: {  	s14 =	rddreg [dreg:$0xe];
	[sflag:s31] =	ssyncadd.s32 $0xFFFFE000  }
0x30a: {  	[spmem:s2] =	stream.indirect.scatter.add.f32 [tilespmem:s23], [sflag:$0x9], $0x80, s14, s20, $0xb8;
	v63 =	vld [tilespmem:$0x0]  }
0x30b: {  	_ =	swait.ge [sflag:s1], $0x2000  }
0x30c: {  	[sflag:s1] =	ssyncset.done $0x0  }
0x30d: {  	s15 =	rddreg [dreg:$0xf];
	[sflag:s1] =	ssyncadd.s32 $0xFFFFE000  }
0x30e: {  	[tilespmem:s22], [sflag:$0x3] =	stream.indirect.gather [hbm4b:s4+s20], $0x80, s15, s20, $0xb8;
	v63 =	vld [tilespmem:$0x0]  }
0x30f: {  	_ =	swait.ge [sflag:s0], $0x2000  }
0x310: {  	[sflag:s0] =	ssyncset.done $0x0  }
0x311: {  	s16 =	rddreg [dreg:$0x10];
	[sflag:s0] =	ssyncadd.s32 $0xFFFFE000  }
0x312: {  	[spmem:s2] =	stream.indirect.scatter.add.f32 [tilespmem:s25], [sflag:$0xA], $0x80, s16, s20, $0xb8;
	v63 =	vld [tilespmem:$0x0]  }
0x313: {  	_ =	swait.ge [sflag:s6], $0x2000  }
0x314: {  	[sflag:s6] =	ssyncset.done $0x0  }
0x315: {  	s14 =	rddreg [dreg:$0x11];
	[sflag:s6] =	ssyncadd.s32 $0xFFFFE000  }
0x316: {  	[tilespmem:s23], [sflag:$0x4] =	stream.indirect.gather [hbm4b:s4+s20], $0x80, s14, s20, $0xb8;
	v63 =	vld [tilespmem:$0x0]  }
0x317: {  	_ =	swait.ge [sflag:s24], $0x2000  }
0x318: {  	[sflag:s24] =	ssyncset.done $0x0  }
0x319: {  	s15 =	rddreg [dreg:$0x12];
	[sflag:s24] =	ssyncadd.s32 $0xFFFFE000  }
0x31a: {  	[spmem:s2] =	stream.indirect.scatter.add.f32 [tilespmem:s17], [sflag:$0x6], $0x80, s15, s20, $0xb8;
	v63 =	vld [tilespmem:$0x0]  }
0x31b: {  	_ =	swait.ge [sflag:s7], $0x2000  }
0x31c: {  	[sflag:s7] =	ssyncset.done $0x0  }
0x31d: {  	s16 =	rddreg [dreg:$0x13];
	[sflag:s7] =	ssyncadd.s32 $0xFFFFE000  }
0x31e: {  	[tilespmem:s25], [sflag:$0x5] =	stream.indirect.gather [hbm4b:s4+s20], $0x80, s16, s20, $0xb8;
	v63 =	vld [tilespmem:$0x0]  }
0x31f: {  	_ =	swait.ge [sflag:s26], $0x2000  }
0x320: {  	[sflag:s26] =	ssyncset.done $0x0  }
0x321: {  	s14 =	rddreg [dreg:$0x14];
	[sflag:s26] =	ssyncadd.s32 $0xFFFFE000  }
0x322: {  	[spmem:s2] =	stream.indirect.scatter.add.f32 [tilespmem:s21], [sflag:$0x7], $0x80, s14, s20, $0xb8;
	v63 =	vld [tilespmem:$0x0]  }
0x323: {  	_ =	swait.ge [sflag:s28], $0x2000  }
0x324: {  	[sflag:s28] =	ssyncset.done $0x0  }
0x325: {  	s15 =	rddreg [dreg:$0x15];
	[sflag:s28] =	ssyncadd.s32 $0xFFFFE000  }
0x326: {  	[tilespmem:s17], [sflag:$0x1] =	stream.indirect.gather [hbm4b:s4+s20], $0x80, s15, s20, $0xb8;
	v63 =	vld [tilespmem:$0x0]  }
0x327: {  	_ =	swait.ge [sflag:s29], $0x2000  }
0x328: {  	[sflag:s29] =	ssyncset.done $0x0  }
0x329: {  	s16 =	rddreg [dreg:$0x16];
	[sflag:s29] =	ssyncadd.s32 $0xFFFFE000  }
0x32a: {  	[spmem:s2] =	stream.indirect.scatter.add.f32 [tilespmem:s22], [sflag:$0x8], $0x80, s16, s20, $0xb8;
	v63 =	vld [tilespmem:$0x0]  }
0x32b: {  	_ =	swait.ge [sflag:s30], $0x2000  }
0x32c: {  	[sflag:s30] =	ssyncset.done $0x0  }
0x32d: {  	s14 =	rddreg [dreg:$0x17];
	[sflag:s30] =	ssyncadd.s32 $0xFFFFE000  }
0x32e: {  	[tilespmem:s21], [sflag:$0x2] =	stream.indirect.gather [hbm4b:s4+s20], $0x80, s14, s20, $0xb8;
	v63 =	vld [tilespmem:$0x0]  }
0x32f: {  	_ =	swait.ge [sflag:s31], $0x2000  }
0x330: {  	[sflag:s31] =	ssyncset.done $0x0  }
0x331: {  	s15 =	rddreg [dreg:$0x18];
	[sflag:s31] =	ssyncadd.s32 $0xFFFFE000  }
0x332: {  	[spmem:s2] =	stream.indirect.scatter.add.f32 [tilespmem:s23], [sflag:$0x9], $0x80, s15, s20, $0xb8;
	v63 =	vld [tilespmem:$0x0]  }
0x333: {  	_ =	swait.ge [sflag:s1], $0x2000  }
0x334: {  	[sflag:s1] =	ssyncset.done $0x0  }
0x335: {  	s16 =	rddreg [dreg:$0x19];
	[sflag:s1] =	ssyncadd.s32 $0xFFFFE000  }
0x336: {  	[tilespmem:s22], [sflag:$0x3] =	stream.indirect.gather [hbm4b:s4+s20], $0x80, s16, s20, $0xb8;
	v63 =	vld [tilespmem:$0x0]  }
0x337: {  	_ =	swait.ge [sflag:s0], $0x2000  }
0x338: {  	[sflag:s0] =	ssyncset.done $0x0  }
0x339: {  	s14 =	rddreg [dreg:$0x1a];
	[sflag:s0] =	ssyncadd.s32 $0xFFFFE000  }
0x33a: {  	[spmem:s2] =	stream.indirect.scatter.add.f32 [tilespmem:s25], [sflag:$0xA], $0x80, s14, s20, $0xb8;
	v63 =	vld [tilespmem:$0x0]  }
0x33b: {  	_ =	swait.ge [sflag:s6], $0x2000  }
0x33c: {  	[sflag:s6] =	ssyncset.done $0x0  }
0x33d: {  	s15 =	rddreg [dreg:$0x1b];
	[sflag:s6] =	ssyncadd.s32 $0xFFFFE000  }
0x33e: {  	[tilespmem:s23], [sflag:$0x4] =	stream.indirect.gather [hbm4b:s4+s20], $0x80, s15, s20, $0xb8;
	v63 =	vld [tilespmem:$0x0]  }
0x33f: {  	_ =	swait.ge [sflag:s24], $0x2000  }
0x340: {  	[sflag:s24] =	ssyncset.done $0x0  }
0x341: {  	s16 =	rddreg [dreg:$0x1c];
	[sflag:s24] =	ssyncadd.s32 $0xFFFFE000  }
0x342: {  	[spmem:s2] =	stream.indirect.scatter.add.f32 [tilespmem:s17], [sflag:$0x6], $0x80, s16, s20, $0xb8;
	v63 =	vld [tilespmem:$0x0]  }
0x343: {  	_ =	swait.ge [sflag:s7], $0x2000  }
0x344: {  	[sflag:s7] =	ssyncset.done $0x0  }
0x345: {  	s14 =	rddreg [dreg:$0x1d];
	[sflag:s7] =	ssyncadd.s32 $0xFFFFE000  }
0x346: {  	[tilespmem:s25], [sflag:$0x5] =	stream.indirect.gather [hbm4b:s4+s20], $0x80, s14, s20, $0xb8;
	v63 =	vld [tilespmem:$0x0]  }
0x347: {  	_ =	swait.ge [sflag:s26], $0x2000  }
0x348: {  	[sflag:s26] =	ssyncset.done $0x0  }
0x349: {  	s15 =	rddreg [dreg:$0x1e];
	[sflag:s26] =	ssyncadd.s32 $0xFFFFE000  }
0x34a: {  	[spmem:s2] =	stream.indirect.scatter.add.f32 [tilespmem:s21], [sflag:$0x7], $0x80, s15, s20, $0xb8;
	v63 =	vld [tilespmem:$0x0]  }
0x34b: {  	_ =	swait.ge [sflag:s28], $0x2000  }
0x34c: {  	[sflag:s28] =	ssyncset.done $0x0  }
0x34d: {  	s16 =	rddreg [dreg:$0x1f];
	[sflag:s28] =	ssyncadd.s32 $0xFFFFE000  }
0x34e: {  	[tilespmem:s17], [sflag:$0x1] =	stream.indirect.gather [hbm4b:s4+s20], $0x80, s16, s20, $0xb8;
	v63 =	vld [tilespmem:$0x0]  }
0x34f: {  	_ =	swait.ge [sflag:s29], $0x2000  }
0x350: {  	s14 =	sld [smem:$0x7D4]  }
0x351: {  	[sflag:s29] =	ssyncset.done $0x0  }
0x352: {  	[sflag:s29] =	ssyncadd.s32 $0xFFFFE000  }
0x353: {  	[spmem:s2] =	stream.indirect.scatter.add.f32 [tilespmem:s22], [sflag:$0x8], $0x80, s14, s20, $0xb8;
	v63 =	vld [tilespmem:$0x0]  }
0x354: {  	_ =	swait.ge [sflag:s30], $0x2000  }
0x355: {  	s15 =	sld [smem:$0x7D5]  }
0x356: {  	[sflag:s30] =	ssyncset.done $0x0  }
0x357: {  	[sflag:s30] =	ssyncadd.s32 $0xFFFFE000  }
0x358: {  	[tilespmem:s21], [sflag:$0x2] =	stream.indirect.gather [hbm4b:s4+s20], $0x80, s15, s20, $0xb8;
	v63 =	vld [tilespmem:$0x0]  }
0x359: {  	_ =	swait.ge [sflag:s31], $0x2000  }
0x35a: {  	s16 =	sld [smem:$0x7D6]  }
0x35b: {  	[sflag:s31] =	ssyncset.done $0x0  }
0x35c: {  	[sflag:s31] =	ssyncadd.s32 $0xFFFFE000  }
0x35d: {  	[spmem:s2] =	stream.indirect.scatter.add.f32 [tilespmem:s23], [sflag:$0x9], $0x80, s16, s20, $0xb8;
	v63 =	vld [tilespmem:$0x0]  }
0x35e: {  	_ =	swait.ge [sflag:s1], $0x2000  }
0x35f: {  	s14 =	sld [smem:$0x7D7]  }
0x360: {  	[sflag:s1] =	ssyncset.done $0x0  }
0x361: {  	[sflag:s1] =	ssyncadd.s32 $0xFFFFE000  }
0x362: {  	[tilespmem:s22], [sflag:$0x3] =	stream.indirect.gather [hbm4b:s4+s20], $0x80, s14, s20, $0xb8;
	v63 =	vld [tilespmem:$0x0]  }
0x363: {  	_ =	swait.ge [sflag:s0], $0x2000  }
0x364: {  	s15 =	sld [smem:$0x7D8]  }
0x365: {  	[sflag:s0] =	ssyncset.done $0x0  }
0x366: {  	[sflag:s0] =	ssyncadd.s32 $0xFFFFE000  }
0x367: {  	[spmem:s2] =	stream.indirect.scatter.add.f32 [tilespmem:s25], [sflag:$0xA], $0x80, s15, s20, $0xb8;
	v63 =	vld [tilespmem:$0x0]  }
0x368: {  	_ =	swait.ge [sflag:s6], $0x2000  }
0x369: {  	s16 =	sld [smem:$0x7D9]  }
0x36a: {  	[sflag:s6] =	ssyncset.done $0x0  }
0x36b: {  	[sflag:s6] =	ssyncadd.s32 $0xFFFFE000  }
0x36c: {  	[tilespmem:s23], [sflag:$0x4] =	stream.indirect.gather [hbm4b:s4+s20], $0x80, s16, s20, $0xb8;
	v63 =	vld [tilespmem:$0x0]  }
0x36d: {  	_ =	swait.ge [sflag:s24], $0x2000  }
0x36e: {  	s14 =	sld [smem:$0x7DA]  }
0x36f: {  	[sflag:s24] =	ssyncset.done $0x0  }
0x370: {  	[sflag:s24] =	ssyncadd.s32 $0xFFFFE000  }
0x371: {  	[spmem:s2] =	stream.indirect.scatter.add.f32 [tilespmem:s17], [sflag:$0x6], $0x80, s14, s20, $0xb8;
	v63 =	vld [tilespmem:$0x0]  }
0x372: {  	_ =	swait.ge [sflag:s7], $0x2000  }
0x373: {  	s15 =	sld [smem:$0x7DB]  }
0x374: {  	[sflag:s7] =	ssyncset.done $0x0  }
0x375: {  	[sflag:s7] =	ssyncadd.s32 $0xFFFFE000  }
0x376: {  	[tilespmem:s25], [sflag:$0x5] =	stream.indirect.gather [hbm4b:s4+s20], $0x80, s15, s20, $0xb8;
	v63 =	vld [tilespmem:$0x0]  }
0x377: {  	_ =	swait.ge [sflag:s26], $0x2000  }
0x378: {  	s16 =	sld [smem:$0x7DC]  }
0x379: {  	[sflag:s26] =	ssyncset.done $0x0  }
0x37a: {  	[sflag:s26] =	ssyncadd.s32 $0xFFFFE000  }
0x37b: {  	[spmem:s2] =	stream.indirect.scatter.add.f32 [tilespmem:s21], [sflag:$0x7], $0x80, s16, s20, $0xb8;
	v63 =	vld [tilespmem:$0x0]  }
0x37c: {  	_ =	swait.ge [sflag:s28], $0x2000  }
0x37d: {  	s14 =	sld [smem:$0x7DD]  }
0x37e: {  	[sflag:s28] =	ssyncset.done $0x0  }
0x37f: {  	[sflag:s28] =	ssyncadd.s32 $0xFFFFE000  }
0x380: {  	[tilespmem:s17], [sflag:$0x1] =	stream.indirect.gather [hbm4b:s4+s20], $0x80, s14, s20, $0xb8;
	v63 =	vld [tilespmem:$0x0]  }
0x381: {  	_ =	swait.ge [sflag:s29], $0x2000  }
0x382: {  	s15 =	sld [smem:$0x7DF]  }
0x383: {  	[sflag:s29] =	ssyncset.done $0x0  }
0x384: {  	[sflag:s29] =	ssyncadd.s32 $0xFFFFE000  }
0x385: {  	[spmem:s2] =	stream.indirect.scatter.add.f32 [tilespmem:s22], [sflag:$0x8], $0x80, s15, s20, $0xb8;
	v63 =	vld [tilespmem:$0x0]  }
0x386: {  	_ =	swait.ge [sflag:s30], $0x2000  }
0x387: {  	s16 =	sld [smem:$0x7E1]  }
0x388: {  	[sflag:s30] =	ssyncset.done $0x0  }
0x389: {  	[sflag:s30] =	ssyncadd.s32 $0xFFFFE000  }
0x38a: {  	[tilespmem:s21], [sflag:$0x2] =	stream.indirect.gather [hbm4b:s4+s20], $0x80, s16, s20, $0xb8;
	v63 =	vld [tilespmem:$0x0]  }
0x38b: {  	_ =	swait.ge [sflag:s31], $0x2000  }
0x38c: {  	s14 =	sld [smem:$0x7E3]  }
0x38d: {  	[sflag:s31] =	ssyncset.done $0x0  }
0x38e: {  	[sflag:s31] =	ssyncadd.s32 $0xFFFFE000  }
0x38f: {  	[spmem:s2] =	stream.indirect.scatter.add.f32 [tilespmem:s23], [sflag:$0x9], $0x80, s14, s20, $0xb8;
	v63 =	vld [tilespmem:$0x0]  }
0x390: {  	_ =	swait.ge [sflag:s1], $0x2000  }
0x391: {  	s15 =	sld [smem:$0x7E5]  }
0x392: {  	[sflag:s1] =	ssyncset.done $0x0  }
0x393: {  	[sflag:s1] =	ssyncadd.s32 $0xFFFFE000  }
0x394: {  	[tilespmem:s22], [sflag:$0x3] =	stream.indirect.gather [hbm4b:s4+s20], $0x80, s15, s20, $0xb8;
	v63 =	vld [tilespmem:$0x0]  }
0x395: {  	_ =	swait.ge [sflag:s0], $0x2000  }
0x396: {  	s16 =	sld [smem:$0x7E7]  }
0x397: {  	[sflag:s0] =	ssyncset.done $0x0  }
0x398: {  	[sflag:s0] =	ssyncadd.s32 $0xFFFFE000  }
0x399: {  	[spmem:s2] =	stream.indirect.scatter.add.f32 [tilespmem:s25], [sflag:$0xA], $0x80, s16, s20, $0xb8;
	v63 =	vld [tilespmem:$0x0]  }
0x39a: {  	_ =	swait.ge [sflag:s6], $0x2000  }
0x39b: {  	s14 =	sld [smem:$0x7E9]  }
0x39c: {  	[sflag:s6] =	ssyncset.done $0x0  }
0x39d: {  	[sflag:s6] =	ssyncadd.s32 $0xFFFFE000  }
0x39e: {  	[tilespmem:s23], [sflag:$0x4] =	stream.indirect.gather [hbm4b:s4+s20], $0x80, s14, s20, $0xb8;
	v63 =	vld [tilespmem:$0x0]  }
0x39f: {  	_ =	swait.ge [sflag:s24], $0x2000  }
0x3a0: {  	s15 =	sld [smem:$0x7EB]  }
0x3a1: {  	[sflag:s24] =	ssyncset.done $0x0  }
0x3a2: {  	[sflag:s24] =	ssyncadd.s32 $0xFFFFE000  }
0x3a3: {  	[spmem:s2] =	stream.indirect.scatter.add.f32 [tilespmem:s17], [sflag:$0x6], $0x80, s15, s20, $0xb8;
	v63 =	vld [tilespmem:$0x0]  }
0x3a4: {  	_ =	swait.ge [sflag:s7], $0x2000  }
0x3a5: {  	s16 =	sld [smem:$0x7ED]  }
0x3a6: {  	[sflag:s7] =	ssyncset.done $0x0  }
0x3a7: {  	[sflag:s7] =	ssyncadd.s32 $0xFFFFE000  }
0x3a8: {  	[tilespmem:s25], [sflag:$0x5] =	stream.indirect.gather [hbm4b:s4+s20], $0x80, s16, s20, $0xb8;
	v63 =	vld [tilespmem:$0x0]  }
0x3a9: {  	_ =	swait.ge [sflag:s26], $0x2000  }
0x3aa: {  	s14 =	sld [smem:$0x7EF]  }
0x3ab: {  	[sflag:s26] =	ssyncset.done $0x0  }
0x3ac: {  	[sflag:s26] =	ssyncadd.s32 $0xFFFFE000  }
0x3ad: {  	[spmem:s2] =	stream.indirect.scatter.add.f32 [tilespmem:s21], [sflag:$0x7], $0x80, s14, s20, $0xb8;
	v63 =	vld [tilespmem:$0x0]  }
0x3ae: {  	_ =	swait.ge [sflag:s28], $0x2000  }
0x3af: {  	s15 =	sld [smem:$0x7F1]  }
0x3b0: {  	[sflag:s28] =	ssyncset.done $0x0  }
0x3b1: {  	[sflag:s28] =	ssyncadd.s32 $0xFFFFE000  }
0x3b2: {  	[tilespmem:s17], [sflag:$0x1] =	stream.indirect.gather [hbm4b:s4+s20], $0x80, s15, s20, $0xb8;
	v63 =	vld [tilespmem:$0x0]  }
0x3b3: {  	_ =	swait.ge [sflag:s29], $0x2000  }
0x3b4: {  	s16 =	sld [smem:$0x7F4]  }
0x3b5: {  	[sflag:s29] =	ssyncset.done $0x0  }
0x3b6: {  	[sflag:s29] =	ssyncadd.s32 $0xFFFFE000  }
0x3b7: {  	[spmem:s2] =	stream.indirect.scatter.add.f32 [tilespmem:s22], [sflag:$0x8], $0x80, s16, s20, $0xb8;
	v63 =	vld [tilespmem:$0x0]  }
0x3b8: {  	_ =	swait.ge [sflag:s30], $0x2000  }
0x3b9: {  	s14 =	sld [smem:$0x7F5]  }
0x3ba: {  	[sflag:s30] =	ssyncset.done $0x0  }
0x3bb: {  	[sflag:s30] =	ssyncadd.s32 $0xFFFFE000  }
0x3bc: {  	[tilespmem:s21], [sflag:$0x2] =	stream.indirect.gather [hbm4b:s4+s20], $0x80, s14, s20, $0xb8;
	v63 =	vld [tilespmem:$0x0]  }
0x3bd: {  	_ =	swait.ge [sflag:s31], $0x2000  }
0x3be: {  	s15 =	sld [smem:$0x7F6]  }
0x3bf: {  	[sflag:s31] =	ssyncset.done $0x0  }
0x3c0: {  	[sflag:s31] =	ssyncadd.s32 $0xFFFFE000  }
0x3c1: {  	[spmem:s2] =	stream.indirect.scatter.add.f32 [tilespmem:s23], [sflag:$0x9], $0x80, s15, s20, $0xb8;
	v63 =	vld [tilespmem:$0x0]  }
0x3c2: {  	_ =	swait.ge [sflag:s1], $0x2000  }
0x3c3: {  	s16 =	sld [smem:$0x7F7]  }
0x3c4: {  	[sflag:s1] =	ssyncset.done $0x0  }
0x3c5: {  	[sflag:s1] =	ssyncadd.s32 $0xFFFFE000  }
0x3c6: {  	[tilespmem:s22], [sflag:$0x3] =	stream.indirect.gather [hbm4b:s4+s20], $0x80, s16, s20, $0xb8;
	v63 =	vld [tilespmem:$0x0]  }
0x3c7: {  	_ =	swait.ge [sflag:s0], $0x2000  }
0x3c8: {  	s14 =	sld [smem:$0x7F8]  }
0x3c9: {  	[sflag:s0] =	ssyncset.done $0x0  }
0x3ca: {  	[sflag:s0] =	ssyncadd.s32 $0xFFFFE000  }
0x3cb: {  	[spmem:s2] =	stream.indirect.scatter.add.f32 [tilespmem:s25], [sflag:$0xA], $0x80, s14, s20, $0xb8;
	v63 =	vld [tilespmem:$0x0]  }
0x3cc: {  	_ =	swait.ge [sflag:s6], $0x2000  }
0x3cd: {  	s15 =	sld [smem:$0x7F9]  }
0x3ce: {  	[sflag:s6] =	ssyncset.done $0x0  }
0x3cf: {  	[sflag:s6] =	ssyncadd.s32 $0xFFFFE000  }
0x3d0: {  	[tilespmem:s23], [sflag:$0x4] =	stream.indirect.gather [hbm4b:s4+s20], $0x80, s15, s20, $0xb8;
	v63 =	vld [tilespmem:$0x0]  }
0x3d1: {  	_ =	swait.ge [sflag:s24], $0x2000  }
0x3d2: {  	s16 =	sld [smem:$0x7FA]  }
0x3d3: {  	[sflag:s24] =	ssyncset.done $0x0  }
0x3d4: {  	[sflag:s24] =	ssyncadd.s32 $0xFFFFE000  }
0x3d5: {  	[spmem:s2] =	stream.indirect.scatter.add.f32 [tilespmem:s17], [sflag:$0x6], $0x80, s16, s20, $0xb8;
	v63 =	vld [tilespmem:$0x0]  }
0x3d6: {  	_ =	swait.ge [sflag:s7], $0x2000  }
0x3d7: {  	s14 =	sld [smem:$0x7FB]  }
0x3d8: {  	[sflag:s7] =	ssyncset.done $0x0  }
0x3d9: {  	[sflag:s7] =	ssyncadd.s32 $0xFFFFE000  }
0x3da: {  	[tilespmem:s25], [sflag:$0x5] =	stream.indirect.gather [hbm4b:s4+s20], $0x80, s14, s20, $0xb8;
	v63 =	vld [tilespmem:$0x0]  }
0x3db: {  	_ =	swait.ge [sflag:s26], $0x2000  }
0x3dc: {  	s15 =	sld [smem:$0x7FC]  }
0x3dd: {  	[sflag:s26] =	ssyncset.done $0x0  }
0x3de: {  	[sflag:s26] =	ssyncadd.s32 $0xFFFFE000  }
0x3df: {  	[spmem:s2] =	stream.indirect.scatter.add.f32 [tilespmem:s21], [sflag:$0x7], $0x80, s15, s20, $0xb8;
	v63 =	vld [tilespmem:$0x0]  }
0x3e0: {  	_ =	swait.ge [sflag:s28], $0x2000  }
0x3e1: {  	s16 =	sld [smem:$0x7FD]  }
0x3e2: {  	[sflag:s28] =	ssyncset.done $0x0  }
0x3e3: {  	[sflag:s28] =	ssyncadd.s32 $0xFFFFE000  }
0x3e4: {  	[tilespmem:s17], [sflag:$0x1] =	stream.indirect.gather [hbm4b:s4+s20], $0x80, s16, s20, $0xb8;
	v63 =	vld [tilespmem:$0x0]  }
0x3e5: {  	_ =	swait.ge [sflag:s29], $0x2000  }
0x3e6: {  	[sflag:s29] =	ssyncset.done $0x0  }
0x3e7: {  	[sflag:s29] =	ssyncadd.s32 $0xFFFFE000  }
0x3e8: {  	[spmem:s2] =	stream.indirect.scatter.add.f32 [tilespmem:s22], [sflag:$0x8], $0x80, s8, s20, $0xb8;
	v63 =	vld [tilespmem:$0x0]  }
0x3e9: {  	_ =	swait.ge [sflag:s30], $0x2000  }
0x3ea: {  	[sflag:s30] =	ssyncset.done $0x0  }
0x3eb: {  	[sflag:s30] =	ssyncadd.s32 $0xFFFFE000  }
0x3ec: {  	[tilespmem:s21], [sflag:$0x2] =	stream.indirect.gather [hbm4b:s4+s20], $0x80, s9, s20, $0xb8;
	v63 =	vld [tilespmem:$0x0]  }
0x3ed: {  	_ =	swait.ge [sflag:s31], $0x2000  }
0x3ee: {  	[sflag:s31] =	ssyncset.done $0x0  }
0x3ef: {  	[sflag:s31] =	ssyncadd.s32 $0xFFFFE000  }
0x3f0: {  	[spmem:s2] =	stream.indirect.scatter.add.f32 [tilespmem:s23], [sflag:$0x9], $0x80, s10, s20, $0xb8;
	v63 =	vld [tilespmem:$0x0]  }
0x3f1: {  	_ =	swait.ge [sflag:s0], $0x2000  }
0x3f2: {  	[sflag:s0] =	ssyncset.done $0x0  }
0x3f3: {  	[sflag:s0] =	ssyncadd.s32 $0xFFFFE000  }
0x3f4: {  	[spmem:s2] =	stream.indirect.scatter.add.f32 [tilespmem:s25], [sflag:$0xA], $0x80, s11, s20, $0xb8;
	v63 =	vld [tilespmem:$0x0]  }
0x3f5: {  	_ =	swait.ge [sflag:s24], $0x2000  }
0x3f6: {  	[sflag:s24] =	ssyncset.done $0x0  }
0x3f7: {  	[sflag:s24] =	ssyncadd.s32 $0xFFFFE000  }
0x3f8: {  	[spmem:s2] =	stream.indirect.scatter.add.f32 [tilespmem:s17], [sflag:$0x6], $0x80, s12, s20, $0xb8;
	v63 =	vld [tilespmem:$0x0]  }
0x3f9: {  	_ =	swait.ge [sflag:s26], $0x2000  }
0x3fa: {  	[sflag:s26] =	ssyncset.done $0x0  }
0x3fb: {  	[sflag:s26] =	ssyncadd.s32 $0xFFFFE000  }
0x3fc: {  	[spmem:s2] =	stream.indirect.scatter.add.f32 [tilespmem:s21], [sflag:$0x7], $0x80, s13, s20, $0xb8;
	v63 =	vld [tilespmem:$0x0]  }
0x3fd: {  	_ =	swait.ge [sflag:s1], $0x2000  }
0x3fe: {  	[sflag:s1] =	ssyncset.done $0x0  }
0x3ff: {  	[sflag:s1] =	ssyncadd.s32 $0xFFFFE000  }
0x400: {  	_ =	swait.ge [sflag:s6], $0x2000  }
0x401: {  	[sflag:s6] =	ssyncset.done $0x0  }
0x402: {  	[sflag:s6] =	ssyncadd.s32 $0xFFFFE000  }
0x403: {  	_ =	swait.ge [sflag:s7], $0x2000  }
0x404: {  	[sflag:s7] =	ssyncset.done $0x0  }
0x405: {  	[sflag:s7] =	ssyncadd.s32 $0xFFFFE000  }
0x406: {  	_ =	swait.ge [sflag:s28], $0x2000  }
0x407: {  	[sflag:s28] =	ssyncset.done $0x0  }
0x408: {  	[sflag:s28] =	ssyncadd.s32 $0xFFFFE000  }
0x409: {  	_ =	swait.ge [sflag:s30], $0x2000  }
0x40a: {  	[sflag:s30] =	ssyncset.done $0x0  }
0x40b: {  	[sflag:s30] =	ssyncadd.s32 $0xFFFFE000  }
0x40c: {  	[bflag:$0x0] =	sbarrier.arrive $0xFFFF  }
0x40d: {  	s15 =	sld [smem:$0x7F2]  }
0x40e: {  	s14 =	stileid.u32;
	s16 =	sld [smem:$0x7DE]  }
0x40f: {  	s5 =	sshll.u32 s14, $0x6  }
0x410: {  	s5 =	sor.u32 $0x1C0B, s5;
	s14 =	sshrl.u32 s15, $0x3  }
0x411: {  	[hbm:s16], [sflag:s5] =	dma.local [spmem:s14], $0x2800  }
0x412: {  	_ =	swait.ge [sflag:s18], $0x2800  }
0x413: {  	s15 =	sld [smem:$0x7D3]  }
0x414: {  	s16 =	sld [smem:$0x7E0];
	_ =	sdelay $0x1  }
0x415: {  	s14 =	sadd.s32 $0x1, s15  }
0x416: {  	p0 =	sne.s32 s14, s16  }
.Ltmp2:
0x417: {  	_ = 	snop;
	(pc) =	sbr.rel @p0 .LBB2_1-.Ltmp2, $3  }
0x418: {  	_ =	sdelay $0x1  }
0x419: {  	[sflag:s18] =	ssyncset.done $0x0  }
0x41a: {  	[sflag:s18] =	ssyncadd.s32 $0xFFFFD800  }
0x41b: {  	_ =	sfence.sel $0x180000  }
0x41c: {  	[bflag:$0x0] =	sbarrier.arrive $0xFFFF  }
0x41d: {  	_ =	strace $0x9000004A  }
0x41e: {  	s0 =	stileid.u32;
	[bflag:$0x2] =	sbarrier.arrive $0xFFFF  }
0x41f: {  	p0 =	sne.s32 s0, $0x0;
	s0 =	rddreg [dreg:$0x3]  }
0x420: {  	s0 =	sadd.s32 @!p0 $0x100000, s0  }
0x421: {  	[sflag:s0] =	ssyncadd.tile.s32 @!p0 $0x1;
	_ =	shalt  }
.Lfunc_end2:
_tile_overlayer_lowered:
.L_overlay_start_2:
0x422: {  	(tag) =	ssettag $0x2  }
0x423: {  	s0 =	rddreg [dreg:$0x0];
	s2 =	stileid.u32  }
0x424: {  	s1 =	rddreg [dreg:$0x1];
	p0 =	sne.s32 s2, $0x0  }
0x425: {  	s3 =	rddreg [dreg:$0x2];
	[bflag:$0x3] =	sbarrier.arrive $0xFFFF;
	s2 =	simm.s32 @!p0 $0x1C0B  }
0x426: {  	[timem:s3], [sflag:s2] =	dma.local @!p0 [hbm:s0], s1  }
0x427: {  	s0 =	simm.s32 @!p0 $0xB  }
0x428: {  	_ =	swait.ge @!p0 [sflag:s0], s1  }
0x429: {  	s1 =	ssub.s32 @!p0 $0x0, s1;
	[sflag:s0] =	ssyncset.done @!p0 $0x0  }
0x42a: {  	[sflag:s0] =	ssyncadd.s32 @!p0 s1  }
0x42b: {  	[bflag:$0x3] =	sbarrier.arrive $0xFFFF  }
0x42c: {  	_ =	shalt  }

</sc_bundles>
